<compile_context>
chip_gen: v7x
topology: tpu7x:2x2x1
jax: 0.10.2.dev20260603
libtpu: 0.0.44.dev20260713+nightly
codegen_flags: <defaults>
</compile_context>

<pallas_src>
import functools

import jax
import jax.numpy as jnp
from jax import lax
from jax.experimental import pallas as pl
from jax.experimental.pallas import tpu as pltpu
from jax.experimental.pallas import tpu_sc as plsc

N = 10000
E = 320000
EL = 65536
D = 128
F2 = 128
NC_OUT = 16

NCORES = 2
NSUB = 16
NW = NCORES * NSUB
ECHUNK = 128
NCHUNK = 79
EPAD = NW * NCHUNK * ECHUNK
NPAD = N + 112
PPW = EL // NW
PCH = PPW // ECHUNK

_sc_mesh = plsc.VectorSubcoreMesh(core_axis_name="c", subcore_axis_name="s")



@functools.partial(
    pl.kernel,
    out_type=jax.ShapeDtypeStruct((NCORES * N,), jnp.float32),
    mesh=_sc_mesh,
    scratch_types=[
        pltpu.VMEM((NCHUNK, ECHUNK), jnp.int32),
        pltpu.VMEM((ECHUNK,), jnp.float32),
        pltpu.VMEM((NPAD,), jnp.float32),
        pltpu.VMEM_SHARED((NPAD,), jnp.float32),
    ],
)
def _deg_hist(dst_hbm, out_hbm, didx, ones_v, tmp_v, deg_sh):
    c = lax.axis_index("c")
    s = lax.axis_index("s")
    wid = s * NCORES + c

    @pl.when(s == 0)
    def _():
        def zloop(j, carry):
            tmp_v[pl.ds(j * 16, 16)] = jnp.zeros((16,), jnp.float32)
            return carry
        lax.fori_loop(0, NPAD // 16, zloop, 0)
        pltpu.sync_copy(tmp_v, deg_sh)

    plsc.subcore_barrier()
    pltpu.sync_copy(dst_hbm.at[wid], didx)
    for i in range(ECHUNK // 16):
        ones_v[pl.ds(i * 16, 16)] = jnp.full((16,), 1.0, jnp.float32)

    def chunk(j, carry):
        pltpu.sync_copy(ones_v, deg_sh.at[didx.at[j]], add=True)
        return carry

    lax.fori_loop(0, NCHUNK, chunk, 0)
    plsc.subcore_barrier()

    @pl.when(s == 0)
    def _():
        pltpu.sync_copy(deg_sh.at[pl.ds(0, N)], tmp_v.at[pl.ds(0, N)])
        pltpu.sync_copy(tmp_v.at[pl.ds(0, N)], out_hbm.at[pl.ds(c * N, N)])



_BLK = 1000


def _scale_body(degT_ref, x_ref, w_ref, xs_ref, dinv_ref):
    deg = degT_ref[...]
    dinv = lax.rsqrt(deg[:, 0:1] + deg[:, 1:2] + 1.0)
    xw = jnp.dot(x_ref[...], w_ref[...], preferred_element_type=jnp.float32)
    xs_ref[...] = xw * dinv
    dinv_ref[...] = dinv


_scale = pl.pallas_call(
    _scale_body,
    grid=(N // _BLK,),
    in_specs=[
        pl.BlockSpec((_BLK, 2), lambda i: (i, 0)),
        pl.BlockSpec((_BLK, D), lambda i: (i, 0)),
        pl.BlockSpec((D, D), lambda i: (0, 0)),
    ],
    out_specs=[
        pl.BlockSpec((_BLK, D), lambda i: (i, 0)),
        pl.BlockSpec((_BLK, 1), lambda i: (i, 0)),
    ],
    out_shape=[
        jax.ShapeDtypeStruct((N, D), jnp.float32),
        jax.ShapeDtypeStruct((N, 1), jnp.float32),
    ],
)



@functools.partial(
    pl.kernel,
    out_type=jax.ShapeDtypeStruct((NCORES * NPAD, D), jnp.float32),
    mesh=_sc_mesh,
    scratch_types=[
        pltpu.VMEM((NCHUNK, ECHUNK), jnp.int32),
        pltpu.VMEM((NCHUNK, ECHUNK), jnp.int32),
        pltpu.VMEM((ECHUNK, D), jnp.float32),
        pltpu.VMEM_SHARED((NPAD, D), jnp.float32),
    ],
)
def _edge_agg(src_hbm, dst_hbm, xs_hbm, zeros_hbm, out_hbm, sidx, didx, rows_v, agg_sh):
    c = lax.axis_index("c")
    s = lax.axis_index("s")
    wid = s * NCORES + c
    zrows = NPAD // NSUB
    pltpu.sync_copy(zeros_hbm.at[pl.ds(s * zrows, zrows)],
                    agg_sh.at[pl.ds(s * zrows, zrows)])
    plsc.subcore_barrier()
    pltpu.sync_copy(src_hbm.at[wid], sidx)
    pltpu.sync_copy(dst_hbm.at[wid], didx)

    def chunk(j, carry):
        pltpu.sync_copy(xs_hbm.at[sidx.at[j]], rows_v)
        pltpu.sync_copy(rows_v, agg_sh.at[didx.at[j]], add=True)
        return carry

    lax.fori_loop(0, NCHUNK, chunk, 0)
    plsc.subcore_barrier()
    pltpu.sync_copy(agg_sh.at[pl.ds(s * zrows, zrows)],
                    out_hbm.at[pl.ds(c * NPAD + s * zrows, zrows)])



def _gates_body(p0, p1, xs, dinv, wi, wc, wo, wl, bgcn, bci, bcc, bco,
                bi, bc2, bo, blin, z_ref):
    h = (p0[...] + p1[...] + xs[...]) * dinv[...] + bgcn[...]
    ig = jax.nn.sigmoid(jnp.dot(h, wi[...], preferred_element_type=jnp.float32)
                        + bci[...] + bi[...])
    tg = jnp.tanh(jnp.dot(h, wc[...], preferred_element_type=jnp.float32)
                  + bcc[...] + bc2[...])
    og = jax.nn.sigmoid(jnp.dot(h, wo[...], preferred_element_type=jnp.float32)
                        + bco[...] + bo[...])
    hh = og * jnp.tanh(ig * tg)
    r = jnp.maximum(hh, 0.0)
    zl = jnp.dot(r, wl[...], preferred_element_type=jnp.float32) + blin[...]
    m = jnp.max(zl, axis=1, keepdims=True)
    e = jnp.exp(zl - m)
    z = e / jnp.sum(e, axis=1, keepdims=True)
    z_ref[...] = jnp.concatenate(
        [z, jnp.zeros((_BLK, D - NC_OUT), jnp.float32)], axis=1)


def _row_spec(i):
    return (i, 0)


def _fix_spec(i):
    return (0, 0)


_gates = pl.pallas_call(
    _gates_body,
    grid=(N // _BLK,),
    in_specs=[
        pl.BlockSpec((_BLK, D), _row_spec),
        pl.BlockSpec((_BLK, D), _row_spec),
        pl.BlockSpec((_BLK, D), _row_spec),
        pl.BlockSpec((_BLK, 1), _row_spec),
        pl.BlockSpec((D, F2), _fix_spec),
        pl.BlockSpec((D, F2), _fix_spec),
        pl.BlockSpec((D, F2), _fix_spec),
        pl.BlockSpec((F2, NC_OUT), _fix_spec),
        pl.BlockSpec((1, D), _fix_spec),
        pl.BlockSpec((1, F2), _fix_spec),
        pl.BlockSpec((1, F2), _fix_spec),
        pl.BlockSpec((1, F2), _fix_spec),
        pl.BlockSpec((1, F2), _fix_spec),
        pl.BlockSpec((1, F2), _fix_spec),
        pl.BlockSpec((1, F2), _fix_spec),
        pl.BlockSpec((1, NC_OUT), _fix_spec),
    ],
    out_specs=pl.BlockSpec((_BLK, D), _row_spec),
    out_shape=jax.ShapeDtypeStruct((N, D), jnp.float32),
)



@functools.partial(
    pl.kernel,
    out_type=(jax.ShapeDtypeStruct((EL, D), jnp.float32),
              jax.ShapeDtypeStruct((EL, D), jnp.float32)),
    mesh=_sc_mesh,
    scratch_types=[
        pltpu.VMEM((PCH, ECHUNK), jnp.int32),
        pltpu.VMEM((PCH, ECHUNK), jnp.int32),
        pltpu.VMEM((ECHUNK, D), jnp.float32),
        pltpu.VMEM((ECHUNK, D), jnp.float32),
        pltpu.VMEM((ECHUNK, D), jnp.float32),
        pltpu.VMEM((ECHUNK, D), jnp.float32),
    ] + [pltpu.SemaphoreType.DMA] * 8,
)
def _decode(eli_hbm, z_hbm, zs_hbm, zd_hbm, si, di, zsv0, zsv1, zdv0, zdv1,
            gs0, gs1, gd0, gd1, ws0, ws1, wd0, wd1):
    zsb = (zsv0, zsv1)
    zdb = (zdv0, zdv1)
    gsem = ((gs0, gd0), (gs1, gd1))
    wsem = ((ws0, wd0), (ws1, wd1))
    c = lax.axis_index("c")
    s = lax.axis_index("s")
    wid = s * NCORES + c
    pltpu.sync_copy(eli_hbm.at[wid], si)
    pltpu.sync_copy(eli_hbm.at[NW + wid], di)

    def fire_gathers(k, b):
        pltpu.async_copy(z_hbm.at[si.at[k]], zsb[b], gsem[b][0])
        pltpu.async_copy(z_hbm.at[di.at[k]], zdb[b], gsem[b][1])

    def wait_gathers(b):
        pltpu.make_async_copy(z_hbm.at[pl.ds(0, ECHUNK)], zsb[b], gsem[b][0]).wait()
        pltpu.make_async_copy(z_hbm.at[pl.ds(0, ECHUNK)], zdb[b], gsem[b][1]).wait()

    def fire_wb(k, b):
        base = wid * PPW + k * ECHUNK
        pltpu.async_copy(zsb[b], zs_hbm.at[pl.ds(base, ECHUNK)], wsem[b][0])
        pltpu.async_copy(zdb[b], zd_hbm.at[pl.ds(base, ECHUNK)], wsem[b][1])

    def wait_wb(b):
        pltpu.make_async_copy(zsb[b], zs_hbm.at[pl.ds(0, ECHUNK)], wsem[b][0]).wait()
        pltpu.make_async_copy(zdb[b], zd_hbm.at[pl.ds(0, ECHUNK)], wsem[b][1]).wait()

    fire_gathers(0, 0)
    for k in range(PCH):
        b = k & 1
        if k + 1 < PCH:
            b1 = (k + 1) & 1
            if k >= 1:
                wait_wb(b1)
            fire_gathers(k + 1, b1)
        wait_gathers(b)
        fire_wb(k, b)
    wait_wb(0)
    wait_wb(1)



_RB = 8192


def _pair_body(zs_ref, zd_ref, o_ref):
    prod = zs_ref[...] * zd_ref[...]
    o_ref[...] = jnp.sum(prod, axis=1, keepdims=True)


_pair_reduce = pl.pallas_call(
    _pair_body,
    grid=(EL // _RB,),
    in_specs=[
        pl.BlockSpec((_RB, D), _row_spec),
        pl.BlockSpec((_RB, D), _row_spec),
    ],
    out_specs=pl.BlockSpec((_RB, 1), _row_spec),
    out_shape=jax.ShapeDtypeStruct((EL, 1), jnp.float32),
)



def kernel(x, edge_index, edge_label_index, W_gcn, b_gcn, W_i, W_f, W_c, W_o,
           Wc_i, Wc_f, Wc_c, Wc_o, bc_i, bc_f, bc_c, bc_o, b_i, b_f, b_c, b_o,
           W_lin, b_lin):
    pad = EPAD - E
    src3 = jnp.concatenate(
        [edge_index[0], jnp.zeros((pad,), jnp.int32)]).reshape(NW, NCHUNK, ECHUNK)
    dst3 = jnp.concatenate(
        [edge_index[1], jnp.full((pad,), N, jnp.int32)]).reshape(NW, NCHUNK, ECHUNK)
    eli3 = edge_label_index.reshape(2 * NW, PCH, ECHUNK)

    deg2 = _deg_hist(dst3).reshape(NCORES, N)
    xs, dinv = _scale(deg2.T, x, W_gcn)
    parts = _edge_agg(src3, dst3, xs, jnp.zeros((NPAD, D), jnp.float32))
    p0 = parts[:N]
    p1 = parts[NPAD:NPAD + N]
    z = _gates(p0, p1, xs, dinv, W_i, W_c, W_o, W_lin,
               b_gcn.reshape(1, D), bc_i.reshape(1, F2), bc_c.reshape(1, F2),
               bc_o.reshape(1, F2), b_i, b_c, b_o, b_lin.reshape(1, NC_OUT))
    zs_g, zd_g = _decode(eli3, z)
    return _pair_reduce(zs_g, zd_g).reshape(EL)

# --- scband reference (transcript-rebuilt; emitter-appended) ---
"""Pipeline reference for scband-gclstm-rgcn-89008902243176 (READ-ONLY COPY).

The authoritative reference and input builder live on the scoring server;
editing this copy changes nothing except your own understanding.
"""

import jax, jax.numpy as jnp
import numpy as np

N = 10000
E = 320000
EL = 65536
D = 128
F2 = 128
NC = 16

def gcn_conv(x, edge_index, W, b):
    n = x.shape[0]
    loops = jnp.arange(n, dtype=edge_index.dtype)
    src = jnp.concatenate([edge_index[0], loops])
    dst = jnp.concatenate([edge_index[1], loops])
    deg = jnp.zeros((n,), dtype=x.dtype).at[dst].add(jnp.ones_like(src, dtype=x.dtype))
    dinv = jnp.where(deg > 0, deg ** -0.5, 0.0)
    norm = dinv[src] * dinv[dst]
    xw = x @ W
    out = jnp.zeros((n, W.shape[1]), dtype=x.dtype).at[dst].add(xw[src] * norm[:, None])
    return out + b

def setup_inputs(seed: int = 0):
    key = jax.random.key(seed)
    ks = jax.random.split(key, 16)
    s = 0.05
    inp = {}
    inp['x'] = jax.random.normal(ks[0], (N, D), dtype=jnp.float32)
    inp['edge_index'] = jax.random.randint(ks[1], (2, E), 0, N, dtype=jnp.int32)
    inp['edge_label_index'] = jax.random.randint(ks[2], (2, EL), 0, N, dtype=jnp.int32)
    inp['W_gcn'] = jax.random.normal(ks[3], (D, D), dtype=jnp.float32) * s
    inp['b_gcn'] = jnp.zeros((D,), dtype=jnp.float32)
    inp['W_i'] = jax.random.normal(ks[4], (D, F2), dtype=jnp.float32) * s
    inp['W_f'] = jax.random.normal(ks[5], (D, F2), dtype=jnp.float32) * s
    inp['W_c'] = jax.random.normal(ks[6], (D, F2), dtype=jnp.float32) * s
    inp['W_o'] = jax.random.normal(ks[7], (D, F2), dtype=jnp.float32) * s
    inp['Wc_i'] = jax.random.normal(ks[8], (F2, F2), dtype=jnp.float32) * s
    inp['Wc_f'] = jax.random.normal(ks[9], (F2, F2), dtype=jnp.float32) * s
    inp['Wc_c'] = jax.random.normal(ks[10], (F2, F2), dtype=jnp.float32) * s
    inp['Wc_o'] = jax.random.normal(ks[11], (F2, F2), dtype=jnp.float32) * s
    inp['bc_i'] = jnp.zeros((F2,), dtype=jnp.float32)
    inp['bc_f'] = jnp.zeros((F2,), dtype=jnp.float32)
    inp['bc_c'] = jnp.zeros((F2,), dtype=jnp.float32)
    inp['bc_o'] = jnp.zeros((F2,), dtype=jnp.float32)
    inp['b_i'] = jnp.zeros((1, F2), dtype=jnp.float32)
    inp['b_f'] = jnp.zeros((1, F2), dtype=jnp.float32)
    inp['b_c'] = jnp.zeros((1, F2), dtype=jnp.float32)
    inp['b_o'] = jnp.zeros((1, F2), dtype=jnp.float32)
    inp['W_lin'] = jax.random.normal(ks[12], (F2, NC), dtype=jnp.float32) * s
    inp['b_lin'] = jnp.zeros((NC,), dtype=jnp.float32)
    return inp

def reference(x, edge_index, edge_label_index, W_gcn, b_gcn, W_i, W_f, W_c, W_o, Wc_i, Wc_f, Wc_c, Wc_o, bc_i, bc_f, bc_c, bc_o, b_i, b_f, b_c, b_o, W_lin, b_lin):
    # encode: GCNConv -> GCLSTM (K=1, so ChebConv degenerates to a linear layer) -> relu -> linear -> softmax
    h = gcn_conv(x, edge_index, W_gcn, b_gcn)
    H0 = jnp.zeros((h.shape[0], F2), dtype=h.dtype)
    C0 = jnp.zeros((h.shape[0], F2), dtype=h.dtype)
    I = jax.nn.sigmoid(h @ W_i + (H0 @ Wc_i + bc_i) + b_i)
    Fg = jax.nn.sigmoid(h @ W_f + (H0 @ Wc_f + bc_f) + b_f)
    T = jnp.tanh(h @ W_c + (H0 @ Wc_c + bc_c) + b_c)
    C = Fg * C0 + I * T
    O = jax.nn.sigmoid(h @ W_o + (H0 @ Wc_o + bc_o) + b_o)
    H = O * jnp.tanh(C)
    z = jax.nn.relu(H) @ W_lin + b_lin
    z = jax.nn.softmax(z, axis=1)
    # decode: dot-product link prediction on edge_label_index
    zs = z[edge_label_index[0]]
    zd = z[edge_label_index[1]]
    return (zs * zd).sum(axis=-1)

if __name__ == "__main__":
    import jax
    _d = setup_inputs()
    print(jax.jit(kernel)(*tuple(_d.values())))

</pallas_src>

<mosaic_0001>
#map = affine_map<(d0, d1) -> (0, 0, 0)>
#map1 = affine_map<(d0, d1) -> (0, 0)>
module attributes {stable_mosaic.version = 14 : i64} {
  func.func @_decode(%arg0: i32, %arg1: i32, %arg2: memref<64x16x128xi32, #tpu.memory_space<hbm>>, %arg3: memref<10000x128xf32, #tpu.memory_space<hbm>>, %arg4: memref<65536x128xf32, #tpu.memory_space<hbm>>, %arg5: memref<65536x128xf32, #tpu.memory_space<hbm>>, %arg6: memref<16x128xi32, #tpu.memory_space<vmem>>, %arg7: memref<16x128xi32, #tpu.memory_space<vmem>>, %arg8: memref<128x128xf32, #tpu.memory_space<vmem>>, %arg9: memref<128x128xf32, #tpu.memory_space<vmem>>, %arg10: memref<128x128xf32, #tpu.memory_space<vmem>>, %arg11: memref<128x128xf32, #tpu.memory_space<vmem>>, %arg12: memref<!tpu.dma_semaphore, #tpu.memory_space<semaphore_mem>>, %arg13: memref<!tpu.dma_semaphore, #tpu.memory_space<semaphore_mem>>, %arg14: memref<!tpu.dma_semaphore, #tpu.memory_space<semaphore_mem>>, %arg15: memref<!tpu.dma_semaphore, #tpu.memory_space<semaphore_mem>>, %arg16: memref<!tpu.dma_semaphore, #tpu.memory_space<semaphore_mem>>, %arg17: memref<!tpu.dma_semaphore, #tpu.memory_space<semaphore_mem>>, %arg18: memref<!tpu.dma_semaphore, #tpu.memory_space<semaphore_mem>>, %arg19: memref<!tpu.dma_semaphore, #tpu.memory_space<semaphore_mem>>) attributes {dimension_semantics = [#tpu.dimension_semantics<core_parallel>, #tpu.dimension_semantics<subcore_parallel>], iteration_bounds = array<i64: 2, 16>, scalar_prefetch = 0 : i64, scratch_operands = 14 : i64, tpu.core_type = #tpu.core_type<sc_vector_subcore>, window_params = [{transform_indices = #map}, {transform_indices = #map1}, {transform_indices = #map1}, {transform_indices = #map1}]} {
    %mul3A = arith.constant 2 : i32
    %mul3A_0 = arith.muli %arg1, %mul3A : i32
    %add3A = arith.addi %mul3A_0, %arg0 : i32
    "tpu.region"() ({
      %run_scoped3A = tpu.sem_alloc : memref<!tpu.dma_semaphore, #tpu.memory_space<semaphore_mem>>
      %dma_start3A_801 = arith.constant 0 : i32
      %dma_start3A_802 = arith.constant 0 : i32
      %dma_start3A_803 = tpu.memref_slice %arg2[%add3A, %dma_start3A_801, %dma_start3A_802] : memref<64x16x128xi32, #tpu.memory_space<hbm>> -> memref<1x16x128xi32, #tpu.memory_space<hbm>>
      %dma_start3A_804 = tpu.memref_squeeze %dma_start3A_803 : memref<1x16x128xi32, #tpu.memory_space<hbm>> -> memref<16x128xi32, #tpu.memory_space<hbm>>
      %dma_start3A_805 = arith.constant 0 : i32
      %dma_start3A_806 = arith.constant 0 : i32
      %dma_start3A_807 = tpu.memref_slice %arg2[%add3A, %dma_start3A_805, %dma_start3A_806] : memref<64x16x128xi32, #tpu.memory_space<hbm>> -> memref<1x16x128xi32, #tpu.memory_space<hbm>>
      %dma_start3A_808 = tpu.memref_squeeze %dma_start3A_807 : memref<1x16x128xi32, #tpu.memory_space<hbm>> -> memref<16x128xi32, #tpu.memory_space<hbm>>
      tpu.enqueue_dma source(%dma_start3A_808 : memref<16x128xi32, #tpu.memory_space<hbm>>) target(%arg6 : memref<16x128xi32, #tpu.memory_space<vmem>>) target_semaphore(%run_scoped3A : memref<!tpu.dma_semaphore, #tpu.memory_space<semaphore_mem>>)
      %dma_wait3A_809 = arith.constant 0 : i32
      %dma_wait3A_810 = arith.constant 0 : i32
      %dma_wait3A_811 = tpu.memref_slice %arg2[%add3A, %dma_wait3A_809, %dma_wait3A_810] : memref<64x16x128xi32, #tpu.memory_space<hbm>> -> memref<1x16x128xi32, #tpu.memory_space<hbm>>
      %dma_wait3A_812 = tpu.memref_squeeze %dma_wait3A_811 : memref<1x16x128xi32, #tpu.memory_space<hbm>> -> memref<16x128xi32, #tpu.memory_space<hbm>>
      %dma_wait3A_813 = arith.constant 0 : i32
      %dma_wait3A_814 = arith.constant 0 : i32
      %dma_wait3A_815 = tpu.memref_slice %arg2[%add3A, %dma_wait3A_813, %dma_wait3A_814] : memref<64x16x128xi32, #tpu.memory_space<hbm>> -> memref<1x16x128xi32, #tpu.memory_space<hbm>>
      %dma_wait3A_816 = tpu.memref_squeeze %dma_wait3A_815 : memref<1x16x128xi32, #tpu.memory_space<hbm>> -> memref<16x128xi32, #tpu.memory_space<hbm>>
      tpu.wait_dma2 semaphore(%run_scoped3A : memref<!tpu.dma_semaphore, #tpu.memory_space<semaphore_mem>>) src(%dma_wait3A_816 : memref<16x128xi32, #tpu.memory_space<hbm>>) dst(%arg6 : memref<16x128xi32, #tpu.memory_space<vmem>>)
      tpu.yield
    }) : () -> ()
    %add3A_1 = arith.constant 32 : i32
    %add3A_2 = arith.addi %add3A_1, %add3A : i32
    "tpu.region"() ({
      %run_scoped3A = tpu.sem_alloc : memref<!tpu.dma_semaphore, #tpu.memory_space<semaphore_mem>>
      %dma_start3A_801 = arith.constant 0 : i32
      %dma_start3A_802 = arith.constant 0 : i32
      %dma_start3A_803 = tpu.memref_slice %arg2[%add3A_2, %dma_start3A_801, %dma_start3A_802] : memref<64x16x128xi32, #tpu.memory_space<hbm>> -> memref<1x16x128xi32, #tpu.memory_space<hbm>>
      %dma_start3A_804 = tpu.memref_squeeze %dma_start3A_803 : memref<1x16x128xi32, #tpu.memory_space<hbm>> -> memref<16x128xi32, #tpu.memory_space<hbm>>
      %dma_start3A_805 = arith.constant 0 : i32
      %dma_start3A_806 = arith.constant 0 : i32
      %dma_start3A_807 = tpu.memref_slice %arg2[%add3A_2, %dma_start3A_805, %dma_start3A_806] : memref<64x16x128xi32, #tpu.memory_space<hbm>> -> memref<1x16x128xi32, #tpu.memory_space<hbm>>
      %dma_start3A_808 = tpu.memref_squeeze %dma_start3A_807 : memref<1x16x128xi32, #tpu.memory_space<hbm>> -> memref<16x128xi32, #tpu.memory_space<hbm>>
      tpu.enqueue_dma source(%dma_start3A_808 : memref<16x128xi32, #tpu.memory_space<hbm>>) target(%arg7 : memref<16x128xi32, #tpu.memory_space<vmem>>) target_semaphore(%run_scoped3A : memref<!tpu.dma_semaphore, #tpu.memory_space<semaphore_mem>>)
      %dma_wait3A_809 = arith.constant 0 : i32
      %dma_wait3A_810 = arith.constant 0 : i32
      %dma_wait3A_811 = tpu.memref_slice %arg2[%add3A_2, %dma_wait3A_809, %dma_wait3A_810] : memref<64x16x128xi32, #tpu.memory_space<hbm>> -> memref<1x16x128xi32, #tpu.memory_space<hbm>>
      %dma_wait3A_812 = tpu.memref_squeeze %dma_wait3A_811 : memref<1x16x128xi32, #tpu.memory_space<hbm>> -> memref<16x128xi32, #tpu.memory_space<hbm>>
      %dma_wait3A_813 = arith.constant 0 : i32
      %dma_wait3A_814 = arith.constant 0 : i32
      %dma_wait3A_815 = tpu.memref_slice %arg2[%add3A_2, %dma_wait3A_813, %dma_wait3A_814] : memref<64x16x128xi32, #tpu.memory_space<hbm>> -> memref<1x16x128xi32, #tpu.memory_space<hbm>>
      %dma_wait3A_816 = tpu.memref_squeeze %dma_wait3A_815 : memref<1x16x128xi32, #tpu.memory_space<hbm>> -> memref<16x128xi32, #tpu.memory_space<hbm>>
      tpu.wait_dma2 semaphore(%run_scoped3A : memref<!tpu.dma_semaphore, #tpu.memory_space<semaphore_mem>>) src(%dma_wait3A_816 : memref<16x128xi32, #tpu.memory_space<hbm>>) dst(%arg7 : memref<16x128xi32, #tpu.memory_space<vmem>>)
      tpu.yield
    }) : () -> ()
    %dma_start3A = arith.constant 0 : i32
    %dma_start3A_3 = arith.constant 0 : i32
    %dma_start3A_4 = tpu.memref_slice %arg6[%dma_start3A, %dma_start3A_3] : memref<16x128xi32, #tpu.memory_space<vmem>> -> memref<1x128xi32, #tpu.memory_space<vmem>>
    %dma_start3A_5 = tpu.memref_squeeze %dma_start3A_4 : memref<1x128xi32, #tpu.memory_space<vmem>> -> memref<128xi32, #tpu.memory_space<vmem>>
    %dma_start3A_6 = arith.constant 0 : i32
    %dma_start3A_7 = arith.constant 0 : i32
    %dma_start3A_8 = tpu.memref_slice %arg3[%dma_start3A_6, %dma_start3A_7] : memref<10000x128xf32, #tpu.memory_space<hbm>> -> memref<10000x128xf32, #tpu.memory_space<hbm>>
    tpu.enqueue_indirect_dma source(%dma_start3A_8 : memref<10000x128xf32, #tpu.memory_space<hbm>>) target(%arg8 : memref<128x128xf32, #tpu.memory_space<vmem>>) offsets(%dma_start3A_5 : memref<128xi32, #tpu.memory_space<vmem>>) semaphore(%arg12 : memref<!tpu.dma_semaphore, #tpu.memory_space<semaphore_mem>>)
    %dma_start3A_9 = arith.constant 0 : i32
    %dma_start3A_10 = arith.constant 0 : i32
    %dma_start3A_11 = tpu.memref_slice %arg7[%dma_start3A_9, %dma_start3A_10] : memref<16x128xi32, #tpu.memory_space<vmem>> -> memref<1x128xi32, #tpu.memory_space<vmem>>
    %dma_start3A_12 = tpu.memref_squeeze %dma_start3A_11 : memref<1x128xi32, #tpu.memory_space<vmem>> -> memref<128xi32, #tpu.memory_space<vmem>>
    %dma_start3A_13 = arith.constant 0 : i32
    %dma_start3A_14 = arith.constant 0 : i32
    %dma_start3A_15 = tpu.memref_slice %arg3[%dma_start3A_13, %dma_start3A_14] : memref<10000x128xf32, #tpu.memory_space<hbm>> -> memref<10000x128xf32, #tpu.memory_space<hbm>>
    tpu.enqueue_indirect_dma source(%dma_start3A_15 : memref<10000x128xf32, #tpu.memory_space<hbm>>) target(%arg10 : memref<128x128xf32, #tpu.memory_space<vmem>>) offsets(%dma_start3A_12 : memref<128xi32, #tpu.memory_space<vmem>>) semaphore(%arg14 : memref<!tpu.dma_semaphore, #tpu.memory_space<semaphore_mem>>)
    %dma_start3A_16 = arith.constant 1 : i32
    %dma_start3A_17 = arith.constant 0 : i32
    %dma_start3A_18 = tpu.memref_slice %arg6[%dma_start3A_16, %dma_start3A_17] : memref<16x128xi32, #tpu.memory_space<vmem>> -> memref<1x128xi32, #tpu.memory_space<vmem>>
    %dma_start3A_19 = tpu.memref_squeeze %dma_start3A_18 : memref<1x128xi32, #tpu.memory_space<vmem>> -> memref<128xi32, #tpu.memory_space<vmem>>
    %dma_start3A_20 = arith.constant 0 : i32
    %dma_start3A_21 = arith.constant 0 : i32
    %dma_start3A_22 = tpu.memref_slice %arg3[%dma_start3A_20, %dma_start3A_21] : memref<10000x128xf32, #tpu.memory_space<hbm>> -> memref<10000x128xf32, #tpu.memory_space<hbm>>
    tpu.enqueue_indirect_dma source(%dma_start3A_22 : memref<10000x128xf32, #tpu.memory_space<hbm>>) target(%arg9 : memref<128x128xf32, #tpu.memory_space<vmem>>) offsets(%dma_start3A_19 : memref<128xi32, #tpu.memory_space<vmem>>) semaphore(%arg13 : memref<!tpu.dma_semaphore, #tpu.memory_space<semaphore_mem>>)
    %dma_start3A_23 = arith.constant 1 : i32
    %dma_start3A_24 = arith.constant 0 : i32
    %dma_start3A_25 = tpu.memref_slice %arg7[%dma_start3A_23, %dma_start3A_24] : memref<16x128xi32, #tpu.memory_space<vmem>> -> memref<1x128xi32, #tpu.memory_space<vmem>>
    %dma_start3A_26 = tpu.memref_squeeze %dma_start3A_25 : memref<1x128xi32, #tpu.memory_space<vmem>> -> memref<128xi32, #tpu.memory_space<vmem>>
    %dma_start3A_27 = arith.constant 0 : i32
    %dma_start3A_28 = arith.constant 0 : i32
    %dma_start3A_29 = tpu.memref_slice %arg3[%dma_start3A_27, %dma_start3A_28] : memref<10000x128xf32, #tpu.memory_space<hbm>> -> memref<10000x128xf32, #tpu.memory_space<hbm>>
    tpu.enqueue_indirect_dma source(%dma_start3A_29 : memref<10000x128xf32, #tpu.memory_space<hbm>>) target(%arg11 : memref<128x128xf32, #tpu.memory_space<vmem>>) offsets(%dma_start3A_26 : memref<128xi32, #tpu.memory_space<vmem>>) semaphore(%arg15 : memref<!tpu.dma_semaphore, #tpu.memory_space<semaphore_mem>>)
    %dma_wait3A = arith.constant 0 : i32
    %dma_wait3A_30 = arith.constant 0 : i32
    %dma_wait3A_31 = tpu.memref_slice %arg3[%dma_wait3A, %dma_wait3A_30] : memref<10000x128xf32, #tpu.memory_space<hbm>> -> memref<128x128xf32, #tpu.memory_space<hbm>>
    %dma_wait3A_32 = arith.constant 0 : i32
    %dma_wait3A_33 = arith.constant 0 : i32
    %dma_wait3A_34 = tpu.memref_slice %arg3[%dma_wait3A_32, %dma_wait3A_33] : memref<10000x128xf32, #tpu.memory_space<hbm>> -> memref<128x128xf32, #tpu.memory_space<hbm>>
    tpu.wait_dma2 semaphore(%arg12 : memref<!tpu.dma_semaphore, #tpu.memory_space<semaphore_mem>>) src(%dma_wait3A_34 : memref<128x128xf32, #tpu.memory_space<hbm>>) dst(%arg8 : memref<128x128xf32, #tpu.memory_space<vmem>>)
    %dma_wait3A_35 = arith.constant 0 : i32
    %dma_wait3A_36 = arith.constant 0 : i32
    %dma_wait3A_37 = tpu.memref_slice %arg3[%dma_wait3A_35, %dma_wait3A_36] : memref<10000x128xf32, #tpu.memory_space<hbm>> -> memref<128x128xf32, #tpu.memory_space<hbm>>
    %dma_wait3A_38 = arith.constant 0 : i32
    %dma_wait3A_39 = arith.constant 0 : i32
    %dma_wait3A_40 = tpu.memref_slice %arg3[%dma_wait3A_38, %dma_wait3A_39] : memref<10000x128xf32, #tpu.memory_space<hbm>> -> memref<128x128xf32, #tpu.memory_space<hbm>>
    tpu.wait_dma2 semaphore(%arg14 : memref<!tpu.dma_semaphore, #tpu.memory_space<semaphore_mem>>) src(%dma_wait3A_40 : memref<128x128xf32, #tpu.memory_space<hbm>>) dst(%arg10 : memref<128x128xf32, #tpu.memory_space<vmem>>)
    %mul3A_41 = arith.constant 2048 : i32
    %mul3A_42 = arith.muli %add3A, %mul3A_41 : i32
    %add3A_43 = arith.constant 0 : i32
    %add3A_44 = arith.addi %mul3A_42, %add3A_43 : i32
    %dma_start3A_45 = arith.constant 0 : i32
    %dma_start3A_46 = tpu.memref_slice %arg4[%add3A_44, %dma_start3A_45] : memref<65536x128xf32, #tpu.memory_space<hbm>> -> memref<128x128xf32, #tpu.memory_space<hbm>>
    %dma_start3A_47 = arith.constant 0 : i32
    %dma_start3A_48 = tpu.memref_slice %arg4[%add3A_44, %dma_start3A_47] : memref<65536x128xf32, #tpu.memory_space<hbm>> -> memref<128x128xf32, #tpu.memory_space<hbm>>
    tpu.enqueue_dma source(%arg8 : memref<128x128xf32, #tpu.memory_space<vmem>>) target(%dma_start3A_48 : memref<128x128xf32, #tpu.memory_space<hbm>>) target_semaphore(%arg16 : memref<!tpu.dma_semaphore, #tpu.memory_space<semaphore_mem>>)
    %dma_start3A_49 = arith.constant 0 : i32
    %dma_start3A_50 = tpu.memref_slice %arg5[%add3A_44, %dma_start3A_49] : memref<65536x128xf32, #tpu.memory_space<hbm>> -> memref<128x128xf32, #tpu.memory_space<hbm>>
    %dma_start3A_51 = arith.constant 0 : i32
    %dma_start3A_52 = tpu.memref_slice %arg5[%add3A_44, %dma_start3A_51] : memref<65536x128xf32, #tpu.memory_space<hbm>> -> memref<128x128xf32, #tpu.memory_space<hbm>>
    tpu.enqueue_dma source(%arg10 : memref<128x128xf32, #tpu.memory_space<vmem>>) target(%dma_start3A_52 : memref<128x128xf32, #tpu.memory_space<hbm>>) target_semaphore(%arg18 : memref<!tpu.dma_semaphore, #tpu.memory_space<semaphore_mem>>)
    %dma_wait3A_53 = arith.constant 0 : i32
    %dma_wait3A_54 = arith.constant 0 : i32
    %dma_wait3A_55 = tpu.memref_slice %arg4[%dma_wait3A_53, %dma_wait3A_54] : memref<65536x128xf32, #tpu.memory_space<hbm>> -> memref<128x128xf32, #tpu.memory_space<hbm>>
    %dma_wait3A_56 = arith.constant 0 : i32
    %dma_wait3A_57 = arith.constant 0 : i32
    %dma_wait3A_58 = tpu.memref_slice %arg4[%dma_wait3A_56, %dma_wait3A_57] : memref<65536x128xf32, #tpu.memory_space<hbm>> -> memref<128x128xf32, #tpu.memory_space<hbm>>
    tpu.wait_dma2 semaphore(%arg16 : memref<!tpu.dma_semaphore, #tpu.memory_space<semaphore_mem>>) src(%arg8 : memref<128x128xf32, #tpu.memory_space<vmem>>) dst(%dma_wait3A_58 : memref<128x128xf32, #tpu.memory_space<hbm>>)
    %dma_wait3A_59 = arith.constant 0 : i32
    %dma_wait3A_60 = arith.constant 0 : i32
    %dma_wait3A_61 = tpu.memref_slice %arg5[%dma_wait3A_59, %dma_wait3A_60] : memref<65536x128xf32, #tpu.memory_space<hbm>> -> memref<128x128xf32, #tpu.memory_space<hbm>>
    %dma_wait3A_62 = arith.constant 0 : i32
    %dma_wait3A_63 = arith.constant 0 : i32
    %dma_wait3A_64 = tpu.memref_slice %arg5[%dma_wait3A_62, %dma_wait3A_63] : memref<65536x128xf32, #tpu.memory_space<hbm>> -> memref<128x128xf32, #tpu.memory_space<hbm>>
    tpu.wait_dma2 semaphore(%arg18 : memref<!tpu.dma_semaphore, #tpu.memory_space<semaphore_mem>>) src(%arg10 : memref<128x128xf32, #tpu.memory_space<vmem>>) dst(%dma_wait3A_64 : memref<128x128xf32, #tpu.memory_space<hbm>>)
    %dma_start3A_65 = arith.constant 2 : i32
    %dma_start3A_66 = arith.constant 0 : i32
    %dma_start3A_67 = tpu.memref_slice %arg6[%dma_start3A_65, %dma_start3A_66] : memref<16x128xi32, #tpu.memory_space<vmem>> -> memref<1x128xi32, #tpu.memory_space<vmem>>
    %dma_start3A_68 = tpu.memref_squeeze %dma_start3A_67 : memref<1x128xi32, #tpu.memory_space<vmem>> -> memref<128xi32, #tpu.memory_space<vmem>>
    %dma_start3A_69 = arith.constant 0 : i32
    %dma_start3A_70 = arith.constant 0 : i32
    %dma_start3A_71 = tpu.memref_slice %arg3[%dma_start3A_69, %dma_start3A_70] : memref<10000x128xf32, #tpu.memory_space<hbm>> -> memref<10000x128xf32, #tpu.memory_space<hbm>>
    tpu.enqueue_indirect_dma source(%dma_start3A_71 : memref<10000x128xf32, #tpu.memory_space<hbm>>) target(%arg8 : memref<128x128xf32, #tpu.memory_space<vmem>>) offsets(%dma_start3A_68 : memref<128xi32, #tpu.memory_space<vmem>>) semaphore(%arg12 : memref<!tpu.dma_semaphore, #tpu.memory_space<semaphore_mem>>)
    %dma_start3A_72 = arith.constant 2 : i32
    %dma_start3A_73 = arith.constant 0 : i32
    %dma_start3A_74 = tpu.memref_slice %arg7[%dma_start3A_72, %dma_start3A_73] : memref<16x128xi32, #tpu.memory_space<vmem>> -> memref<1x128xi32, #tpu.memory_space<vmem>>
    %dma_start3A_75 = tpu.memref_squeeze %dma_start3A_74 : memref<1x128xi32, #tpu.memory_space<vmem>> -> memref<128xi32, #tpu.memory_space<vmem>>
    %dma_start3A_76 = arith.constant 0 : i32
    %dma_start3A_77 = arith.constant 0 : i32
    %dma_start3A_78 = tpu.memref_slice %arg3[%dma_start3A_76, %dma_start3A_77] : memref<10000x128xf32, #tpu.memory_space<hbm>> -> memref<10000x128xf32, #tpu.memory_space<hbm>>
    tpu.enqueue_indirect_dma source(%dma_start3A_78 : memref<10000x128xf32, #tpu.memory_space<hbm>>) target(%arg10 : memref<128x128xf32, #tpu.memory_space<vmem>>) offsets(%dma_start3A_75 : memref<128xi32, #tpu.memory_space<vmem>>) semaphore(%arg14 : memref<!tpu.dma_semaphore, #tpu.memory_space<semaphore_mem>>)
    %dma_wait3A_79 = arith.constant 0 : i32
    %dma_wait3A_80 = arith.constant 0 : i32
    %dma_wait3A_81 = tpu.memref_slice %arg3[%dma_wait3A_79, %dma_wait3A_80] : memref<10000x128xf32, #tpu.memory_space<hbm>> -> memref<128x128xf32, #tpu.memory_space<hbm>>
    %dma_wait3A_82 = arith.constant 0 : i32
    %dma_wait3A_83 = arith.constant 0 : i32
    %dma_wait3A_84 = tpu.memref_slice %arg3[%dma_wait3A_82, %dma_wait3A_83] : memref<10000x128xf32, #tpu.memory_space<hbm>> -> memref<128x128xf32, #tpu.memory_space<hbm>>
    tpu.wait_dma2 semaphore(%arg13 : memref<!tpu.dma_semaphore, #tpu.memory_space<semaphore_mem>>) src(%dma_wait3A_84 : memref<128x128xf32, #tpu.memory_space<hbm>>) dst(%arg9 : memref<128x128xf32, #tpu.memory_space<vmem>>)
    %dma_wait3A_85 = arith.constant 0 : i32
    %dma_wait3A_86 = arith.constant 0 : i32
    %dma_wait3A_87 = tpu.memref_slice %arg3[%dma_wait3A_85, %dma_wait3A_86] : memref<10000x128xf32, #tpu.memory_space<hbm>> -> memref<128x128xf32, #tpu.memory_space<hbm>>
    %dma_wait3A_88 = arith.constant 0 : i32
    %dma_wait3A_89 = arith.constant 0 : i32
    %dma_wait3A_90 = tpu.memref_slice %arg3[%dma_wait3A_88, %dma_wait3A_89] : memref<10000x128xf32, #tpu.memory_space<hbm>> -> memref<128x128xf32, #tpu.memory_space<hbm>>
    tpu.wait_dma2 semaphore(%arg15 : memref<!tpu.dma_semaphore, #tpu.memory_space<semaphore_mem>>) src(%dma_wait3A_90 : memref<128x128xf32, #tpu.memory_space<hbm>>) dst(%arg11 : memref<128x128xf32, #tpu.memory_space<vmem>>)
    %mul3A_91 = arith.constant 2048 : i32
    %mul3A_92 = arith.muli %add3A, %mul3A_91 : i32
    %add3A_93 = arith.constant 128 : i32
    %add3A_94 = arith.addi %mul3A_92, %add3A_93 : i32
    %dma_start3A_95 = arith.constant 0 : i32
    %dma_start3A_96 = tpu.memref_slice %arg4[%add3A_94, %dma_start3A_95] : memref<65536x128xf32, #tpu.memory_space<hbm>> -> memref<128x128xf32, #tpu.memory_space<hbm>>
    %dma_start3A_97 = arith.constant 0 : i32
    %dma_start3A_98 = tpu.memref_slice %arg4[%add3A_94, %dma_start3A_97] : memref<65536x128xf32, #tpu.memory_space<hbm>> -> memref<128x128xf32, #tpu.memory_space<hbm>>
    tpu.enqueue_dma source(%arg9 : memref<128x128xf32, #tpu.memory_space<vmem>>) target(%dma_start3A_98 : memref<128x128xf32, #tpu.memory_space<hbm>>) target_semaphore(%arg17 : memref<!tpu.dma_semaphore, #tpu.memory_space<semaphore_mem>>)
    %dma_start3A_99 = arith.constant 0 : i32
    %dma_start3A_100 = tpu.memref_slice %arg5[%add3A_94, %dma_start3A_99] : memref<65536x128xf32, #tpu.memory_space<hbm>> -> memref<128x128xf32, #tpu.memory_space<hbm>>
    %dma_start3A_101 = arith.constant 0 : i32
    %dma_start3A_102 = tpu.memref_slice %arg5[%add3A_94, %dma_start3A_101] : memref<65536x128xf32, #tpu.memory_space<hbm>> -> memref<128x128xf32, #tpu.memory_space<hbm>>
    tpu.enqueue_dma source(%arg11 : memref<128x128xf32, #tpu.memory_space<vmem>>) target(%dma_start3A_102 : memref<128x128xf32, #tpu.memory_space<hbm>>) target_semaphore(%arg19 : memref<!tpu.dma_semaphore, #tpu.memory_space<semaphore_mem>>)
    %dma_wait3A_103 = arith.constant 0 : i32
    %dma_wait3A_104 = arith.constant 0 : i32
    %dma_wait3A_105 = tpu.memref_slice %arg4[%dma_wait3A_103, %dma_wait3A_104] : memref<65536x128xf32, #tpu.memory_space<hbm>> -> memref<128x128xf32, #tpu.memory_space<hbm>>
    %dma_wait3A_106 = arith.constant 0 : i32
    %dma_wait3A_107 = arith.constant 0 : i32
    %dma_wait3A_108 = tpu.memref_slice %arg4[%dma_wait3A_106, %dma_wait3A_107] : memref<65536x128xf32, #tpu.memory_space<hbm>> -> memref<128x128xf32, #tpu.memory_space<hbm>>
    tpu.wait_dma2 semaphore(%arg17 : memref<!tpu.dma_semaphore, #tpu.memory_space<semaphore_mem>>) src(%arg9 : memref<128x128xf32, #tpu.memory_space<vmem>>) dst(%dma_wait3A_108 : memref<128x128xf32, #tpu.memory_space<hbm>>)
    %dma_wait3A_109 = arith.constant 0 : i32
    %dma_wait3A_110 = arith.constant 0 : i32
    %dma_wait3A_111 = tpu.memref_slice %arg5[%dma_wait3A_109, %dma_wait3A_110] : memref<65536x128xf32, #tpu.memory_space<hbm>> -> memref<128x128xf32, #tpu.memory_space<hbm>>
    %dma_wait3A_112 = arith.constant 0 : i32
    %dma_wait3A_113 = arith.constant 0 : i32
    %dma_wait3A_114 = tpu.memref_slice %arg5[%dma_wait3A_112, %dma_wait3A_113] : memref<65536x128xf32, #tpu.memory_space<hbm>> -> memref<128x128xf32, #tpu.memory_space<hbm>>
    tpu.wait_dma2 semaphore(%arg19 : memref<!tpu.dma_semaphore, #tpu.memory_space<semaphore_mem>>) src(%arg11 : memref<128x128xf32, #tpu.memory_space<vmem>>) dst(%dma_wait3A_114 : memref<128x128xf32, #tpu.memory_space<hbm>>)
    %dma_start3A_115 = arith.constant 3 : i32
    %dma_start3A_116 = arith.constant 0 : i32
    %dma_start3A_117 = tpu.memref_slice %arg6[%dma_start3A_115, %dma_start3A_116] : memref<16x128xi32, #tpu.memory_space<vmem>> -> memref<1x128xi32, #tpu.memory_space<vmem>>
    %dma_start3A_118 = tpu.memref_squeeze %dma_start3A_117 : memref<1x128xi32, #tpu.memory_space<vmem>> -> memref<128xi32, #tpu.memory_space<vmem>>
    %dma_start3A_119 = arith.constant 0 : i32
    %dma_start3A_120 = arith.constant 0 : i32
    %dma_start3A_121 = tpu.memref_slice %arg3[%dma_start3A_119, %dma_start3A_120] : memref<10000x128xf32, #tpu.memory_space<hbm>> -> memref<10000x128xf32, #tpu.memory_space<hbm>>
    tpu.enqueue_indirect_dma source(%dma_start3A_121 : memref<10000x128xf32, #tpu.memory_space<hbm>>) target(%arg9 : memref<128x128xf32, #tpu.memory_space<vmem>>) offsets(%dma_start3A_118 : memref<128xi32, #tpu.memory_space<vmem>>) semaphore(%arg13 : memref<!tpu.dma_semaphore, #tpu.memory_space<semaphore_mem>>)
    %dma_start3A_122 = arith.constant 3 : i32
    %dma_start3A_123 = arith.constant 0 : i32
    %dma_start3A_124 = tpu.memref_slice %arg7[%dma_start3A_122, %dma_start3A_123] : memref<16x128xi32, #tpu.memory_space<vmem>> -> memref<1x128xi32, #tpu.memory_space<vmem>>
    %dma_start3A_125 = tpu.memref_squeeze %dma_start3A_124 : memref<1x128xi32, #tpu.memory_space<vmem>> -> memref<128xi32, #tpu.memory_space<vmem>>
    %dma_start3A_126 = arith.constant 0 : i32
    %dma_start3A_127 = arith.constant 0 : i32
    %dma_start3A_128 = tpu.memref_slice %arg3[%dma_start3A_126, %dma_start3A_127] : memref<10000x128xf32, #tpu.memory_space<hbm>> -> memref<10000x128xf32, #tpu.memory_space<hbm>>
    tpu.enqueue_indirect_dma source(%dma_start3A_128 : memref<10000x128xf32, #tpu.memory_space<hbm>>) target(%arg11 : memref<128x128xf32, #tpu.memory_space<vmem>>) offsets(%dma_start3A_125 : memref<128xi32, #tpu.memory_space<vmem>>) semaphore(%arg15 : memref<!tpu.dma_semaphore, #tpu.memory_space<semaphore_mem>>)
    %dma_wait3A_129 = arith.constant 0 : i32
    %dma_wait3A_130 = arith.constant 0 : i32
    %dma_wait3A_131 = tpu.memref_slice %arg3[%dma_wait3A_129, %dma_wait3A_130] : memref<10000x128xf32, #tpu.memory_space<hbm>> -> memref<128x128xf32, #tpu.memory_space<hbm>>
    %dma_wait3A_132 = arith.constant 0 : i32
    %dma_wait3A_133 = arith.constant 0 : i32
    %dma_wait3A_134 = tpu.memref_slice %arg3[%dma_wait3A_132, %dma_wait3A_133] : memref<10000x128xf32, #tpu.memory_space<hbm>> -> memref<128x128xf32, #tpu.memory_space<hbm>>
    tpu.wait_dma2 semaphore(%arg12 : memref<!tpu.dma_semaphore, #tpu.memory_space<semaphore_mem>>) src(%dma_wait3A_134 : memref<128x128xf32, #tpu.memory_space<hbm>>) dst(%arg8 : memref<128x128xf32, #tpu.memory_space<vmem>>)
    %dma_wait3A_135 = arith.constant 0 : i32
    %dma_wait3A_136 = arith.constant 0 : i32
    %dma_wait3A_137 = tpu.memref_slice %arg3[%dma_wait3A_135, %dma_wait3A_136] : memref<10000x128xf32, #tpu.memory_space<hbm>> -> memref<128x128xf32, #tpu.memory_space<hbm>>
    %dma_wait3A_138 = arith.constant 0 : i32
    %dma_wait3A_139 = arith.constant 0 : i32
    %dma_wait3A_140 = tpu.memref_slice %arg3[%dma_wait3A_138, %dma_wait3A_139] : memref<10000x128xf32, #tpu.memory_space<hbm>> -> memref<128x128xf32, #tpu.memory_space<hbm>>
    tpu.wait_dma2 semaphore(%arg14 : memref<!tpu.dma_semaphore, #tpu.memory_space<semaphore_mem>>) src(%dma_wait3A_140 : memref<128x128xf32, #tpu.memory_space<hbm>>) dst(%arg10 : memref<128x128xf32, #tpu.memory_space<vmem>>)
    %mul3A_141 = arith.constant 2048 : i32
    %mul3A_142 = arith.muli %add3A, %mul3A_141 : i32
    %add3A_143 = arith.constant 256 : i32
    %add3A_144 = arith.addi %mul3A_142, %add3A_143 : i32
    %dma_start3A_145 = arith.constant 0 : i32
    %dma_start3A_146 = tpu.memref_slice %arg4[%add3A_144, %dma_start3A_145] : memref<65536x128xf32, #tpu.memory_space<hbm>> -> memref<128x128xf32, #tpu.memory_space<hbm>>
    %dma_start3A_147 = arith.constant 0 : i32
    %dma_start3A_148 = tpu.memref_slice %arg4[%add3A_144, %dma_start3A_147] : memref<65536x128xf32, #tpu.memory_space<hbm>> -> memref<128x128xf32, #tpu.memory_space<hbm>>
    tpu.enqueue_dma source(%arg8 : memref<128x128xf32, #tpu.memory_space<vmem>>) target(%dma_start3A_148 : memref<128x128xf32, #tpu.memory_space<hbm>>) target_semaphore(%arg16 : memref<!tpu.dma_semaphore, #tpu.memory_space<semaphore_mem>>)
    %dma_start3A_149 = arith.constant 0 : i32
    %dma_start3A_150 = tpu.memref_slice %arg5[%add3A_144, %dma_start3A_149] : memref<65536x128xf32, #tpu.memory_space<hbm>> -> memref<128x128xf32, #tpu.memory_space<hbm>>
    %dma_start3A_151 = arith.constant 0 : i32
    %dma_start3A_152 = tpu.memref_slice %arg5[%add3A_144, %dma_start3A_151] : memref<65536x128xf32, #tpu.memory_space<hbm>> -> memref<128x128xf32, #tpu.memory_space<hbm>>
    tpu.enqueue_dma source(%arg10 : memref<128x128xf32, #tpu.memory_space<vmem>>) target(%dma_start3A_152 : memref<128x128xf32, #tpu.memory_space<hbm>>) target_semaphore(%arg18 : memref<!tpu.dma_semaphore, #tpu.memory_space<semaphore_mem>>)
    %dma_wait3A_153 = arith.constant 0 : i32
    %dma_wait3A_154 = arith.constant 0 : i32
    %dma_wait3A_155 = tpu.memref_slice %arg4[%dma_wait3A_153, %dma_wait3A_154] : memref<65536x128xf32, #tpu.memory_space<hbm>> -> memref<128x128xf32, #tpu.memory_space<hbm>>
    %dma_wait3A_156 = arith.constant 0 : i32
    %dma_wait3A_157 = arith.constant 0 : i32
    %dma_wait3A_158 = tpu.memref_slice %arg4[%dma_wait3A_156, %dma_wait3A_157] : memref<65536x128xf32, #tpu.memory_space<hbm>> -> memref<128x128xf32, #tpu.memory_space<hbm>>
    tpu.wait_dma2 semaphore(%arg16 : memref<!tpu.dma_semaphore, #tpu.memory_space<semaphore_mem>>) src(%arg8 : memref<128x128xf32, #tpu.memory_space<vmem>>) dst(%dma_wait3A_158 : memref<128x128xf32, #tpu.memory_space<hbm>>)
    %dma_wait3A_159 = arith.constant 0 : i32
    %dma_wait3A_160 = arith.constant 0 : i32
    %dma_wait3A_161 = tpu.memref_slice %arg5[%dma_wait3A_159, %dma_wait3A_160] : memref<65536x128xf32, #tpu.memory_space<hbm>> -> memref<128x128xf32, #tpu.memory_space<hbm>>
    %dma_wait3A_162 = arith.constant 0 : i32
    %dma_wait3A_163 = arith.constant 0 : i32
    %dma_wait3A_164 = tpu.memref_slice %arg5[%dma_wait3A_162, %dma_wait3A_163] : memref<65536x128xf32, #tpu.memory_space<hbm>> -> memref<128x128xf32, #tpu.memory_space<hbm>>
    tpu.wait_dma2 semaphore(%arg18 : memref<!tpu.dma_semaphore, #tpu.memory_space<semaphore_mem>>) src(%arg10 : memref<128x128xf32, #tpu.memory_space<vmem>>) dst(%dma_wait3A_164 : memref<128x128xf32, #tpu.memory_space<hbm>>)
    %dma_start3A_165 = arith.constant 4 : i32
    %dma_start3A_166 = arith.constant 0 : i32
    %dma_start3A_167 = tpu.memref_slice %arg6[%dma_start3A_165, %dma_start3A_166] : memref<16x128xi32, #tpu.memory_space<vmem>> -> memref<1x128xi32, #tpu.memory_space<vmem>>
    %dma_start3A_168 = tpu.memref_squeeze %dma_start3A_167 : memref<1x128xi32, #tpu.memory_space<vmem>> -> memref<128xi32, #tpu.memory_space<vmem>>
    %dma_start3A_169 = arith.constant 0 : i32
    %dma_start3A_170 = arith.constant 0 : i32
    %dma_start3A_171 = tpu.memref_slice %arg3[%dma_start3A_169, %dma_start3A_170] : memref<10000x128xf32, #tpu.memory_space<hbm>> -> memref<10000x128xf32, #tpu.memory_space<hbm>>
    tpu.enqueue_indirect_dma source(%dma_start3A_171 : memref<10000x128xf32, #tpu.memory_space<hbm>>) target(%arg8 : memref<128x128xf32, #tpu.memory_space<vmem>>) offsets(%dma_start3A_168 : memref<128xi32, #tpu.memory_space<vmem>>) semaphore(%arg12 : memref<!tpu.dma_semaphore, #tpu.memory_space<semaphore_mem>>)
    %dma_start3A_172 = arith.constant 4 : i32
    %dma_start3A_173 = arith.constant 0 : i32
    %dma_start3A_174 = tpu.memref_slice %arg7[%dma_start3A_172, %dma_start3A_173] : memref<16x128xi32, #tpu.memory_space<vmem>> -> memref<1x128xi32, #tpu.memory_space<vmem>>
    %dma_start3A_175 = tpu.memref_squeeze %dma_start3A_174 : memref<1x128xi32, #tpu.memory_space<vmem>> -> memref<128xi32, #tpu.memory_space<vmem>>
    %dma_start3A_176 = arith.constant 0 : i32
    %dma_start3A_177 = arith.constant 0 : i32
    %dma_start3A_178 = tpu.memref_slice %arg3[%dma_start3A_176, %dma_start3A_177] : memref<10000x128xf32, #tpu.memory_space<hbm>> -> memref<10000x128xf32, #tpu.memory_space<hbm>>
    tpu.enqueue_indirect_dma source(%dma_start3A_178 : memref<10000x128xf32, #tpu.memory_space<hbm>>) target(%arg10 : memref<128x128xf32, #tpu.memory_space<vmem>>) offsets(%dma_start3A_175 : memref<128xi32, #tpu.memory_space<vmem>>) semaphore(%arg14 : memref<!tpu.dma_semaphore, #tpu.memory_space<semaphore_mem>>)
    %dma_wait3A_179 = arith.constant 0 : i32
    %dma_wait3A_180 = arith.constant 0 : i32
    %dma_wait3A_181 = tpu.memref_slice %arg3[%dma_wait3A_179, %dma_wait3A_180] : memref<10000x128xf32, #tpu.memory_space<hbm>> -> memref<128x128xf32, #tpu.memory_space<hbm>>
    %dma_wait3A_182 = arith.constant 0 : i32
    %dma_wait3A_183 = arith.constant 0 : i32
    %dma_wait3A_184 = tpu.memref_slice %arg3[%dma_wait3A_182, %dma_wait3A_183] : memref<10000x128xf32, #tpu.memory_space<hbm>> -> memref<128x128xf32, #tpu.memory_space<hbm>>
    tpu.wait_dma2 semaphore(%arg13 : memref<!tpu.dma_semaphore, #tpu.memory_space<semaphore_mem>>) src(%dma_wait3A_184 : memref<128x128xf32, #tpu.memory_space<hbm>>) dst(%arg9 : memref<128x128xf32, #tpu.memory_space<vmem>>)
    %dma_wait3A_185 = arith.constant 0 : i32
    %dma_wait3A_186 = arith.constant 0 : i32
    %dma_wait3A_187 = tpu.memref_slice %arg3[%dma_wait3A_185, %dma_wait3A_186] : memref<10000x128xf32, #tpu.memory_space<hbm>> -> memref<128x128xf32, #tpu.memory_space<hbm>>
    %dma_wait3A_188 = arith.constant 0 : i32
    %dma_wait3A_189 = arith.constant 0 : i32
    %dma_wait3A_190 = tpu.memref_slice %arg3[%dma_wait3A_188, %dma_wait3A_189] : memref<10000x128xf32, #tpu.memory_space<hbm>> -> memref<128x128xf32, #tpu.memory_space<hbm>>
    tpu.wait_dma2 semaphore(%arg15 : memref<!tpu.dma_semaphore, #tpu.memory_space<semaphore_mem>>) src(%dma_wait3A_190 : memref<128x128xf32, #tpu.memory_space<hbm>>) dst(%arg11 : memref<128x128xf32, #tpu.memory_space<vmem>>)
    %mul3A_191 = arith.constant 2048 : i32
    %mul3A_192 = arith.muli %add3A, %mul3A_191 : i32
    %add3A_193 = arith.constant 384 : i32
    %add3A_194 = arith.addi %mul3A_192, %add3A_193 : i32
    %dma_start3A_195 = arith.constant 0 : i32
    %dma_start3A_196 = tpu.memref_slice %arg4[%add3A_194, %dma_start3A_195] : memref<65536x128xf32, #tpu.memory_space<hbm>> -> memref<128x128xf32, #tpu.memory_space<hbm>>
    %dma_start3A_197 = arith.constant 0 : i32
    %dma_start3A_198 = tpu.memref_slice %arg4[%add3A_194, %dma_start3A_197] : memref<65536x128xf32, #tpu.memory_space<hbm>> -> memref<128x128xf32, #tpu.memory_space<hbm>>
    tpu.enqueue_dma source(%arg9 : memref<128x128xf32, #tpu.memory_space<vmem>>) target(%dma_start3A_198 : memref<128x128xf32, #tpu.memory_space<hbm>>) target_semaphore(%arg17 : memref<!tpu.dma_semaphore, #tpu.memory_space<semaphore_mem>>)
    %dma_start3A_199 = arith.constant 0 : i32
    %dma_start3A_200 = tpu.memref_slice %arg5[%add3A_194, %dma_start3A_199] : memref<65536x128xf32, #tpu.memory_space<hbm>> -> memref<128x128xf32, #tpu.memory_space<hbm>>
    %dma_start3A_201 = arith.constant 0 : i32
    %dma_start3A_202 = tpu.memref_slice %arg5[%add3A_194, %dma_start3A_201] : memref<65536x128xf32, #tpu.memory_space<hbm>> -> memref<128x128xf32, #tpu.memory_space<hbm>>
    tpu.enqueue_dma source(%arg11 : memref<128x128xf32, #tpu.memory_space<vmem>>) target(%dma_start3A_202 : memref<128x128xf32, #tpu.memory_space<hbm>>) target_semaphore(%arg19 : memref<!tpu.dma_semaphore, #tpu.memory_space<semaphore_mem>>)
    %dma_wait3A_203 = arith.constant 0 : i32
    %dma_wait3A_204 = arith.constant 0 : i32
    %dma_wait3A_205 = tpu.memref_slice %arg4[%dma_wait3A_203, %dma_wait3A_204] : memref<65536x128xf32, #tpu.memory_space<hbm>> -> memref<128x128xf32, #tpu.memory_space<hbm>>
    %dma_wait3A_206 = arith.constant 0 : i32
    %dma_wait3A_207 = arith.constant 0 : i32
    %dma_wait3A_208 = tpu.memref_slice %arg4[%dma_wait3A_206, %dma_wait3A_207] : memref<65536x128xf32, #tpu.memory_space<hbm>> -> memref<128x128xf32, #tpu.memory_space<hbm>>
    tpu.wait_dma2 semaphore(%arg17 : memref<!tpu.dma_semaphore, #tpu.memory_space<semaphore_mem>>) src(%arg9 : memref<128x128xf32, #tpu.memory_space<vmem>>) dst(%dma_wait3A_208 : memref<128x128xf32, #tpu.memory_space<hbm>>)
    %dma_wait3A_209 = arith.constant 0 : i32
    %dma_wait3A_210 = arith.constant 0 : i32
    %dma_wait3A_211 = tpu.memref_slice %arg5[%dma_wait3A_209, %dma_wait3A_210] : memref<65536x128xf32, #tpu.memory_space<hbm>> -> memref<128x128xf32, #tpu.memory_space<hbm>>
    %dma_wait3A_212 = arith.constant 0 : i32
    %dma_wait3A_213 = arith.constant 0 : i32
    %dma_wait3A_214 = tpu.memref_slice %arg5[%dma_wait3A_212, %dma_wait3A_213] : memref<65536x128xf32, #tpu.memory_space<hbm>> -> memref<128x128xf32, #tpu.memory_space<hbm>>
    tpu.wait_dma2 semaphore(%arg19 : memref<!tpu.dma_semaphore, #tpu.memory_space<semaphore_mem>>) src(%arg11 : memref<128x128xf32, #tpu.memory_space<vmem>>) dst(%dma_wait3A_214 : memref<128x128xf32, #tpu.memory_space<hbm>>)
    %dma_start3A_215 = arith.constant 5 : i32
    %dma_start3A_216 = arith.constant 0 : i32
    %dma_start3A_217 = tpu.memref_slice %arg6[%dma_start3A_215, %dma_start3A_216] : memref<16x128xi32, #tpu.memory_space<vmem>> -> memref<1x128xi32, #tpu.memory_space<vmem>>
    %dma_start3A_218 = tpu.memref_squeeze %dma_start3A_217 : memref<1x128xi32, #tpu.memory_space<vmem>> -> memref<128xi32, #tpu.memory_space<vmem>>
    %dma_start3A_219 = arith.constant 0 : i32
    %dma_start3A_220 = arith.constant 0 : i32
    %dma_start3A_221 = tpu.memref_slice %arg3[%dma_start3A_219, %dma_start3A_220] : memref<10000x128xf32, #tpu.memory_space<hbm>> -> memref<10000x128xf32, #tpu.memory_space<hbm>>
    tpu.enqueue_indirect_dma source(%dma_start3A_221 : memref<10000x128xf32, #tpu.memory_space<hbm>>) target(%arg9 : memref<128x128xf32, #tpu.memory_space<vmem>>) offsets(%dma_start3A_218 : memref<128xi32, #tpu.memory_space<vmem>>) semaphore(%arg13 : memref<!tpu.dma_semaphore, #tpu.memory_space<semaphore_mem>>)
    %dma_start3A_222 = arith.constant 5 : i32
    %dma_start3A_223 = arith.constant 0 : i32
    %dma_start3A_224 = tpu.memref_slice %arg7[%dma_start3A_222, %dma_start3A_223] : memref<16x128xi32, #tpu.memory_space<vmem>> -> memref<1x128xi32, #tpu.memory_space<vmem>>
    %dma_start3A_225 = tpu.memref_squeeze %dma_start3A_224 : memref<1x128xi32, #tpu.memory_space<vmem>> -> memref<128xi32, #tpu.memory_space<vmem>>
    %dma_start3A_226 = arith.constant 0 : i32
    %dma_start3A_227 = arith.constant 0 : i32
    %dma_start3A_228 = tpu.memref_slice %arg3[%dma_start3A_226, %dma_start3A_227] : memref<10000x128xf32, #tpu.memory_space<hbm>> -> memref<10000x128xf32, #tpu.memory_space<hbm>>
    tpu.enqueue_indirect_dma source(%dma_start3A_228 : memref<10000x128xf32, #tpu.memory_space<hbm>>) target(%arg11 : memref<128x128xf32, #tpu.memory_space<vmem>>) offsets(%dma_start3A_225 : memref<128xi32, #tpu.memory_space<vmem>>) semaphore(%arg15 : memref<!tpu.dma_semaphore, #tpu.memory_space<semaphore_mem>>)
    %dma_wait3A_229 = arith.constant 0 : i32
    %dma_wait3A_230 = arith.constant 0 : i32
    %dma_wait3A_231 = tpu.memref_slice %arg3[%dma_wait3A_229, %dma_wait3A_230] : memref<10000x128xf32, #tpu.memory_space<hbm>> -> memref<128x128xf32, #tpu.memory_space<hbm>>
    %dma_wait3A_232 = arith.constant 0 : i32
    %dma_wait3A_233 = arith.constant 0 : i32
    %dma_wait3A_234 = tpu.memref_slice %arg3[%dma_wait3A_232, %dma_wait3A_233] : memref<10000x128xf32, #tpu.memory_space<hbm>> -> memref<128x128xf32, #tpu.memory_space<hbm>>
    tpu.wait_dma2 semaphore(%arg12 : memref<!tpu.dma_semaphore, #tpu.memory_space<semaphore_mem>>) src(%dma_wait3A_234 : memref<128x128xf32, #tpu.memory_space<hbm>>) dst(%arg8 : memref<128x128xf32, #tpu.memory_space<vmem>>)
    %dma_wait3A_235 = arith.constant 0 : i32
    %dma_wait3A_236 = arith.constant 0 : i32
    %dma_wait3A_237 = tpu.memref_slice %arg3[%dma_wait3A_235, %dma_wait3A_236] : memref<10000x128xf32, #tpu.memory_space<hbm>> -> memref<128x128xf32, #tpu.memory_space<hbm>>
    %dma_wait3A_238 = arith.constant 0 : i32
    %dma_wait3A_239 = arith.constant 0 : i32
    %dma_wait3A_240 = tpu.memref_slice %arg3[%dma_wait3A_238, %dma_wait3A_239] : memref<10000x128xf32, #tpu.memory_space<hbm>> -> memref<128x128xf32, #tpu.memory_space<hbm>>
    tpu.wait_dma2 semaphore(%arg14 : memref<!tpu.dma_semaphore, #tpu.memory_space<semaphore_mem>>) src(%dma_wait3A_240 : memref<128x128xf32, #tpu.memory_space<hbm>>) dst(%arg10 : memref<128x128xf32, #tpu.memory_space<vmem>>)
    %mul3A_241 = arith.constant 2048 : i32
    %mul3A_242 = arith.muli %add3A, %mul3A_241 : i32
    %add3A_243 = arith.constant 512 : i32
    %add3A_244 = arith.addi %mul3A_242, %add3A_243 : i32
    %dma_start3A_245 = arith.constant 0 : i32
    %dma_start3A_246 = tpu.memref_slice %arg4[%add3A_244, %dma_start3A_245] : memref<65536x128xf32, #tpu.memory_space<hbm>> -> memref<128x128xf32, #tpu.memory_space<hbm>>
    %dma_start3A_247 = arith.constant 0 : i32
    %dma_start3A_248 = tpu.memref_slice %arg4[%add3A_244, %dma_start3A_247] : memref<65536x128xf32, #tpu.memory_space<hbm>> -> memref<128x128xf32, #tpu.memory_space<hbm>>
    tpu.enqueue_dma source(%arg8 : memref<128x128xf32, #tpu.memory_space<vmem>>) target(%dma_start3A_248 : memref<128x128xf32, #tpu.memory_space<hbm>>) target_semaphore(%arg16 : memref<!tpu.dma_semaphore, #tpu.memory_space<semaphore_mem>>)
    %dma_start3A_249 = arith.constant 0 : i32
    %dma_start3A_250 = tpu.memref_slice %arg5[%add3A_244, %dma_start3A_249] : memref<65536x128xf32, #tpu.memory_space<hbm>> -> memref<128x128xf32, #tpu.memory_space<hbm>>
    %dma_start3A_251 = arith.constant 0 : i32
    %dma_start3A_252 = tpu.memref_slice %arg5[%add3A_244, %dma_start3A_251] : memref<65536x128xf32, #tpu.memory_space<hbm>> -> memref<128x128xf32, #tpu.memory_space<hbm>>
    tpu.enqueue_dma source(%arg10 : memref<128x128xf32, #tpu.memory_space<vmem>>) target(%dma_start3A_252 : memref<128x128xf32, #tpu.memory_space<hbm>>) target_semaphore(%arg18 : memref<!tpu.dma_semaphore, #tpu.memory_space<semaphore_mem>>)
    %dma_wait3A_253 = arith.constant 0 : i32
    %dma_wait3A_254 = arith.constant 0 : i32
    %dma_wait3A_255 = tpu.memref_slice %arg4[%dma_wait3A_253, %dma_wait3A_254] : memref<65536x128xf32, #tpu.memory_space<hbm>> -> memref<128x128xf32, #tpu.memory_space<hbm>>
    %dma_wait3A_256 = arith.constant 0 : i32
    %dma_wait3A_257 = arith.constant 0 : i32
    %dma_wait3A_258 = tpu.memref_slice %arg4[%dma_wait3A_256, %dma_wait3A_257] : memref<65536x128xf32, #tpu.memory_space<hbm>> -> memref<128x128xf32, #tpu.memory_space<hbm>>
    tpu.wait_dma2 semaphore(%arg16 : memref<!tpu.dma_semaphore, #tpu.memory_space<semaphore_mem>>) src(%arg8 : memref<128x128xf32, #tpu.memory_space<vmem>>) dst(%dma_wait3A_258 : memref<128x128xf32, #tpu.memory_space<hbm>>)
    %dma_wait3A_259 = arith.constant 0 : i32
    %dma_wait3A_260 = arith.constant 0 : i32
    %dma_wait3A_261 = tpu.memref_slice %arg5[%dma_wait3A_259, %dma_wait3A_260] : memref<65536x128xf32, #tpu.memory_space<hbm>> -> memref<128x128xf32, #tpu.memory_space<hbm>>
    %dma_wait3A_262 = arith.constant 0 : i32
    %dma_wait3A_263 = arith.constant 0 : i32
    %dma_wait3A_264 = tpu.memref_slice %arg5[%dma_wait3A_262, %dma_wait3A_263] : memref<65536x128xf32, #tpu.memory_space<hbm>> -> memref<128x128xf32, #tpu.memory_space<hbm>>
    tpu.wait_dma2 semaphore(%arg18 : memref<!tpu.dma_semaphore, #tpu.memory_space<semaphore_mem>>) src(%arg10 : memref<128x128xf32, #tpu.memory_space<vmem>>) dst(%dma_wait3A_264 : memref<128x128xf32, #tpu.memory_space<hbm>>)
    %dma_start3A_265 = arith.constant 6 : i32
    %dma_start3A_266 = arith.constant 0 : i32
    %dma_start3A_267 = tpu.memref_slice %arg6[%dma_start3A_265, %dma_start3A_266] : memref<16x128xi32, #tpu.memory_space<vmem>> -> memref<1x128xi32, #tpu.memory_space<vmem>>
    %dma_start3A_268 = tpu.memref_squeeze %dma_start3A_267 : memref<1x128xi32, #tpu.memory_space<vmem>> -> memref<128xi32, #tpu.memory_space<vmem>>
    %dma_start3A_269 = arith.constant 0 : i32
    %dma_start3A_270 = arith.constant 0 : i32
    %dma_start3A_271 = tpu.memref_slice %arg3[%dma_start3A_269, %dma_start3A_270] : memref<10000x128xf32, #tpu.memory_space<hbm>> -> memref<10000x128xf32, #tpu.memory_space<hbm>>
    tpu.enqueue_indirect_dma source(%dma_start3A_271 : memref<10000x128xf32, #tpu.memory_space<hbm>>) target(%arg8 : memref<128x128xf32, #tpu.memory_space<vmem>>) offsets(%dma_start3A_268 : memref<128xi32, #tpu.memory_space<vmem>>) semaphore(%arg12 : memref<!tpu.dma_semaphore, #tpu.memory_space<semaphore_mem>>)
    %dma_start3A_272 = arith.constant 6 : i32
    %dma_start3A_273 = arith.constant 0 : i32
    %dma_start3A_274 = tpu.memref_slice %arg7[%dma_start3A_272, %dma_start3A_273] : memref<16x128xi32, #tpu.memory_space<vmem>> -> memref<1x128xi32, #tpu.memory_space<vmem>>
    %dma_start3A_275 = tpu.memref_squeeze %dma_start3A_274 : memref<1x128xi32, #tpu.memory_space<vmem>> -> memref<128xi32, #tpu.memory_space<vmem>>
    %dma_start3A_276 = arith.constant 0 : i32
    %dma_start3A_277 = arith.constant 0 : i32
    %dma_start3A_278 = tpu.memref_slice %arg3[%dma_start3A_276, %dma_start3A_277] : memref<10000x128xf32, #tpu.memory_space<hbm>> -> memref<10000x128xf32, #tpu.memory_space<hbm>>
    tpu.enqueue_indirect_dma source(%dma_start3A_278 : memref<10000x128xf32, #tpu.memory_space<hbm>>) target(%arg10 : memref<128x128xf32, #tpu.memory_space<vmem>>) offsets(%dma_start3A_275 : memref<128xi32, #tpu.memory_space<vmem>>) semaphore(%arg14 : memref<!tpu.dma_semaphore, #tpu.memory_space<semaphore_mem>>)
    %dma_wait3A_279 = arith.constant 0 : i32
    %dma_wait3A_280 = arith.constant 0 : i32
    %dma_wait3A_281 = tpu.memref_slice %arg3[%dma_wait3A_279, %dma_wait3A_280] : memref<10000x128xf32, #tpu.memory_space<hbm>> -> memref<128x128xf32, #tpu.memory_space<hbm>>
    %dma_wait3A_282 = arith.constant 0 : i32
    %dma_wait3A_283 = arith.constant 0 : i32
    %dma_wait3A_284 = tpu.memref_slice %arg3[%dma_wait3A_282, %dma_wait3A_283] : memref<10000x128xf32, #tpu.memory_space<hbm>> -> memref<128x128xf32, #tpu.memory_space<hbm>>
    tpu.wait_dma2 semaphore(%arg13 : memref<!tpu.dma_semaphore, #tpu.memory_space<semaphore_mem>>) src(%dma_wait3A_284 : memref<128x128xf32, #tpu.memory_space<hbm>>) dst(%arg9 : memref<128x128xf32, #tpu.memory_space<vmem>>)
    %dma_wait3A_285 = arith.constant 0 : i32
    %dma_wait3A_286 = arith.constant 0 : i32
    %dma_wait3A_287 = tpu.memref_slice %arg3[%dma_wait3A_285, %dma_wait3A_286] : memref<10000x128xf32, #tpu.memory_space<hbm>> -> memref<128x128xf32, #tpu.memory_space<hbm>>
    %dma_wait3A_288 = arith.constant 0 : i32
    %dma_wait3A_289 = arith.constant 0 : i32
    %dma_wait3A_290 = tpu.memref_slice %arg3[%dma_wait3A_288, %dma_wait3A_289] : memref<10000x128xf32, #tpu.memory_space<hbm>> -> memref<128x128xf32, #tpu.memory_space<hbm>>
    tpu.wait_dma2 semaphore(%arg15 : memref<!tpu.dma_semaphore, #tpu.memory_space<semaphore_mem>>) src(%dma_wait3A_290 : memref<128x128xf32, #tpu.memory_space<hbm>>) dst(%arg11 : memref<128x128xf32, #tpu.memory_space<vmem>>)
    %mul3A_291 = arith.constant 2048 : i32
    %mul3A_292 = arith.muli %add3A, %mul3A_291 : i32
    %add3A_293 = arith.constant 640 : i32
    %add3A_294 = arith.addi %mul3A_292, %add3A_293 : i32
    %dma_start3A_295 = arith.constant 0 : i32
    %dma_start3A_296 = tpu.memref_slice %arg4[%add3A_294, %dma_start3A_295] : memref<65536x128xf32, #tpu.memory_space<hbm>> -> memref<128x128xf32, #tpu.memory_space<hbm>>
    %dma_start3A_297 = arith.constant 0 : i32
    %dma_start3A_298 = tpu.memref_slice %arg4[%add3A_294, %dma_start3A_297] : memref<65536x128xf32, #tpu.memory_space<hbm>> -> memref<128x128xf32, #tpu.memory_space<hbm>>
    tpu.enqueue_dma source(%arg9 : memref<128x128xf32, #tpu.memory_space<vmem>>) target(%dma_start3A_298 : memref<128x128xf32, #tpu.memory_space<hbm>>) target_semaphore(%arg17 : memref<!tpu.dma_semaphore, #tpu.memory_space<semaphore_mem>>)
    %dma_start3A_299 = arith.constant 0 : i32
    %dma_start3A_300 = tpu.memref_slice %arg5[%add3A_294, %dma_start3A_299] : memref<65536x128xf32, #tpu.memory_space<hbm>> -> memref<128x128xf32, #tpu.memory_space<hbm>>
    %dma_start3A_301 = arith.constant 0 : i32
    %dma_start3A_302 = tpu.memref_slice %arg5[%add3A_294, %dma_start3A_301] : memref<65536x128xf32, #tpu.memory_space<hbm>> -> memref<128x128xf32, #tpu.memory_space<hbm>>
    tpu.enqueue_dma source(%arg11 : memref<128x128xf32, #tpu.memory_space<vmem>>) target(%dma_start3A_302 : memref<128x128xf32, #tpu.memory_space<hbm>>) target_semaphore(%arg19 : memref<!tpu.dma_semaphore, #tpu.memory_space<semaphore_mem>>)
    %dma_wait3A_303 = arith.constant 0 : i32
    %dma_wait3A_304 = arith.constant 0 : i32
    %dma_wait3A_305 = tpu.memref_slice %arg4[%dma_wait3A_303, %dma_wait3A_304] : memref<65536x128xf32, #tpu.memory_space<hbm>> -> memref<128x128xf32, #tpu.memory_space<hbm>>
    %dma_wait3A_306 = arith.constant 0 : i32
    %dma_wait3A_307 = arith.constant 0 : i32
    %dma_wait3A_308 = tpu.memref_slice %arg4[%dma_wait3A_306, %dma_wait3A_307] : memref<65536x128xf32, #tpu.memory_space<hbm>> -> memref<128x128xf32, #tpu.memory_space<hbm>>
    tpu.wait_dma2 semaphore(%arg17 : memref<!tpu.dma_semaphore, #tpu.memory_space<semaphore_mem>>) src(%arg9 : memref<128x128xf32, #tpu.memory_space<vmem>>) dst(%dma_wait3A_308 : memref<128x128xf32, #tpu.memory_space<hbm>>)
    %dma_wait3A_309 = arith.constant 0 : i32
    %dma_wait3A_310 = arith.constant 0 : i32
    %dma_wait3A_311 = tpu.memref_slice %arg5[%dma_wait3A_309, %dma_wait3A_310] : memref<65536x128xf32, #tpu.memory_space<hbm>> -> memref<128x128xf32, #tpu.memory_space<hbm>>
    %dma_wait3A_312 = arith.constant 0 : i32
    %dma_wait3A_313 = arith.constant 0 : i32
    %dma_wait3A_314 = tpu.memref_slice %arg5[%dma_wait3A_312, %dma_wait3A_313] : memref<65536x128xf32, #tpu.memory_space<hbm>> -> memref<128x128xf32, #tpu.memory_space<hbm>>
    tpu.wait_dma2 semaphore(%arg19 : memref<!tpu.dma_semaphore, #tpu.memory_space<semaphore_mem>>) src(%arg11 : memref<128x128xf32, #tpu.memory_space<vmem>>) dst(%dma_wait3A_314 : memref<128x128xf32, #tpu.memory_space<hbm>>)
    %dma_start3A_315 = arith.constant 7 : i32
    %dma_start3A_316 = arith.constant 0 : i32
    %dma_start3A_317 = tpu.memref_slice %arg6[%dma_start3A_315, %dma_start3A_316] : memref<16x128xi32, #tpu.memory_space<vmem>> -> memref<1x128xi32, #tpu.memory_space<vmem>>
    %dma_start3A_318 = tpu.memref_squeeze %dma_start3A_317 : memref<1x128xi32, #tpu.memory_space<vmem>> -> memref<128xi32, #tpu.memory_space<vmem>>
    %dma_start3A_319 = arith.constant 0 : i32
    %dma_start3A_320 = arith.constant 0 : i32
    %dma_start3A_321 = tpu.memref_slice %arg3[%dma_start3A_319, %dma_start3A_320] : memref<10000x128xf32, #tpu.memory_space<hbm>> -> memref<10000x128xf32, #tpu.memory_space<hbm>>
    tpu.enqueue_indirect_dma source(%dma_start3A_321 : memref<10000x128xf32, #tpu.memory_space<hbm>>) target(%arg9 : memref<128x128xf32, #tpu.memory_space<vmem>>) offsets(%dma_start3A_318 : memref<128xi32, #tpu.memory_space<vmem>>) semaphore(%arg13 : memref<!tpu.dma_semaphore, #tpu.memory_space<semaphore_mem>>)
    %dma_start3A_322 = arith.constant 7 : i32
    %dma_start3A_323 = arith.constant 0 : i32
    %dma_start3A_324 = tpu.memref_slice %arg7[%dma_start3A_322, %dma_start3A_323] : memref<16x128xi32, #tpu.memory_space<vmem>> -> memref<1x128xi32, #tpu.memory_space<vmem>>
    %dma_start3A_325 = tpu.memref_squeeze %dma_start3A_324 : memref<1x128xi32, #tpu.memory_space<vmem>> -> memref<128xi32, #tpu.memory_space<vmem>>
    %dma_start3A_326 = arith.constant 0 : i32
    %dma_start3A_327 = arith.constant 0 : i32
    %dma_start3A_328 = tpu.memref_slice %arg3[%dma_start3A_326, %dma_start3A_327] : memref<10000x128xf32, #tpu.memory_space<hbm>> -> memref<10000x128xf32, #tpu.memory_space<hbm>>
    tpu.enqueue_indirect_dma source(%dma_start3A_328 : memref<10000x128xf32, #tpu.memory_space<hbm>>) target(%arg11 : memref<128x128xf32, #tpu.memory_space<vmem>>) offsets(%dma_start3A_325 : memref<128xi32, #tpu.memory_space<vmem>>) semaphore(%arg15 : memref<!tpu.dma_semaphore, #tpu.memory_space<semaphore_mem>>)
    %dma_wait3A_329 = arith.constant 0 : i32
    %dma_wait3A_330 = arith.constant 0 : i32
    %dma_wait3A_331 = tpu.memref_slice %arg3[%dma_wait3A_329, %dma_wait3A_330] : memref<10000x128xf32, #tpu.memory_space<hbm>> -> memref<128x128xf32, #tpu.memory_space<hbm>>
    %dma_wait3A_332 = arith.constant 0 : i32
    %dma_wait3A_333 = arith.constant 0 : i32
    %dma_wait3A_334 = tpu.memref_slice %arg3[%dma_wait3A_332, %dma_wait3A_333] : memref<10000x128xf32, #tpu.memory_space<hbm>> -> memref<128x128xf32, #tpu.memory_space<hbm>>
    tpu.wait_dma2 semaphore(%arg12 : memref<!tpu.dma_semaphore, #tpu.memory_space<semaphore_mem>>) src(%dma_wait3A_334 : memref<128x128xf32, #tpu.memory_space<hbm>>) dst(%arg8 : memref<128x128xf32, #tpu.memory_space<vmem>>)
    %dma_wait3A_335 = arith.constant 0 : i32
    %dma_wait3A_336 = arith.constant 0 : i32
    %dma_wait3A_337 = tpu.memref_slice %arg3[%dma_wait3A_335, %dma_wait3A_336] : memref<10000x128xf32, #tpu.memory_space<hbm>> -> memref<128x128xf32, #tpu.memory_space<hbm>>
    %dma_wait3A_338 = arith.constant 0 : i32
    %dma_wait3A_339 = arith.constant 0 : i32
    %dma_wait3A_340 = tpu.memref_slice %arg3[%dma_wait3A_338, %dma_wait3A_339] : memref<10000x128xf32, #tpu.memory_space<hbm>> -> memref<128x128xf32, #tpu.memory_space<hbm>>
    tpu.wait_dma2 semaphore(%arg14 : memref<!tpu.dma_semaphore, #tpu.memory_space<semaphore_mem>>) src(%dma_wait3A_340 : memref<128x128xf32, #tpu.memory_space<hbm>>) dst(%arg10 : memref<128x128xf32, #tpu.memory_space<vmem>>)
    %mul3A_341 = arith.constant 2048 : i32
    %mul3A_342 = arith.muli %add3A, %mul3A_341 : i32
    %add3A_343 = arith.constant 768 : i32
    %add3A_344 = arith.addi %mul3A_342, %add3A_343 : i32
    %dma_start3A_345 = arith.constant 0 : i32
    %dma_start3A_346 = tpu.memref_slice %arg4[%add3A_344, %dma_start3A_345] : memref<65536x128xf32, #tpu.memory_space<hbm>> -> memref<128x128xf32, #tpu.memory_space<hbm>>
    %dma_start3A_347 = arith.constant 0 : i32
    %dma_start3A_348 = tpu.memref_slice %arg4[%add3A_344, %dma_start3A_347] : memref<65536x128xf32, #tpu.memory_space<hbm>> -> memref<128x128xf32, #tpu.memory_space<hbm>>
    tpu.enqueue_dma source(%arg8 : memref<128x128xf32, #tpu.memory_space<vmem>>) target(%dma_start3A_348 : memref<128x128xf32, #tpu.memory_space<hbm>>) target_semaphore(%arg16 : memref<!tpu.dma_semaphore, #tpu.memory_space<semaphore_mem>>)
    %dma_start3A_349 = arith.constant 0 : i32
    %dma_start3A_350 = tpu.memref_slice %arg5[%add3A_344, %dma_start3A_349] : memref<65536x128xf32, #tpu.memory_space<hbm>> -> memref<128x128xf32, #tpu.memory_space<hbm>>
    %dma_start3A_351 = arith.constant 0 : i32
    %dma_start3A_352 = tpu.memref_slice %arg5[%add3A_344, %dma_start3A_351] : memref<65536x128xf32, #tpu.memory_space<hbm>> -> memref<128x128xf32, #tpu.memory_space<hbm>>
    tpu.enqueue_dma source(%arg10 : memref<128x128xf32, #tpu.memory_space<vmem>>) target(%dma_start3A_352 : memref<128x128xf32, #tpu.memory_space<hbm>>) target_semaphore(%arg18 : memref<!tpu.dma_semaphore, #tpu.memory_space<semaphore_mem>>)
    %dma_wait3A_353 = arith.constant 0 : i32
    %dma_wait3A_354 = arith.constant 0 : i32
    %dma_wait3A_355 = tpu.memref_slice %arg4[%dma_wait3A_353, %dma_wait3A_354] : memref<65536x128xf32, #tpu.memory_space<hbm>> -> memref<128x128xf32, #tpu.memory_space<hbm>>
    %dma_wait3A_356 = arith.constant 0 : i32
    %dma_wait3A_357 = arith.constant 0 : i32
    %dma_wait3A_358 = tpu.memref_slice %arg4[%dma_wait3A_356, %dma_wait3A_357] : memref<65536x128xf32, #tpu.memory_space<hbm>> -> memref<128x128xf32, #tpu.memory_space<hbm>>
    tpu.wait_dma2 semaphore(%arg16 : memref<!tpu.dma_semaphore, #tpu.memory_space<semaphore_mem>>) src(%arg8 : memref<128x128xf32, #tpu.memory_space<vmem>>) dst(%dma_wait3A_358 : memref<128x128xf32, #tpu.memory_space<hbm>>)
    %dma_wait3A_359 = arith.constant 0 : i32
    %dma_wait3A_360 = arith.constant 0 : i32
    %dma_wait3A_361 = tpu.memref_slice %arg5[%dma_wait3A_359, %dma_wait3A_360] : memref<65536x128xf32, #tpu.memory_space<hbm>> -> memref<128x128xf32, #tpu.memory_space<hbm>>
    %dma_wait3A_362 = arith.constant 0 : i32
    %dma_wait3A_363 = arith.constant 0 : i32
    %dma_wait3A_364 = tpu.memref_slice %arg5[%dma_wait3A_362, %dma_wait3A_363] : memref<65536x128xf32, #tpu.memory_space<hbm>> -> memref<128x128xf32, #tpu.memory_space<hbm>>
    tpu.wait_dma2 semaphore(%arg18 : memref<!tpu.dma_semaphore, #tpu.memory_space<semaphore_mem>>) src(%arg10 : memref<128x128xf32, #tpu.memory_space<vmem>>) dst(%dma_wait3A_364 : memref<128x128xf32, #tpu.memory_space<hbm>>)
    %dma_start3A_365 = arith.constant 8 : i32
    %dma_start3A_366 = arith.constant 0 : i32
    %dma_start3A_367 = tpu.memref_slice %arg6[%dma_start3A_365, %dma_start3A_366] : memref<16x128xi32, #tpu.memory_space<vmem>> -> memref<1x128xi32, #tpu.memory_space<vmem>>
    %dma_start3A_368 = tpu.memref_squeeze %dma_start3A_367 : memref<1x128xi32, #tpu.memory_space<vmem>> -> memref<128xi32, #tpu.memory_space<vmem>>
    %dma_start3A_369 = arith.constant 0 : i32
    %dma_start3A_370 = arith.constant 0 : i32
    %dma_start3A_371 = tpu.memref_slice %arg3[%dma_start3A_369, %dma_start3A_370] : memref<10000x128xf32, #tpu.memory_space<hbm>> -> memref<10000x128xf32, #tpu.memory_space<hbm>>
    tpu.enqueue_indirect_dma source(%dma_start3A_371 : memref<10000x128xf32, #tpu.memory_space<hbm>>) target(%arg8 : memref<128x128xf32, #tpu.memory_space<vmem>>) offsets(%dma_start3A_368 : memref<128xi32, #tpu.memory_space<vmem>>) semaphore(%arg12 : memref<!tpu.dma_semaphore, #tpu.memory_space<semaphore_mem>>)
    %dma_start3A_372 = arith.constant 8 : i32
    %dma_start3A_373 = arith.constant 0 : i32
    %dma_start3A_374 = tpu.memref_slice %arg7[%dma_start3A_372, %dma_start3A_373] : memref<16x128xi32, #tpu.memory_space<vmem>> -> memref<1x128xi32, #tpu.memory_space<vmem>>
    %dma_start3A_375 = tpu.memref_squeeze %dma_start3A_374 : memref<1x128xi32, #tpu.memory_space<vmem>> -> memref<128xi32, #tpu.memory_space<vmem>>
    %dma_start3A_376 = arith.constant 0 : i32
    %dma_start3A_377 = arith.constant 0 : i32
    %dma_start3A_378 = tpu.memref_slice %arg3[%dma_start3A_376, %dma_start3A_377] : memref<10000x128xf32, #tpu.memory_space<hbm>> -> memref<10000x128xf32, #tpu.memory_space<hbm>>
    tpu.enqueue_indirect_dma source(%dma_start3A_378 : memref<10000x128xf32, #tpu.memory_space<hbm>>) target(%arg10 : memref<128x128xf32, #tpu.memory_space<vmem>>) offsets(%dma_start3A_375 : memref<128xi32, #tpu.memory_space<vmem>>) semaphore(%arg14 : memref<!tpu.dma_semaphore, #tpu.memory_space<semaphore_mem>>)
    %dma_wait3A_379 = arith.constant 0 : i32
    %dma_wait3A_380 = arith.constant 0 : i32
    %dma_wait3A_381 = tpu.memref_slice %arg3[%dma_wait3A_379, %dma_wait3A_380] : memref<10000x128xf32, #tpu.memory_space<hbm>> -> memref<128x128xf32, #tpu.memory_space<hbm>>
    %dma_wait3A_382 = arith.constant 0 : i32
    %dma_wait3A_383 = arith.constant 0 : i32
    %dma_wait3A_384 = tpu.memref_slice %arg3[%dma_wait3A_382, %dma_wait3A_383] : memref<10000x128xf32, #tpu.memory_space<hbm>> -> memref<128x128xf32, #tpu.memory_space<hbm>>
    tpu.wait_dma2 semaphore(%arg13 : memref<!tpu.dma_semaphore, #tpu.memory_space<semaphore_mem>>) src(%dma_wait3A_384 : memref<128x128xf32, #tpu.memory_space<hbm>>) dst(%arg9 : memref<128x128xf32, #tpu.memory_space<vmem>>)
    %dma_wait3A_385 = arith.constant 0 : i32
    %dma_wait3A_386 = arith.constant 0 : i32
    %dma_wait3A_387 = tpu.memref_slice %arg3[%dma_wait3A_385, %dma_wait3A_386] : memref<10000x128xf32, #tpu.memory_space<hbm>> -> memref<128x128xf32, #tpu.memory_space<hbm>>
    %dma_wait3A_388 = arith.constant 0 : i32
    %dma_wait3A_389 = arith.constant 0 : i32
    %dma_wait3A_390 = tpu.memref_slice %arg3[%dma_wait3A_388, %dma_wait3A_389] : memref<10000x128xf32, #tpu.memory_space<hbm>> -> memref<128x128xf32, #tpu.memory_space<hbm>>
    tpu.wait_dma2 semaphore(%arg15 : memref<!tpu.dma_semaphore, #tpu.memory_space<semaphore_mem>>) src(%dma_wait3A_390 : memref<128x128xf32, #tpu.memory_space<hbm>>) dst(%arg11 : memref<128x128xf32, #tpu.memory_space<vmem>>)
    %mul3A_391 = arith.constant 2048 : i32
    %mul3A_392 = arith.muli %add3A, %mul3A_391 : i32
    %add3A_393 = arith.constant 896 : i32
    %add3A_394 = arith.addi %mul3A_392, %add3A_393 : i32
    %dma_start3A_395 = arith.constant 0 : i32
    %dma_start3A_396 = tpu.memref_slice %arg4[%add3A_394, %dma_start3A_395] : memref<65536x128xf32, #tpu.memory_space<hbm>> -> memref<128x128xf32, #tpu.memory_space<hbm>>
    %dma_start3A_397 = arith.constant 0 : i32
    %dma_start3A_398 = tpu.memref_slice %arg4[%add3A_394, %dma_start3A_397] : memref<65536x128xf32, #tpu.memory_space<hbm>> -> memref<128x128xf32, #tpu.memory_space<hbm>>
    tpu.enqueue_dma source(%arg9 : memref<128x128xf32, #tpu.memory_space<vmem>>) target(%dma_start3A_398 : memref<128x128xf32, #tpu.memory_space<hbm>>) target_semaphore(%arg17 : memref<!tpu.dma_semaphore, #tpu.memory_space<semaphore_mem>>)
    %dma_start3A_399 = arith.constant 0 : i32
    %dma_start3A_400 = tpu.memref_slice %arg5[%add3A_394, %dma_start3A_399] : memref<65536x128xf32, #tpu.memory_space<hbm>> -> memref<128x128xf32, #tpu.memory_space<hbm>>
    %dma_start3A_401 = arith.constant 0 : i32
    %dma_start3A_402 = tpu.memref_slice %arg5[%add3A_394, %dma_start3A_401] : memref<65536x128xf32, #tpu.memory_space<hbm>> -> memref<128x128xf32, #tpu.memory_space<hbm>>
    tpu.enqueue_dma source(%arg11 : memref<128x128xf32, #tpu.memory_space<vmem>>) target(%dma_start3A_402 : memref<128x128xf32, #tpu.memory_space<hbm>>) target_semaphore(%arg19 : memref<!tpu.dma_semaphore, #tpu.memory_space<semaphore_mem>>)
    %dma_wait3A_403 = arith.constant 0 : i32
    %dma_wait3A_404 = arith.constant 0 : i32
    %dma_wait3A_405 = tpu.memref_slice %arg4[%dma_wait3A_403, %dma_wait3A_404] : memref<65536x128xf32, #tpu.memory_space<hbm>> -> memref<128x128xf32, #tpu.memory_space<hbm>>
    %dma_wait3A_406 = arith.constant 0 : i32
    %dma_wait3A_407 = arith.constant 0 : i32
    %dma_wait3A_408 = tpu.memref_slice %arg4[%dma_wait3A_406, %dma_wait3A_407] : memref<65536x128xf32, #tpu.memory_space<hbm>> -> memref<128x128xf32, #tpu.memory_space<hbm>>
    tpu.wait_dma2 semaphore(%arg17 : memref<!tpu.dma_semaphore, #tpu.memory_space<semaphore_mem>>) src(%arg9 : memref<128x128xf32, #tpu.memory_space<vmem>>) dst(%dma_wait3A_408 : memref<128x128xf32, #tpu.memory_space<hbm>>)
    %dma_wait3A_409 = arith.constant 0 : i32
    %dma_wait3A_410 = arith.constant 0 : i32
    %dma_wait3A_411 = tpu.memref_slice %arg5[%dma_wait3A_409, %dma_wait3A_410] : memref<65536x128xf32, #tpu.memory_space<hbm>> -> memref<128x128xf32, #tpu.memory_space<hbm>>
    %dma_wait3A_412 = arith.constant 0 : i32
    %dma_wait3A_413 = arith.constant 0 : i32
    %dma_wait3A_414 = tpu.memref_slice %arg5[%dma_wait3A_412, %dma_wait3A_413] : memref<65536x128xf32, #tpu.memory_space<hbm>> -> memref<128x128xf32, #tpu.memory_space<hbm>>
    tpu.wait_dma2 semaphore(%arg19 : memref<!tpu.dma_semaphore, #tpu.memory_space<semaphore_mem>>) src(%arg11 : memref<128x128xf32, #tpu.memory_space<vmem>>) dst(%dma_wait3A_414 : memref<128x128xf32, #tpu.memory_space<hbm>>)
    %dma_start3A_415 = arith.constant 9 : i32
    %dma_start3A_416 = arith.constant 0 : i32
    %dma_start3A_417 = tpu.memref_slice %arg6[%dma_start3A_415, %dma_start3A_416] : memref<16x128xi32, #tpu.memory_space<vmem>> -> memref<1x128xi32, #tpu.memory_space<vmem>>
    %dma_start3A_418 = tpu.memref_squeeze %dma_start3A_417 : memref<1x128xi32, #tpu.memory_space<vmem>> -> memref<128xi32, #tpu.memory_space<vmem>>
    %dma_start3A_419 = arith.constant 0 : i32
    %dma_start3A_420 = arith.constant 0 : i32
    %dma_start3A_421 = tpu.memref_slice %arg3[%dma_start3A_419, %dma_start3A_420] : memref<10000x128xf32, #tpu.memory_space<hbm>> -> memref<10000x128xf32, #tpu.memory_space<hbm>>
    tpu.enqueue_indirect_dma source(%dma_start3A_421 : memref<10000x128xf32, #tpu.memory_space<hbm>>) target(%arg9 : memref<128x128xf32, #tpu.memory_space<vmem>>) offsets(%dma_start3A_418 : memref<128xi32, #tpu.memory_space<vmem>>) semaphore(%arg13 : memref<!tpu.dma_semaphore, #tpu.memory_space<semaphore_mem>>)
    %dma_start3A_422 = arith.constant 9 : i32
    %dma_start3A_423 = arith.constant 0 : i32
    %dma_start3A_424 = tpu.memref_slice %arg7[%dma_start3A_422, %dma_start3A_423] : memref<16x128xi32, #tpu.memory_space<vmem>> -> memref<1x128xi32, #tpu.memory_space<vmem>>
    %dma_start3A_425 = tpu.memref_squeeze %dma_start3A_424 : memref<1x128xi32, #tpu.memory_space<vmem>> -> memref<128xi32, #tpu.memory_space<vmem>>
    %dma_start3A_426 = arith.constant 0 : i32
    %dma_start3A_427 = arith.constant 0 : i32
    %dma_start3A_428 = tpu.memref_slice %arg3[%dma_start3A_426, %dma_start3A_427] : memref<10000x128xf32, #tpu.memory_space<hbm>> -> memref<10000x128xf32, #tpu.memory_space<hbm>>
    tpu.enqueue_indirect_dma source(%dma_start3A_428 : memref<10000x128xf32, #tpu.memory_space<hbm>>) target(%arg11 : memref<128x128xf32, #tpu.memory_space<vmem>>) offsets(%dma_start3A_425 : memref<128xi32, #tpu.memory_space<vmem>>) semaphore(%arg15 : memref<!tpu.dma_semaphore, #tpu.memory_space<semaphore_mem>>)
    %dma_wait3A_429 = arith.constant 0 : i32
    %dma_wait3A_430 = arith.constant 0 : i32
    %dma_wait3A_431 = tpu.memref_slice %arg3[%dma_wait3A_429, %dma_wait3A_430] : memref<10000x128xf32, #tpu.memory_space<hbm>> -> memref<128x128xf32, #tpu.memory_space<hbm>>
    %dma_wait3A_432 = arith.constant 0 : i32
    %dma_wait3A_433 = arith.constant 0 : i32
    %dma_wait3A_434 = tpu.memref_slice %arg3[%dma_wait3A_432, %dma_wait3A_433] : memref<10000x128xf32, #tpu.memory_space<hbm>> -> memref<128x128xf32, #tpu.memory_space<hbm>>
    tpu.wait_dma2 semaphore(%arg12 : memref<!tpu.dma_semaphore, #tpu.memory_space<semaphore_mem>>) src(%dma_wait3A_434 : memref<128x128xf32, #tpu.memory_space<hbm>>) dst(%arg8 : memref<128x128xf32, #tpu.memory_space<vmem>>)
    %dma_wait3A_435 = arith.constant 0 : i32
    %dma_wait3A_436 = arith.constant 0 : i32
    %dma_wait3A_437 = tpu.memref_slice %arg3[%dma_wait3A_435, %dma_wait3A_436] : memref<10000x128xf32, #tpu.memory_space<hbm>> -> memref<128x128xf32, #tpu.memory_space<hbm>>
    %dma_wait3A_438 = arith.constant 0 : i32
    %dma_wait3A_439 = arith.constant 0 : i32
    %dma_wait3A_440 = tpu.memref_slice %arg3[%dma_wait3A_438, %dma_wait3A_439] : memref<10000x128xf32, #tpu.memory_space<hbm>> -> memref<128x128xf32, #tpu.memory_space<hbm>>
    tpu.wait_dma2 semaphore(%arg14 : memref<!tpu.dma_semaphore, #tpu.memory_space<semaphore_mem>>) src(%dma_wait3A_440 : memref<128x128xf32, #tpu.memory_space<hbm>>) dst(%arg10 : memref<128x128xf32, #tpu.memory_space<vmem>>)
    %mul3A_441 = arith.constant 2048 : i32
    %mul3A_442 = arith.muli %add3A, %mul3A_441 : i32
    %add3A_443 = arith.constant 1024 : i32
    %add3A_444 = arith.addi %mul3A_442, %add3A_443 : i32
    %dma_start3A_445 = arith.constant 0 : i32
    %dma_start3A_446 = tpu.memref_slice %arg4[%add3A_444, %dma_start3A_445] : memref<65536x128xf32, #tpu.memory_space<hbm>> -> memref<128x128xf32, #tpu.memory_space<hbm>>
    %dma_start3A_447 = arith.constant 0 : i32
    %dma_start3A_448 = tpu.memref_slice %arg4[%add3A_444, %dma_start3A_447] : memref<65536x128xf32, #tpu.memory_space<hbm>> -> memref<128x128xf32, #tpu.memory_space<hbm>>
    tpu.enqueue_dma source(%arg8 : memref<128x128xf32, #tpu.memory_space<vmem>>) target(%dma_start3A_448 : memref<128x128xf32, #tpu.memory_space<hbm>>) target_semaphore(%arg16 : memref<!tpu.dma_semaphore, #tpu.memory_space<semaphore_mem>>)
    %dma_start3A_449 = arith.constant 0 : i32
    %dma_start3A_450 = tpu.memref_slice %arg5[%add3A_444, %dma_start3A_449] : memref<65536x128xf32, #tpu.memory_space<hbm>> -> memref<128x128xf32, #tpu.memory_space<hbm>>
    %dma_start3A_451 = arith.constant 0 : i32
    %dma_start3A_452 = tpu.memref_slice %arg5[%add3A_444, %dma_start3A_451] : memref<65536x128xf32, #tpu.memory_space<hbm>> -> memref<128x128xf32, #tpu.memory_space<hbm>>
    tpu.enqueue_dma source(%arg10 : memref<128x128xf32, #tpu.memory_space<vmem>>) target(%dma_start3A_452 : memref<128x128xf32, #tpu.memory_space<hbm>>) target_semaphore(%arg18 : memref<!tpu.dma_semaphore, #tpu.memory_space<semaphore_mem>>)
    %dma_wait3A_453 = arith.constant 0 : i32
    %dma_wait3A_454 = arith.constant 0 : i32
    %dma_wait3A_455 = tpu.memref_slice %arg4[%dma_wait3A_453, %dma_wait3A_454] : memref<65536x128xf32, #tpu.memory_space<hbm>> -> memref<128x128xf32, #tpu.memory_space<hbm>>
    %dma_wait3A_456 = arith.constant 0 : i32
    %dma_wait3A_457 = arith.constant 0 : i32
    %dma_wait3A_458 = tpu.memref_slice %arg4[%dma_wait3A_456, %dma_wait3A_457] : memref<65536x128xf32, #tpu.memory_space<hbm>> -> memref<128x128xf32, #tpu.memory_space<hbm>>
    tpu.wait_dma2 semaphore(%arg16 : memref<!tpu.dma_semaphore, #tpu.memory_space<semaphore_mem>>) src(%arg8 : memref<128x128xf32, #tpu.memory_space<vmem>>) dst(%dma_wait3A_458 : memref<128x128xf32, #tpu.memory_space<hbm>>)
    %dma_wait3A_459 = arith.constant 0 : i32
    %dma_wait3A_460 = arith.constant 0 : i32
    %dma_wait3A_461 = tpu.memref_slice %arg5[%dma_wait3A_459, %dma_wait3A_460] : memref<65536x128xf32, #tpu.memory_space<hbm>> -> memref<128x128xf32, #tpu.memory_space<hbm>>
    %dma_wait3A_462 = arith.constant 0 : i32
    %dma_wait3A_463 = arith.constant 0 : i32
    %dma_wait3A_464 = tpu.memref_slice %arg5[%dma_wait3A_462, %dma_wait3A_463] : memref<65536x128xf32, #tpu.memory_space<hbm>> -> memref<128x128xf32, #tpu.memory_space<hbm>>
    tpu.wait_dma2 semaphore(%arg18 : memref<!tpu.dma_semaphore, #tpu.memory_space<semaphore_mem>>) src(%arg10 : memref<128x128xf32, #tpu.memory_space<vmem>>) dst(%dma_wait3A_464 : memref<128x128xf32, #tpu.memory_space<hbm>>)
    %dma_start3A_465 = arith.constant 10 : i32
    %dma_start3A_466 = arith.constant 0 : i32
    %dma_start3A_467 = tpu.memref_slice %arg6[%dma_start3A_465, %dma_start3A_466] : memref<16x128xi32, #tpu.memory_space<vmem>> -> memref<1x128xi32, #tpu.memory_space<vmem>>
    %dma_start3A_468 = tpu.memref_squeeze %dma_start3A_467 : memref<1x128xi32, #tpu.memory_space<vmem>> -> memref<128xi32, #tpu.memory_space<vmem>>
    %dma_start3A_469 = arith.constant 0 : i32
    %dma_start3A_470 = arith.constant 0 : i32
    %dma_start3A_471 = tpu.memref_slice %arg3[%dma_start3A_469, %dma_start3A_470] : memref<10000x128xf32, #tpu.memory_space<hbm>> -> memref<10000x128xf32, #tpu.memory_space<hbm>>
    tpu.enqueue_indirect_dma source(%dma_start3A_471 : memref<10000x128xf32, #tpu.memory_space<hbm>>) target(%arg8 : memref<128x128xf32, #tpu.memory_space<vmem>>) offsets(%dma_start3A_468 : memref<128xi32, #tpu.memory_space<vmem>>) semaphore(%arg12 : memref<!tpu.dma_semaphore, #tpu.memory_space<semaphore_mem>>)
    %dma_start3A_472 = arith.constant 10 : i32
    %dma_start3A_473 = arith.constant 0 : i32
    %dma_start3A_474 = tpu.memref_slice %arg7[%dma_start3A_472, %dma_start3A_473] : memref<16x128xi32, #tpu.memory_space<vmem>> -> memref<1x128xi32, #tpu.memory_space<vmem>>
    %dma_start3A_475 = tpu.memref_squeeze %dma_start3A_474 : memref<1x128xi32, #tpu.memory_space<vmem>> -> memref<128xi32, #tpu.memory_space<vmem>>
    %dma_start3A_476 = arith.constant 0 : i32
    %dma_start3A_477 = arith.constant 0 : i32
    %dma_start3A_478 = tpu.memref_slice %arg3[%dma_start3A_476, %dma_start3A_477] : memref<10000x128xf32, #tpu.memory_space<hbm>> -> memref<10000x128xf32, #tpu.memory_space<hbm>>
    tpu.enqueue_indirect_dma source(%dma_start3A_478 : memref<10000x128xf32, #tpu.memory_space<hbm>>) target(%arg10 : memref<128x128xf32, #tpu.memory_space<vmem>>) offsets(%dma_start3A_475 : memref<128xi32, #tpu.memory_space<vmem>>) semaphore(%arg14 : memref<!tpu.dma_semaphore, #tpu.memory_space<semaphore_mem>>)
    %dma_wait3A_479 = arith.constant 0 : i32
    %dma_wait3A_480 = arith.constant 0 : i32
    %dma_wait3A_481 = tpu.memref_slice %arg3[%dma_wait3A_479, %dma_wait3A_480] : memref<10000x128xf32, #tpu.memory_space<hbm>> -> memref<128x128xf32, #tpu.memory_space<hbm>>
    %dma_wait3A_482 = arith.constant 0 : i32
    %dma_wait3A_483 = arith.constant 0 : i32
    %dma_wait3A_484 = tpu.memref_slice %arg3[%dma_wait3A_482, %dma_wait3A_483] : memref<10000x128xf32, #tpu.memory_space<hbm>> -> memref<128x128xf32, #tpu.memory_space<hbm>>
    tpu.wait_dma2 semaphore(%arg13 : memref<!tpu.dma_semaphore, #tpu.memory_space<semaphore_mem>>) src(%dma_wait3A_484 : memref<128x128xf32, #tpu.memory_space<hbm>>) dst(%arg9 : memref<128x128xf32, #tpu.memory_space<vmem>>)
    %dma_wait3A_485 = arith.constant 0 : i32
    %dma_wait3A_486 = arith.constant 0 : i32
    %dma_wait3A_487 = tpu.memref_slice %arg3[%dma_wait3A_485, %dma_wait3A_486] : memref<10000x128xf32, #tpu.memory_space<hbm>> -> memref<128x128xf32, #tpu.memory_space<hbm>>
    %dma_wait3A_488 = arith.constant 0 : i32
    %dma_wait3A_489 = arith.constant 0 : i32
    %dma_wait3A_490 = tpu.memref_slice %arg3[%dma_wait3A_488, %dma_wait3A_489] : memref<10000x128xf32, #tpu.memory_space<hbm>> -> memref<128x128xf32, #tpu.memory_space<hbm>>
    tpu.wait_dma2 semaphore(%arg15 : memref<!tpu.dma_semaphore, #tpu.memory_space<semaphore_mem>>) src(%dma_wait3A_490 : memref<128x128xf32, #tpu.memory_space<hbm>>) dst(%arg11 : memref<128x128xf32, #tpu.memory_space<vmem>>)
    %mul3A_491 = arith.constant 2048 : i32
    %mul3A_492 = arith.muli %add3A, %mul3A_491 : i32
    %add3A_493 = arith.constant 1152 : i32
    %add3A_494 = arith.addi %mul3A_492, %add3A_493 : i32
    %dma_start3A_495 = arith.constant 0 : i32
    %dma_start3A_496 = tpu.memref_slice %arg4[%add3A_494, %dma_start3A_495] : memref<65536x128xf32, #tpu.memory_space<hbm>> -> memref<128x128xf32, #tpu.memory_space<hbm>>
    %dma_start3A_497 = arith.constant 0 : i32
    %dma_start3A_498 = tpu.memref_slice %arg4[%add3A_494, %dma_start3A_497] : memref<65536x128xf32, #tpu.memory_space<hbm>> -> memref<128x128xf32, #tpu.memory_space<hbm>>
    tpu.enqueue_dma source(%arg9 : memref<128x128xf32, #tpu.memory_space<vmem>>) target(%dma_start3A_498 : memref<128x128xf32, #tpu.memory_space<hbm>>) target_semaphore(%arg17 : memref<!tpu.dma_semaphore, #tpu.memory_space<semaphore_mem>>)
    %dma_start3A_499 = arith.constant 0 : i32
    %dma_start3A_500 = tpu.memref_slice %arg5[%add3A_494, %dma_start3A_499] : memref<65536x128xf32, #tpu.memory_space<hbm>> -> memref<128x128xf32, #tpu.memory_space<hbm>>
    %dma_start3A_501 = arith.constant 0 : i32
    %dma_start3A_502 = tpu.memref_slice %arg5[%add3A_494, %dma_start3A_501] : memref<65536x128xf32, #tpu.memory_space<hbm>> -> memref<128x128xf32, #tpu.memory_space<hbm>>
    tpu.enqueue_dma source(%arg11 : memref<128x128xf32, #tpu.memory_space<vmem>>) target(%dma_start3A_502 : memref<128x128xf32, #tpu.memory_space<hbm>>) target_semaphore(%arg19 : memref<!tpu.dma_semaphore, #tpu.memory_space<semaphore_mem>>)
    %dma_wait3A_503 = arith.constant 0 : i32
    %dma_wait3A_504 = arith.constant 0 : i32
    %dma_wait3A_505 = tpu.memref_slice %arg4[%dma_wait3A_503, %dma_wait3A_504] : memref<65536x128xf32, #tpu.memory_space<hbm>> -> memref<128x128xf32, #tpu.memory_space<hbm>>
    %dma_wait3A_506 = arith.constant 0 : i32
    %dma_wait3A_507 = arith.constant 0 : i32
    %dma_wait3A_508 = tpu.memref_slice %arg4[%dma_wait3A_506, %dma_wait3A_507] : memref<65536x128xf32, #tpu.memory_space<hbm>> -> memref<128x128xf32, #tpu.memory_space<hbm>>
    tpu.wait_dma2 semaphore(%arg17 : memref<!tpu.dma_semaphore, #tpu.memory_space<semaphore_mem>>) src(%arg9 : memref<128x128xf32, #tpu.memory_space<vmem>>) dst(%dma_wait3A_508 : memref<128x128xf32, #tpu.memory_space<hbm>>)
    %dma_wait3A_509 = arith.constant 0 : i32
    %dma_wait3A_510 = arith.constant 0 : i32
    %dma_wait3A_511 = tpu.memref_slice %arg5[%dma_wait3A_509, %dma_wait3A_510] : memref<65536x128xf32, #tpu.memory_space<hbm>> -> memref<128x128xf32, #tpu.memory_space<hbm>>
    %dma_wait3A_512 = arith.constant 0 : i32
    %dma_wait3A_513 = arith.constant 0 : i32
    %dma_wait3A_514 = tpu.memref_slice %arg5[%dma_wait3A_512, %dma_wait3A_513] : memref<65536x128xf32, #tpu.memory_space<hbm>> -> memref<128x128xf32, #tpu.memory_space<hbm>>
    tpu.wait_dma2 semaphore(%arg19 : memref<!tpu.dma_semaphore, #tpu.memory_space<semaphore_mem>>) src(%arg11 : memref<128x128xf32, #tpu.memory_space<vmem>>) dst(%dma_wait3A_514 : memref<128x128xf32, #tpu.memory_space<hbm>>)
    %dma_start3A_515 = arith.constant 11 : i32
    %dma_start3A_516 = arith.constant 0 : i32
    %dma_start3A_517 = tpu.memref_slice %arg6[%dma_start3A_515, %dma_start3A_516] : memref<16x128xi32, #tpu.memory_space<vmem>> -> memref<1x128xi32, #tpu.memory_space<vmem>>
    %dma_start3A_518 = tpu.memref_squeeze %dma_start3A_517 : memref<1x128xi32, #tpu.memory_space<vmem>> -> memref<128xi32, #tpu.memory_space<vmem>>
    %dma_start3A_519 = arith.constant 0 : i32
    %dma_start3A_520 = arith.constant 0 : i32
    %dma_start3A_521 = tpu.memref_slice %arg3[%dma_start3A_519, %dma_start3A_520] : memref<10000x128xf32, #tpu.memory_space<hbm>> -> memref<10000x128xf32, #tpu.memory_space<hbm>>
    tpu.enqueue_indirect_dma source(%dma_start3A_521 : memref<10000x128xf32, #tpu.memory_space<hbm>>) target(%arg9 : memref<128x128xf32, #tpu.memory_space<vmem>>) offsets(%dma_start3A_518 : memref<128xi32, #tpu.memory_space<vmem>>) semaphore(%arg13 : memref<!tpu.dma_semaphore, #tpu.memory_space<semaphore_mem>>)
    %dma_start3A_522 = arith.constant 11 : i32
    %dma_start3A_523 = arith.constant 0 : i32
    %dma_start3A_524 = tpu.memref_slice %arg7[%dma_start3A_522, %dma_start3A_523] : memref<16x128xi32, #tpu.memory_space<vmem>> -> memref<1x128xi32, #tpu.memory_space<vmem>>
    %dma_start3A_525 = tpu.memref_squeeze %dma_start3A_524 : memref<1x128xi32, #tpu.memory_space<vmem>> -> memref<128xi32, #tpu.memory_space<vmem>>
    %dma_start3A_526 = arith.constant 0 : i32
    %dma_start3A_527 = arith.constant 0 : i32
    %dma_start3A_528 = tpu.memref_slice %arg3[%dma_start3A_526, %dma_start3A_527] : memref<10000x128xf32, #tpu.memory_space<hbm>> -> memref<10000x128xf32, #tpu.memory_space<hbm>>
    tpu.enqueue_indirect_dma source(%dma_start3A_528 : memref<10000x128xf32, #tpu.memory_space<hbm>>) target(%arg11 : memref<128x128xf32, #tpu.memory_space<vmem>>) offsets(%dma_start3A_525 : memref<128xi32, #tpu.memory_space<vmem>>) semaphore(%arg15 : memref<!tpu.dma_semaphore, #tpu.memory_space<semaphore_mem>>)
    %dma_wait3A_529 = arith.constant 0 : i32
    %dma_wait3A_530 = arith.constant 0 : i32
    %dma_wait3A_531 = tpu.memref_slice %arg3[%dma_wait3A_529, %dma_wait3A_530] : memref<10000x128xf32, #tpu.memory_space<hbm>> -> memref<128x128xf32, #tpu.memory_space<hbm>>
    %dma_wait3A_532 = arith.constant 0 : i32
    %dma_wait3A_533 = arith.constant 0 : i32
    %dma_wait3A_534 = tpu.memref_slice %arg3[%dma_wait3A_532, %dma_wait3A_533] : memref<10000x128xf32, #tpu.memory_space<hbm>> -> memref<128x128xf32, #tpu.memory_space<hbm>>
    tpu.wait_dma2 semaphore(%arg12 : memref<!tpu.dma_semaphore, #tpu.memory_space<semaphore_mem>>) src(%dma_wait3A_534 : memref<128x128xf32, #tpu.memory_space<hbm>>) dst(%arg8 : memref<128x128xf32, #tpu.memory_space<vmem>>)
    %dma_wait3A_535 = arith.constant 0 : i32
    %dma_wait3A_536 = arith.constant 0 : i32
    %dma_wait3A_537 = tpu.memref_slice %arg3[%dma_wait3A_535, %dma_wait3A_536] : memref<10000x128xf32, #tpu.memory_space<hbm>> -> memref<128x128xf32, #tpu.memory_space<hbm>>
    %dma_wait3A_538 = arith.constant 0 : i32
    %dma_wait3A_539 = arith.constant 0 : i32
    %dma_wait3A_540 = tpu.memref_slice %arg3[%dma_wait3A_538, %dma_wait3A_539] : memref<10000x128xf32, #tpu.memory_space<hbm>> -> memref<128x128xf32, #tpu.memory_space<hbm>>
    tpu.wait_dma2 semaphore(%arg14 : memref<!tpu.dma_semaphore, #tpu.memory_space<semaphore_mem>>) src(%dma_wait3A_540 : memref<128x128xf32, #tpu.memory_space<hbm>>) dst(%arg10 : memref<128x128xf32, #tpu.memory_space<vmem>>)
    %mul3A_541 = arith.constant 2048 : i32
    %mul3A_542 = arith.muli %add3A, %mul3A_541 : i32
    %add3A_543 = arith.constant 1280 : i32
    %add3A_544 = arith.addi %mul3A_542, %add3A_543 : i32
    %dma_start3A_545 = arith.constant 0 : i32
    %dma_start3A_546 = tpu.memref_slice %arg4[%add3A_544, %dma_start3A_545] : memref<65536x128xf32, #tpu.memory_space<hbm>> -> memref<128x128xf32, #tpu.memory_space<hbm>>
    %dma_start3A_547 = arith.constant 0 : i32
    %dma_start3A_548 = tpu.memref_slice %arg4[%add3A_544, %dma_start3A_547] : memref<65536x128xf32, #tpu.memory_space<hbm>> -> memref<128x128xf32, #tpu.memory_space<hbm>>
    tpu.enqueue_dma source(%arg8 : memref<128x128xf32, #tpu.memory_space<vmem>>) target(%dma_start3A_548 : memref<128x128xf32, #tpu.memory_space<hbm>>) target_semaphore(%arg16 : memref<!tpu.dma_semaphore, #tpu.memory_space<semaphore_mem>>)
    %dma_start3A_549 = arith.constant 0 : i32
    %dma_start3A_550 = tpu.memref_slice %arg5[%add3A_544, %dma_start3A_549] : memref<65536x128xf32, #tpu.memory_space<hbm>> -> memref<128x128xf32, #tpu.memory_space<hbm>>
    %dma_start3A_551 = arith.constant 0 : i32
    %dma_start3A_552 = tpu.memref_slice %arg5[%add3A_544, %dma_start3A_551] : memref<65536x128xf32, #tpu.memory_space<hbm>> -> memref<128x128xf32, #tpu.memory_space<hbm>>
    tpu.enqueue_dma source(%arg10 : memref<128x128xf32, #tpu.memory_space<vmem>>) target(%dma_start3A_552 : memref<128x128xf32, #tpu.memory_space<hbm>>) target_semaphore(%arg18 : memref<!tpu.dma_semaphore, #tpu.memory_space<semaphore_mem>>)
    %dma_wait3A_553 = arith.constant 0 : i32
    %dma_wait3A_554 = arith.constant 0 : i32
    %dma_wait3A_555 = tpu.memref_slice %arg4[%dma_wait3A_553, %dma_wait3A_554] : memref<65536x128xf32, #tpu.memory_space<hbm>> -> memref<128x128xf32, #tpu.memory_space<hbm>>
    %dma_wait3A_556 = arith.constant 0 : i32
    %dma_wait3A_557 = arith.constant 0 : i32
    %dma_wait3A_558 = tpu.memref_slice %arg4[%dma_wait3A_556, %dma_wait3A_557] : memref<65536x128xf32, #tpu.memory_space<hbm>> -> memref<128x128xf32, #tpu.memory_space<hbm>>
    tpu.wait_dma2 semaphore(%arg16 : memref<!tpu.dma_semaphore, #tpu.memory_space<semaphore_mem>>) src(%arg8 : memref<128x128xf32, #tpu.memory_space<vmem>>) dst(%dma_wait3A_558 : memref<128x128xf32, #tpu.memory_space<hbm>>)
    %dma_wait3A_559 = arith.constant 0 : i32
    %dma_wait3A_560 = arith.constant 0 : i32
    %dma_wait3A_561 = tpu.memref_slice %arg5[%dma_wait3A_559, %dma_wait3A_560] : memref<65536x128xf32, #tpu.memory_space<hbm>> -> memref<128x128xf32, #tpu.memory_space<hbm>>
    %dma_wait3A_562 = arith.constant 0 : i32
    %dma_wait3A_563 = arith.constant 0 : i32
    %dma_wait3A_564 = tpu.memref_slice %arg5[%dma_wait3A_562, %dma_wait3A_563] : memref<65536x128xf32, #tpu.memory_space<hbm>> -> memref<128x128xf32, #tpu.memory_space<hbm>>
    tpu.wait_dma2 semaphore(%arg18 : memref<!tpu.dma_semaphore, #tpu.memory_space<semaphore_mem>>) src(%arg10 : memref<128x128xf32, #tpu.memory_space<vmem>>) dst(%dma_wait3A_564 : memref<128x128xf32, #tpu.memory_space<hbm>>)
    %dma_start3A_565 = arith.constant 12 : i32
    %dma_start3A_566 = arith.constant 0 : i32
    %dma_start3A_567 = tpu.memref_slice %arg6[%dma_start3A_565, %dma_start3A_566] : memref<16x128xi32, #tpu.memory_space<vmem>> -> memref<1x128xi32, #tpu.memory_space<vmem>>
    %dma_start3A_568 = tpu.memref_squeeze %dma_start3A_567 : memref<1x128xi32, #tpu.memory_space<vmem>> -> memref<128xi32, #tpu.memory_space<vmem>>
    %dma_start3A_569 = arith.constant 0 : i32
    %dma_start3A_570 = arith.constant 0 : i32
    %dma_start3A_571 = tpu.memref_slice %arg3[%dma_start3A_569, %dma_start3A_570] : memref<10000x128xf32, #tpu.memory_space<hbm>> -> memref<10000x128xf32, #tpu.memory_space<hbm>>
    tpu.enqueue_indirect_dma source(%dma_start3A_571 : memref<10000x128xf32, #tpu.memory_space<hbm>>) target(%arg8 : memref<128x128xf32, #tpu.memory_space<vmem>>) offsets(%dma_start3A_568 : memref<128xi32, #tpu.memory_space<vmem>>) semaphore(%arg12 : memref<!tpu.dma_semaphore, #tpu.memory_space<semaphore_mem>>)
    %dma_start3A_572 = arith.constant 12 : i32
    %dma_start3A_573 = arith.constant 0 : i32
    %dma_start3A_574 = tpu.memref_slice %arg7[%dma_start3A_572, %dma_start3A_573] : memref<16x128xi32, #tpu.memory_space<vmem>> -> memref<1x128xi32, #tpu.memory_space<vmem>>
    %dma_start3A_575 = tpu.memref_squeeze %dma_start3A_574 : memref<1x128xi32, #tpu.memory_space<vmem>> -> memref<128xi32, #tpu.memory_space<vmem>>
    %dma_start3A_576 = arith.constant 0 : i32
    %dma_start3A_577 = arith.constant 0 : i32
    %dma_start3A_578 = tpu.memref_slice %arg3[%dma_start3A_576, %dma_start3A_577] : memref<10000x128xf32, #tpu.memory_space<hbm>> -> memref<10000x128xf32, #tpu.memory_space<hbm>>
    tpu.enqueue_indirect_dma source(%dma_start3A_578 : memref<10000x128xf32, #tpu.memory_space<hbm>>) target(%arg10 : memref<128x128xf32, #tpu.memory_space<vmem>>) offsets(%dma_start3A_575 : memref<128xi32, #tpu.memory_space<vmem>>) semaphore(%arg14 : memref<!tpu.dma_semaphore, #tpu.memory_space<semaphore_mem>>)
    %dma_wait3A_579 = arith.constant 0 : i32
    %dma_wait3A_580 = arith.constant 0 : i32
    %dma_wait3A_581 = tpu.memref_slice %arg3[%dma_wait3A_579, %dma_wait3A_580] : memref<10000x128xf32, #tpu.memory_space<hbm>> -> memref<128x128xf32, #tpu.memory_space<hbm>>
    %dma_wait3A_582 = arith.constant 0 : i32
    %dma_wait3A_583 = arith.constant 0 : i32
    %dma_wait3A_584 = tpu.memref_slice %arg3[%dma_wait3A_582, %dma_wait3A_583] : memref<10000x128xf32, #tpu.memory_space<hbm>> -> memref<128x128xf32, #tpu.memory_space<hbm>>
    tpu.wait_dma2 semaphore(%arg13 : memref<!tpu.dma_semaphore, #tpu.memory_space<semaphore_mem>>) src(%dma_wait3A_584 : memref<128x128xf32, #tpu.memory_space<hbm>>) dst(%arg9 : memref<128x128xf32, #tpu.memory_space<vmem>>)
    %dma_wait3A_585 = arith.constant 0 : i32
    %dma_wait3A_586 = arith.constant 0 : i32
    %dma_wait3A_587 = tpu.memref_slice %arg3[%dma_wait3A_585, %dma_wait3A_586] : memref<10000x128xf32, #tpu.memory_space<hbm>> -> memref<128x128xf32, #tpu.memory_space<hbm>>
    %dma_wait3A_588 = arith.constant 0 : i32
    %dma_wait3A_589 = arith.constant 0 : i32
    %dma_wait3A_590 = tpu.memref_slice %arg3[%dma_wait3A_588, %dma_wait3A_589] : memref<10000x128xf32, #tpu.memory_space<hbm>> -> memref<128x128xf32, #tpu.memory_space<hbm>>
    tpu.wait_dma2 semaphore(%arg15 : memref<!tpu.dma_semaphore, #tpu.memory_space<semaphore_mem>>) src(%dma_wait3A_590 : memref<128x128xf32, #tpu.memory_space<hbm>>) dst(%arg11 : memref<128x128xf32, #tpu.memory_space<vmem>>)
    %mul3A_591 = arith.constant 2048 : i32
    %mul3A_592 = arith.muli %add3A, %mul3A_591 : i32
    %add3A_593 = arith.constant 1408 : i32
    %add3A_594 = arith.addi %mul3A_592, %add3A_593 : i32
    %dma_start3A_595 = arith.constant 0 : i32
    %dma_start3A_596 = tpu.memref_slice %arg4[%add3A_594, %dma_start3A_595] : memref<65536x128xf32, #tpu.memory_space<hbm>> -> memref<128x128xf32, #tpu.memory_space<hbm>>
    %dma_start3A_597 = arith.constant 0 : i32
    %dma_start3A_598 = tpu.memref_slice %arg4[%add3A_594, %dma_start3A_597] : memref<65536x128xf32, #tpu.memory_space<hbm>> -> memref<128x128xf32, #tpu.memory_space<hbm>>
    tpu.enqueue_dma source(%arg9 : memref<128x128xf32, #tpu.memory_space<vmem>>) target(%dma_start3A_598 : memref<128x128xf32, #tpu.memory_space<hbm>>) target_semaphore(%arg17 : memref<!tpu.dma_semaphore, #tpu.memory_space<semaphore_mem>>)
    %dma_start3A_599 = arith.constant 0 : i32
    %dma_start3A_600 = tpu.memref_slice %arg5[%add3A_594, %dma_start3A_599] : memref<65536x128xf32, #tpu.memory_space<hbm>> -> memref<128x128xf32, #tpu.memory_space<hbm>>
    %dma_start3A_601 = arith.constant 0 : i32
    %dma_start3A_602 = tpu.memref_slice %arg5[%add3A_594, %dma_start3A_601] : memref<65536x128xf32, #tpu.memory_space<hbm>> -> memref<128x128xf32, #tpu.memory_space<hbm>>
    tpu.enqueue_dma source(%arg11 : memref<128x128xf32, #tpu.memory_space<vmem>>) target(%dma_start3A_602 : memref<128x128xf32, #tpu.memory_space<hbm>>) target_semaphore(%arg19 : memref<!tpu.dma_semaphore, #tpu.memory_space<semaphore_mem>>)
    %dma_wait3A_603 = arith.constant 0 : i32
    %dma_wait3A_604 = arith.constant 0 : i32
    %dma_wait3A_605 = tpu.memref_slice %arg4[%dma_wait3A_603, %dma_wait3A_604] : memref<65536x128xf32, #tpu.memory_space<hbm>> -> memref<128x128xf32, #tpu.memory_space<hbm>>
    %dma_wait3A_606 = arith.constant 0 : i32
    %dma_wait3A_607 = arith.constant 0 : i32
    %dma_wait3A_608 = tpu.memref_slice %arg4[%dma_wait3A_606, %dma_wait3A_607] : memref<65536x128xf32, #tpu.memory_space<hbm>> -> memref<128x128xf32, #tpu.memory_space<hbm>>
    tpu.wait_dma2 semaphore(%arg17 : memref<!tpu.dma_semaphore, #tpu.memory_space<semaphore_mem>>) src(%arg9 : memref<128x128xf32, #tpu.memory_space<vmem>>) dst(%dma_wait3A_608 : memref<128x128xf32, #tpu.memory_space<hbm>>)
    %dma_wait3A_609 = arith.constant 0 : i32
    %dma_wait3A_610 = arith.constant 0 : i32
    %dma_wait3A_611 = tpu.memref_slice %arg5[%dma_wait3A_609, %dma_wait3A_610] : memref<65536x128xf32, #tpu.memory_space<hbm>> -> memref<128x128xf32, #tpu.memory_space<hbm>>
    %dma_wait3A_612 = arith.constant 0 : i32
    %dma_wait3A_613 = arith.constant 0 : i32
    %dma_wait3A_614 = tpu.memref_slice %arg5[%dma_wait3A_612, %dma_wait3A_613] : memref<65536x128xf32, #tpu.memory_space<hbm>> -> memref<128x128xf32, #tpu.memory_space<hbm>>
    tpu.wait_dma2 semaphore(%arg19 : memref<!tpu.dma_semaphore, #tpu.memory_space<semaphore_mem>>) src(%arg11 : memref<128x128xf32, #tpu.memory_space<vmem>>) dst(%dma_wait3A_614 : memref<128x128xf32, #tpu.memory_space<hbm>>)
    %dma_start3A_615 = arith.constant 13 : i32
    %dma_start3A_616 = arith.constant 0 : i32
    %dma_start3A_617 = tpu.memref_slice %arg6[%dma_start3A_615, %dma_start3A_616] : memref<16x128xi32, #tpu.memory_space<vmem>> -> memref<1x128xi32, #tpu.memory_space<vmem>>
    %dma_start3A_618 = tpu.memref_squeeze %dma_start3A_617 : memref<1x128xi32, #tpu.memory_space<vmem>> -> memref<128xi32, #tpu.memory_space<vmem>>
    %dma_start3A_619 = arith.constant 0 : i32
    %dma_start3A_620 = arith.constant 0 : i32
    %dma_start3A_621 = tpu.memref_slice %arg3[%dma_start3A_619, %dma_start3A_620] : memref<10000x128xf32, #tpu.memory_space<hbm>> -> memref<10000x128xf32, #tpu.memory_space<hbm>>
    tpu.enqueue_indirect_dma source(%dma_start3A_621 : memref<10000x128xf32, #tpu.memory_space<hbm>>) target(%arg9 : memref<128x128xf32, #tpu.memory_space<vmem>>) offsets(%dma_start3A_618 : memref<128xi32, #tpu.memory_space<vmem>>) semaphore(%arg13 : memref<!tpu.dma_semaphore, #tpu.memory_space<semaphore_mem>>)
    %dma_start3A_622 = arith.constant 13 : i32
    %dma_start3A_623 = arith.constant 0 : i32
    %dma_start3A_624 = tpu.memref_slice %arg7[%dma_start3A_622, %dma_start3A_623] : memref<16x128xi32, #tpu.memory_space<vmem>> -> memref<1x128xi32, #tpu.memory_space<vmem>>
    %dma_start3A_625 = tpu.memref_squeeze %dma_start3A_624 : memref<1x128xi32, #tpu.memory_space<vmem>> -> memref<128xi32, #tpu.memory_space<vmem>>
    %dma_start3A_626 = arith.constant 0 : i32
    %dma_start3A_627 = arith.constant 0 : i32
    %dma_start3A_628 = tpu.memref_slice %arg3[%dma_start3A_626, %dma_start3A_627] : memref<10000x128xf32, #tpu.memory_space<hbm>> -> memref<10000x128xf32, #tpu.memory_space<hbm>>
    tpu.enqueue_indirect_dma source(%dma_start3A_628 : memref<10000x128xf32, #tpu.memory_space<hbm>>) target(%arg11 : memref<128x128xf32, #tpu.memory_space<vmem>>) offsets(%dma_start3A_625 : memref<128xi32, #tpu.memory_space<vmem>>) semaphore(%arg15 : memref<!tpu.dma_semaphore, #tpu.memory_space<semaphore_mem>>)
    %dma_wait3A_629 = arith.constant 0 : i32
    %dma_wait3A_630 = arith.constant 0 : i32
    %dma_wait3A_631 = tpu.memref_slice %arg3[%dma_wait3A_629, %dma_wait3A_630] : memref<10000x128xf32, #tpu.memory_space<hbm>> -> memref<128x128xf32, #tpu.memory_space<hbm>>
    %dma_wait3A_632 = arith.constant 0 : i32
    %dma_wait3A_633 = arith.constant 0 : i32
    %dma_wait3A_634 = tpu.memref_slice %arg3[%dma_wait3A_632, %dma_wait3A_633] : memref<10000x128xf32, #tpu.memory_space<hbm>> -> memref<128x128xf32, #tpu.memory_space<hbm>>
    tpu.wait_dma2 semaphore(%arg12 : memref<!tpu.dma_semaphore, #tpu.memory_space<semaphore_mem>>) src(%dma_wait3A_634 : memref<128x128xf32, #tpu.memory_space<hbm>>) dst(%arg8 : memref<128x128xf32, #tpu.memory_space<vmem>>)
    %dma_wait3A_635 = arith.constant 0 : i32
    %dma_wait3A_636 = arith.constant 0 : i32
    %dma_wait3A_637 = tpu.memref_slice %arg3[%dma_wait3A_635, %dma_wait3A_636] : memref<10000x128xf32, #tpu.memory_space<hbm>> -> memref<128x128xf32, #tpu.memory_space<hbm>>
    %dma_wait3A_638 = arith.constant 0 : i32
    %dma_wait3A_639 = arith.constant 0 : i32
    %dma_wait3A_640 = tpu.memref_slice %arg3[%dma_wait3A_638, %dma_wait3A_639] : memref<10000x128xf32, #tpu.memory_space<hbm>> -> memref<128x128xf32, #tpu.memory_space<hbm>>
    tpu.wait_dma2 semaphore(%arg14 : memref<!tpu.dma_semaphore, #tpu.memory_space<semaphore_mem>>) src(%dma_wait3A_640 : memref<128x128xf32, #tpu.memory_space<hbm>>) dst(%arg10 : memref<128x128xf32, #tpu.memory_space<vmem>>)
    %mul3A_641 = arith.constant 2048 : i32
    %mul3A_642 = arith.muli %add3A, %mul3A_641 : i32
    %add3A_643 = arith.constant 1536 : i32
    %add3A_644 = arith.addi %mul3A_642, %add3A_643 : i32
    %dma_start3A_645 = arith.constant 0 : i32
    %dma_start3A_646 = tpu.memref_slice %arg4[%add3A_644, %dma_start3A_645] : memref<65536x128xf32, #tpu.memory_space<hbm>> -> memref<128x128xf32, #tpu.memory_space<hbm>>
    %dma_start3A_647 = arith.constant 0 : i32
    %dma_start3A_648 = tpu.memref_slice %arg4[%add3A_644, %dma_start3A_647] : memref<65536x128xf32, #tpu.memory_space<hbm>> -> memref<128x128xf32, #tpu.memory_space<hbm>>
    tpu.enqueue_dma source(%arg8 : memref<128x128xf32, #tpu.memory_space<vmem>>) target(%dma_start3A_648 : memref<128x128xf32, #tpu.memory_space<hbm>>) target_semaphore(%arg16 : memref<!tpu.dma_semaphore, #tpu.memory_space<semaphore_mem>>)
    %dma_start3A_649 = arith.constant 0 : i32
    %dma_start3A_650 = tpu.memref_slice %arg5[%add3A_644, %dma_start3A_649] : memref<65536x128xf32, #tpu.memory_space<hbm>> -> memref<128x128xf32, #tpu.memory_space<hbm>>
    %dma_start3A_651 = arith.constant 0 : i32
    %dma_start3A_652 = tpu.memref_slice %arg5[%add3A_644, %dma_start3A_651] : memref<65536x128xf32, #tpu.memory_space<hbm>> -> memref<128x128xf32, #tpu.memory_space<hbm>>
    tpu.enqueue_dma source(%arg10 : memref<128x128xf32, #tpu.memory_space<vmem>>) target(%dma_start3A_652 : memref<128x128xf32, #tpu.memory_space<hbm>>) target_semaphore(%arg18 : memref<!tpu.dma_semaphore, #tpu.memory_space<semaphore_mem>>)
    %dma_wait3A_653 = arith.constant 0 : i32
    %dma_wait3A_654 = arith.constant 0 : i32
    %dma_wait3A_655 = tpu.memref_slice %arg4[%dma_wait3A_653, %dma_wait3A_654] : memref<65536x128xf32, #tpu.memory_space<hbm>> -> memref<128x128xf32, #tpu.memory_space<hbm>>
    %dma_wait3A_656 = arith.constant 0 : i32
    %dma_wait3A_657 = arith.constant 0 : i32
    %dma_wait3A_658 = tpu.memref_slice %arg4[%dma_wait3A_656, %dma_wait3A_657] : memref<65536x128xf32, #tpu.memory_space<hbm>> -> memref<128x128xf32, #tpu.memory_space<hbm>>
    tpu.wait_dma2 semaphore(%arg16 : memref<!tpu.dma_semaphore, #tpu.memory_space<semaphore_mem>>) src(%arg8 : memref<128x128xf32, #tpu.memory_space<vmem>>) dst(%dma_wait3A_658 : memref<128x128xf32, #tpu.memory_space<hbm>>)
    %dma_wait3A_659 = arith.constant 0 : i32
    %dma_wait3A_660 = arith.constant 0 : i32
    %dma_wait3A_661 = tpu.memref_slice %arg5[%dma_wait3A_659, %dma_wait3A_660] : memref<65536x128xf32, #tpu.memory_space<hbm>> -> memref<128x128xf32, #tpu.memory_space<hbm>>
    %dma_wait3A_662 = arith.constant 0 : i32
    %dma_wait3A_663 = arith.constant 0 : i32
    %dma_wait3A_664 = tpu.memref_slice %arg5[%dma_wait3A_662, %dma_wait3A_663] : memref<65536x128xf32, #tpu.memory_space<hbm>> -> memref<128x128xf32, #tpu.memory_space<hbm>>
    tpu.wait_dma2 semaphore(%arg18 : memref<!tpu.dma_semaphore, #tpu.memory_space<semaphore_mem>>) src(%arg10 : memref<128x128xf32, #tpu.memory_space<vmem>>) dst(%dma_wait3A_664 : memref<128x128xf32, #tpu.memory_space<hbm>>)
    %dma_start3A_665 = arith.constant 14 : i32
    %dma_start3A_666 = arith.constant 0 : i32
    %dma_start3A_667 = tpu.memref_slice %arg6[%dma_start3A_665, %dma_start3A_666] : memref<16x128xi32, #tpu.memory_space<vmem>> -> memref<1x128xi32, #tpu.memory_space<vmem>>
    %dma_start3A_668 = tpu.memref_squeeze %dma_start3A_667 : memref<1x128xi32, #tpu.memory_space<vmem>> -> memref<128xi32, #tpu.memory_space<vmem>>
    %dma_start3A_669 = arith.constant 0 : i32
    %dma_start3A_670 = arith.constant 0 : i32
    %dma_start3A_671 = tpu.memref_slice %arg3[%dma_start3A_669, %dma_start3A_670] : memref<10000x128xf32, #tpu.memory_space<hbm>> -> memref<10000x128xf32, #tpu.memory_space<hbm>>
    tpu.enqueue_indirect_dma source(%dma_start3A_671 : memref<10000x128xf32, #tpu.memory_space<hbm>>) target(%arg8 : memref<128x128xf32, #tpu.memory_space<vmem>>) offsets(%dma_start3A_668 : memref<128xi32, #tpu.memory_space<vmem>>) semaphore(%arg12 : memref<!tpu.dma_semaphore, #tpu.memory_space<semaphore_mem>>)
    %dma_start3A_672 = arith.constant 14 : i32
    %dma_start3A_673 = arith.constant 0 : i32
    %dma_start3A_674 = tpu.memref_slice %arg7[%dma_start3A_672, %dma_start3A_673] : memref<16x128xi32, #tpu.memory_space<vmem>> -> memref<1x128xi32, #tpu.memory_space<vmem>>
    %dma_start3A_675 = tpu.memref_squeeze %dma_start3A_674 : memref<1x128xi32, #tpu.memory_space<vmem>> -> memref<128xi32, #tpu.memory_space<vmem>>
    %dma_start3A_676 = arith.constant 0 : i32
    %dma_start3A_677 = arith.constant 0 : i32
    %dma_start3A_678 = tpu.memref_slice %arg3[%dma_start3A_676, %dma_start3A_677] : memref<10000x128xf32, #tpu.memory_space<hbm>> -> memref<10000x128xf32, #tpu.memory_space<hbm>>
    tpu.enqueue_indirect_dma source(%dma_start3A_678 : memref<10000x128xf32, #tpu.memory_space<hbm>>) target(%arg10 : memref<128x128xf32, #tpu.memory_space<vmem>>) offsets(%dma_start3A_675 : memref<128xi32, #tpu.memory_space<vmem>>) semaphore(%arg14 : memref<!tpu.dma_semaphore, #tpu.memory_space<semaphore_mem>>)
    %dma_wait3A_679 = arith.constant 0 : i32
    %dma_wait3A_680 = arith.constant 0 : i32
    %dma_wait3A_681 = tpu.memref_slice %arg3[%dma_wait3A_679, %dma_wait3A_680] : memref<10000x128xf32, #tpu.memory_space<hbm>> -> memref<128x128xf32, #tpu.memory_space<hbm>>
    %dma_wait3A_682 = arith.constant 0 : i32
    %dma_wait3A_683 = arith.constant 0 : i32
    %dma_wait3A_684 = tpu.memref_slice %arg3[%dma_wait3A_682, %dma_wait3A_683] : memref<10000x128xf32, #tpu.memory_space<hbm>> -> memref<128x128xf32, #tpu.memory_space<hbm>>
    tpu.wait_dma2 semaphore(%arg13 : memref<!tpu.dma_semaphore, #tpu.memory_space<semaphore_mem>>) src(%dma_wait3A_684 : memref<128x128xf32, #tpu.memory_space<hbm>>) dst(%arg9 : memref<128x128xf32, #tpu.memory_space<vmem>>)
    %dma_wait3A_685 = arith.constant 0 : i32
    %dma_wait3A_686 = arith.constant 0 : i32
    %dma_wait3A_687 = tpu.memref_slice %arg3[%dma_wait3A_685, %dma_wait3A_686] : memref<10000x128xf32, #tpu.memory_space<hbm>> -> memref<128x128xf32, #tpu.memory_space<hbm>>
    %dma_wait3A_688 = arith.constant 0 : i32
    %dma_wait3A_689 = arith.constant 0 : i32
    %dma_wait3A_690 = tpu.memref_slice %arg3[%dma_wait3A_688, %dma_wait3A_689] : memref<10000x128xf32, #tpu.memory_space<hbm>> -> memref<128x128xf32, #tpu.memory_space<hbm>>
    tpu.wait_dma2 semaphore(%arg15 : memref<!tpu.dma_semaphore, #tpu.memory_space<semaphore_mem>>) src(%dma_wait3A_690 : memref<128x128xf32, #tpu.memory_space<hbm>>) dst(%arg11 : memref<128x128xf32, #tpu.memory_space<vmem>>)
    %mul3A_691 = arith.constant 2048 : i32
    %mul3A_692 = arith.muli %add3A, %mul3A_691 : i32
    %add3A_693 = arith.constant 1664 : i32
    %add3A_694 = arith.addi %mul3A_692, %add3A_693 : i32
    %dma_start3A_695 = arith.constant 0 : i32
    %dma_start3A_696 = tpu.memref_slice %arg4[%add3A_694, %dma_start3A_695] : memref<65536x128xf32, #tpu.memory_space<hbm>> -> memref<128x128xf32, #tpu.memory_space<hbm>>
    %dma_start3A_697 = arith.constant 0 : i32
    %dma_start3A_698 = tpu.memref_slice %arg4[%add3A_694, %dma_start3A_697] : memref<65536x128xf32, #tpu.memory_space<hbm>> -> memref<128x128xf32, #tpu.memory_space<hbm>>
    tpu.enqueue_dma source(%arg9 : memref<128x128xf32, #tpu.memory_space<vmem>>) target(%dma_start3A_698 : memref<128x128xf32, #tpu.memory_space<hbm>>) target_semaphore(%arg17 : memref<!tpu.dma_semaphore, #tpu.memory_space<semaphore_mem>>)
    %dma_start3A_699 = arith.constant 0 : i32
    %dma_start3A_700 = tpu.memref_slice %arg5[%add3A_694, %dma_start3A_699] : memref<65536x128xf32, #tpu.memory_space<hbm>> -> memref<128x128xf32, #tpu.memory_space<hbm>>
    %dma_start3A_701 = arith.constant 0 : i32
    %dma_start3A_702 = tpu.memref_slice %arg5[%add3A_694, %dma_start3A_701] : memref<65536x128xf32, #tpu.memory_space<hbm>> -> memref<128x128xf32, #tpu.memory_space<hbm>>
    tpu.enqueue_dma source(%arg11 : memref<128x128xf32, #tpu.memory_space<vmem>>) target(%dma_start3A_702 : memref<128x128xf32, #tpu.memory_space<hbm>>) target_semaphore(%arg19 : memref<!tpu.dma_semaphore, #tpu.memory_space<semaphore_mem>>)
    %dma_wait3A_703 = arith.constant 0 : i32
    %dma_wait3A_704 = arith.constant 0 : i32
    %dma_wait3A_705 = tpu.memref_slice %arg4[%dma_wait3A_703, %dma_wait3A_704] : memref<65536x128xf32, #tpu.memory_space<hbm>> -> memref<128x128xf32, #tpu.memory_space<hbm>>
    %dma_wait3A_706 = arith.constant 0 : i32
    %dma_wait3A_707 = arith.constant 0 : i32
    %dma_wait3A_708 = tpu.memref_slice %arg4[%dma_wait3A_706, %dma_wait3A_707] : memref<65536x128xf32, #tpu.memory_space<hbm>> -> memref<128x128xf32, #tpu.memory_space<hbm>>
    tpu.wait_dma2 semaphore(%arg17 : memref<!tpu.dma_semaphore, #tpu.memory_space<semaphore_mem>>) src(%arg9 : memref<128x128xf32, #tpu.memory_space<vmem>>) dst(%dma_wait3A_708 : memref<128x128xf32, #tpu.memory_space<hbm>>)
    %dma_wait3A_709 = arith.constant 0 : i32
    %dma_wait3A_710 = arith.constant 0 : i32
    %dma_wait3A_711 = tpu.memref_slice %arg5[%dma_wait3A_709, %dma_wait3A_710] : memref<65536x128xf32, #tpu.memory_space<hbm>> -> memref<128x128xf32, #tpu.memory_space<hbm>>
    %dma_wait3A_712 = arith.constant 0 : i32
    %dma_wait3A_713 = arith.constant 0 : i32
    %dma_wait3A_714 = tpu.memref_slice %arg5[%dma_wait3A_712, %dma_wait3A_713] : memref<65536x128xf32, #tpu.memory_space<hbm>> -> memref<128x128xf32, #tpu.memory_space<hbm>>
    tpu.wait_dma2 semaphore(%arg19 : memref<!tpu.dma_semaphore, #tpu.memory_space<semaphore_mem>>) src(%arg11 : memref<128x128xf32, #tpu.memory_space<vmem>>) dst(%dma_wait3A_714 : memref<128x128xf32, #tpu.memory_space<hbm>>)
    %dma_start3A_715 = arith.constant 15 : i32
    %dma_start3A_716 = arith.constant 0 : i32
    %dma_start3A_717 = tpu.memref_slice %arg6[%dma_start3A_715, %dma_start3A_716] : memref<16x128xi32, #tpu.memory_space<vmem>> -> memref<1x128xi32, #tpu.memory_space<vmem>>
    %dma_start3A_718 = tpu.memref_squeeze %dma_start3A_717 : memref<1x128xi32, #tpu.memory_space<vmem>> -> memref<128xi32, #tpu.memory_space<vmem>>
    %dma_start3A_719 = arith.constant 0 : i32
    %dma_start3A_720 = arith.constant 0 : i32
    %dma_start3A_721 = tpu.memref_slice %arg3[%dma_start3A_719, %dma_start3A_720] : memref<10000x128xf32, #tpu.memory_space<hbm>> -> memref<10000x128xf32, #tpu.memory_space<hbm>>
    tpu.enqueue_indirect_dma source(%dma_start3A_721 : memref<10000x128xf32, #tpu.memory_space<hbm>>) target(%arg9 : memref<128x128xf32, #tpu.memory_space<vmem>>) offsets(%dma_start3A_718 : memref<128xi32, #tpu.memory_space<vmem>>) semaphore(%arg13 : memref<!tpu.dma_semaphore, #tpu.memory_space<semaphore_mem>>)
    %dma_start3A_722 = arith.constant 15 : i32
    %dma_start3A_723 = arith.constant 0 : i32
    %dma_start3A_724 = tpu.memref_slice %arg7[%dma_start3A_722, %dma_start3A_723] : memref<16x128xi32, #tpu.memory_space<vmem>> -> memref<1x128xi32, #tpu.memory_space<vmem>>
    %dma_start3A_725 = tpu.memref_squeeze %dma_start3A_724 : memref<1x128xi32, #tpu.memory_space<vmem>> -> memref<128xi32, #tpu.memory_space<vmem>>
    %dma_start3A_726 = arith.constant 0 : i32
    %dma_start3A_727 = arith.constant 0 : i32
    %dma_start3A_728 = tpu.memref_slice %arg3[%dma_start3A_726, %dma_start3A_727] : memref<10000x128xf32, #tpu.memory_space<hbm>> -> memref<10000x128xf32, #tpu.memory_space<hbm>>
    tpu.enqueue_indirect_dma source(%dma_start3A_728 : memref<10000x128xf32, #tpu.memory_space<hbm>>) target(%arg11 : memref<128x128xf32, #tpu.memory_space<vmem>>) offsets(%dma_start3A_725 : memref<128xi32, #tpu.memory_space<vmem>>) semaphore(%arg15 : memref<!tpu.dma_semaphore, #tpu.memory_space<semaphore_mem>>)
    %dma_wait3A_729 = arith.constant 0 : i32
    %dma_wait3A_730 = arith.constant 0 : i32
    %dma_wait3A_731 = tpu.memref_slice %arg3[%dma_wait3A_729, %dma_wait3A_730] : memref<10000x128xf32, #tpu.memory_space<hbm>> -> memref<128x128xf32, #tpu.memory_space<hbm>>
    %dma_wait3A_732 = arith.constant 0 : i32
    %dma_wait3A_733 = arith.constant 0 : i32
    %dma_wait3A_734 = tpu.memref_slice %arg3[%dma_wait3A_732, %dma_wait3A_733] : memref<10000x128xf32, #tpu.memory_space<hbm>> -> memref<128x128xf32, #tpu.memory_space<hbm>>
    tpu.wait_dma2 semaphore(%arg12 : memref<!tpu.dma_semaphore, #tpu.memory_space<semaphore_mem>>) src(%dma_wait3A_734 : memref<128x128xf32, #tpu.memory_space<hbm>>) dst(%arg8 : memref<128x128xf32, #tpu.memory_space<vmem>>)
    %dma_wait3A_735 = arith.constant 0 : i32
    %dma_wait3A_736 = arith.constant 0 : i32
    %dma_wait3A_737 = tpu.memref_slice %arg3[%dma_wait3A_735, %dma_wait3A_736] : memref<10000x128xf32, #tpu.memory_space<hbm>> -> memref<128x128xf32, #tpu.memory_space<hbm>>
    %dma_wait3A_738 = arith.constant 0 : i32
    %dma_wait3A_739 = arith.constant 0 : i32
    %dma_wait3A_740 = tpu.memref_slice %arg3[%dma_wait3A_738, %dma_wait3A_739] : memref<10000x128xf32, #tpu.memory_space<hbm>> -> memref<128x128xf32, #tpu.memory_space<hbm>>
    tpu.wait_dma2 semaphore(%arg14 : memref<!tpu.dma_semaphore, #tpu.memory_space<semaphore_mem>>) src(%dma_wait3A_740 : memref<128x128xf32, #tpu.memory_space<hbm>>) dst(%arg10 : memref<128x128xf32, #tpu.memory_space<vmem>>)
    %mul3A_741 = arith.constant 2048 : i32
    %mul3A_742 = arith.muli %add3A, %mul3A_741 : i32
    %add3A_743 = arith.constant 1792 : i32
    %add3A_744 = arith.addi %mul3A_742, %add3A_743 : i32
    %dma_start3A_745 = arith.constant 0 : i32
    %dma_start3A_746 = tpu.memref_slice %arg4[%add3A_744, %dma_start3A_745] : memref<65536x128xf32, #tpu.memory_space<hbm>> -> memref<128x128xf32, #tpu.memory_space<hbm>>
    %dma_start3A_747 = arith.constant 0 : i32
    %dma_start3A_748 = tpu.memref_slice %arg4[%add3A_744, %dma_start3A_747] : memref<65536x128xf32, #tpu.memory_space<hbm>> -> memref<128x128xf32, #tpu.memory_space<hbm>>
    tpu.enqueue_dma source(%arg8 : memref<128x128xf32, #tpu.memory_space<vmem>>) target(%dma_start3A_748 : memref<128x128xf32, #tpu.memory_space<hbm>>) target_semaphore(%arg16 : memref<!tpu.dma_semaphore, #tpu.memory_space<semaphore_mem>>)
    %dma_start3A_749 = arith.constant 0 : i32
    %dma_start3A_750 = tpu.memref_slice %arg5[%add3A_744, %dma_start3A_749] : memref<65536x128xf32, #tpu.memory_space<hbm>> -> memref<128x128xf32, #tpu.memory_space<hbm>>
    %dma_start3A_751 = arith.constant 0 : i32
    %dma_start3A_752 = tpu.memref_slice %arg5[%add3A_744, %dma_start3A_751] : memref<65536x128xf32, #tpu.memory_space<hbm>> -> memref<128x128xf32, #tpu.memory_space<hbm>>
    tpu.enqueue_dma source(%arg10 : memref<128x128xf32, #tpu.memory_space<vmem>>) target(%dma_start3A_752 : memref<128x128xf32, #tpu.memory_space<hbm>>) target_semaphore(%arg18 : memref<!tpu.dma_semaphore, #tpu.memory_space<semaphore_mem>>)
    %dma_wait3A_753 = arith.constant 0 : i32
    %dma_wait3A_754 = arith.constant 0 : i32
    %dma_wait3A_755 = tpu.memref_slice %arg3[%dma_wait3A_753, %dma_wait3A_754] : memref<10000x128xf32, #tpu.memory_space<hbm>> -> memref<128x128xf32, #tpu.memory_space<hbm>>
    %dma_wait3A_756 = arith.constant 0 : i32
    %dma_wait3A_757 = arith.constant 0 : i32
    %dma_wait3A_758 = tpu.memref_slice %arg3[%dma_wait3A_756, %dma_wait3A_757] : memref<10000x128xf32, #tpu.memory_space<hbm>> -> memref<128x128xf32, #tpu.memory_space<hbm>>
    tpu.wait_dma2 semaphore(%arg13 : memref<!tpu.dma_semaphore, #tpu.memory_space<semaphore_mem>>) src(%dma_wait3A_758 : memref<128x128xf32, #tpu.memory_space<hbm>>) dst(%arg9 : memref<128x128xf32, #tpu.memory_space<vmem>>)
    %dma_wait3A_759 = arith.constant 0 : i32
    %dma_wait3A_760 = arith.constant 0 : i32
    %dma_wait3A_761 = tpu.memref_slice %arg3[%dma_wait3A_759, %dma_wait3A_760] : memref<10000x128xf32, #tpu.memory_space<hbm>> -> memref<128x128xf32, #tpu.memory_space<hbm>>
    %dma_wait3A_762 = arith.constant 0 : i32
    %dma_wait3A_763 = arith.constant 0 : i32
    %dma_wait3A_764 = tpu.memref_slice %arg3[%dma_wait3A_762, %dma_wait3A_763] : memref<10000x128xf32, #tpu.memory_space<hbm>> -> memref<128x128xf32, #tpu.memory_space<hbm>>
    tpu.wait_dma2 semaphore(%arg15 : memref<!tpu.dma_semaphore, #tpu.memory_space<semaphore_mem>>) src(%dma_wait3A_764 : memref<128x128xf32, #tpu.memory_space<hbm>>) dst(%arg11 : memref<128x128xf32, #tpu.memory_space<vmem>>)
    %mul3A_765 = arith.constant 2048 : i32
    %mul3A_766 = arith.muli %add3A, %mul3A_765 : i32
    %add3A_767 = arith.constant 1920 : i32
    %add3A_768 = arith.addi %mul3A_766, %add3A_767 : i32
    %dma_start3A_769 = arith.constant 0 : i32
    %dma_start3A_770 = tpu.memref_slice %arg4[%add3A_768, %dma_start3A_769] : memref<65536x128xf32, #tpu.memory_space<hbm>> -> memref<128x128xf32, #tpu.memory_space<hbm>>
    %dma_start3A_771 = arith.constant 0 : i32
    %dma_start3A_772 = tpu.memref_slice %arg4[%add3A_768, %dma_start3A_771] : memref<65536x128xf32, #tpu.memory_space<hbm>> -> memref<128x128xf32, #tpu.memory_space<hbm>>
    tpu.enqueue_dma source(%arg9 : memref<128x128xf32, #tpu.memory_space<vmem>>) target(%dma_start3A_772 : memref<128x128xf32, #tpu.memory_space<hbm>>) target_semaphore(%arg17 : memref<!tpu.dma_semaphore, #tpu.memory_space<semaphore_mem>>)
    %dma_start3A_773 = arith.constant 0 : i32
    %dma_start3A_774 = tpu.memref_slice %arg5[%add3A_768, %dma_start3A_773] : memref<65536x128xf32, #tpu.memory_space<hbm>> -> memref<128x128xf32, #tpu.memory_space<hbm>>
    %dma_start3A_775 = arith.constant 0 : i32
    %dma_start3A_776 = tpu.memref_slice %arg5[%add3A_768, %dma_start3A_775] : memref<65536x128xf32, #tpu.memory_space<hbm>> -> memref<128x128xf32, #tpu.memory_space<hbm>>
    tpu.enqueue_dma source(%arg11 : memref<128x128xf32, #tpu.memory_space<vmem>>) target(%dma_start3A_776 : memref<128x128xf32, #tpu.memory_space<hbm>>) target_semaphore(%arg19 : memref<!tpu.dma_semaphore, #tpu.memory_space<semaphore_mem>>)
    %dma_wait3A_777 = arith.constant 0 : i32
    %dma_wait3A_778 = arith.constant 0 : i32
    %dma_wait3A_779 = tpu.memref_slice %arg4[%dma_wait3A_777, %dma_wait3A_778] : memref<65536x128xf32, #tpu.memory_space<hbm>> -> memref<128x128xf32, #tpu.memory_space<hbm>>
    %dma_wait3A_780 = arith.constant 0 : i32
    %dma_wait3A_781 = arith.constant 0 : i32
    %dma_wait3A_782 = tpu.memref_slice %arg4[%dma_wait3A_780, %dma_wait3A_781] : memref<65536x128xf32, #tpu.memory_space<hbm>> -> memref<128x128xf32, #tpu.memory_space<hbm>>
    tpu.wait_dma2 semaphore(%arg16 : memref<!tpu.dma_semaphore, #tpu.memory_space<semaphore_mem>>) src(%arg8 : memref<128x128xf32, #tpu.memory_space<vmem>>) dst(%dma_wait3A_782 : memref<128x128xf32, #tpu.memory_space<hbm>>)
    %dma_wait3A_783 = arith.constant 0 : i32
    %dma_wait3A_784 = arith.constant 0 : i32
    %dma_wait3A_785 = tpu.memref_slice %arg5[%dma_wait3A_783, %dma_wait3A_784] : memref<65536x128xf32, #tpu.memory_space<hbm>> -> memref<128x128xf32, #tpu.memory_space<hbm>>
    %dma_wait3A_786 = arith.constant 0 : i32
    %dma_wait3A_787 = arith.constant 0 : i32
    %dma_wait3A_788 = tpu.memref_slice %arg5[%dma_wait3A_786, %dma_wait3A_787] : memref<65536x128xf32, #tpu.memory_space<hbm>> -> memref<128x128xf32, #tpu.memory_space<hbm>>
    tpu.wait_dma2 semaphore(%arg18 : memref<!tpu.dma_semaphore, #tpu.memory_space<semaphore_mem>>) src(%arg10 : memref<128x128xf32, #tpu.memory_space<vmem>>) dst(%dma_wait3A_788 : memref<128x128xf32, #tpu.memory_space<hbm>>)
    %dma_wait3A_789 = arith.constant 0 : i32
    %dma_wait3A_790 = arith.constant 0 : i32
    %dma_wait3A_791 = tpu.memref_slice %arg4[%dma_wait3A_789, %dma_wait3A_790] : memref<65536x128xf32, #tpu.memory_space<hbm>> -> memref<128x128xf32, #tpu.memory_space<hbm>>
    %dma_wait3A_792 = arith.constant 0 : i32
    %dma_wait3A_793 = arith.constant 0 : i32
    %dma_wait3A_794 = tpu.memref_slice %arg4[%dma_wait3A_792, %dma_wait3A_793] : memref<65536x128xf32, #tpu.memory_space<hbm>> -> memref<128x128xf32, #tpu.memory_space<hbm>>
    tpu.wait_dma2 semaphore(%arg17 : memref<!tpu.dma_semaphore, #tpu.memory_space<semaphore_mem>>) src(%arg9 : memref<128x128xf32, #tpu.memory_space<vmem>>) dst(%dma_wait3A_794 : memref<128x128xf32, #tpu.memory_space<hbm>>)
    %dma_wait3A_795 = arith.constant 0 : i32
    %dma_wait3A_796 = arith.constant 0 : i32
    %dma_wait3A_797 = tpu.memref_slice %arg5[%dma_wait3A_795, %dma_wait3A_796] : memref<65536x128xf32, #tpu.memory_space<hbm>> -> memref<128x128xf32, #tpu.memory_space<hbm>>
    %dma_wait3A_798 = arith.constant 0 : i32
    %dma_wait3A_799 = arith.constant 0 : i32
    %dma_wait3A_800 = tpu.memref_slice %arg5[%dma_wait3A_798, %dma_wait3A_799] : memref<65536x128xf32, #tpu.memory_space<hbm>> -> memref<128x128xf32, #tpu.memory_space<hbm>>
    tpu.wait_dma2 semaphore(%arg19 : memref<!tpu.dma_semaphore, #tpu.memory_space<semaphore_mem>>) src(%arg11 : memref<128x128xf32, #tpu.memory_space<vmem>>) dst(%dma_wait3A_800 : memref<128x128xf32, #tpu.memory_space<hbm>>)
    return
  }
}

#map = affine_map<(d0, d1) -> (0, 0, 0)>
#map1 = affine_map<(d0, d1) -> (0)>
module attributes {stable_mosaic.version = 14 : i64} {
  func.func @_deg_hist(%arg0: i32, %arg1: i32, %arg2: memref<32x79x128xi32, #tpu.memory_space<hbm>>, %arg3: memref<20000xf32, #tpu.memory_space<hbm>>, %arg4: memref<79x128xi32, #tpu.memory_space<vmem>>, %arg5: memref<128xf32, #tpu.memory_space<vmem>>, %arg6: memref<10112xf32, #tpu.memory_space<vmem>>, %arg7: memref<10112xf32, #tpu.memory_space<vmem_shared>>) attributes {dimension_semantics = [#tpu.dimension_semantics<core_parallel>, #tpu.dimension_semantics<subcore_parallel>], iteration_bounds = array<i64: 2, 16>, scalar_prefetch = 0 : i64, scratch_operands = 4 : i64, tpu.core_type = #tpu.core_type<sc_vector_subcore>, window_params = [{transform_indices = #map}, {transform_indices = #map1}]} {
    %mul3A = arith.constant 2 : i32
    %mul3A_0 = arith.muli %arg1, %mul3A : i32
    %add3A = arith.addi %mul3A_0, %arg0 : i32
    %eq3A = arith.constant 0 : i32
    %eq3A_1 = arith.cmpi eq, %arg1, %eq3A : i32
    %convert_element_type3A = arith.extui %eq3A_1 : i1 to i32
    %cond3A = arith.constant 0 : i32
    %cond3A_2 = arith.cmpi ne, %convert_element_type3A, %cond3A : i32
    scf.if %cond3A_2 {
      %scan3A_60 = arith.constant 0 : i32
      %scan3A_61 = arith.constant 0 : i32
      %scan3A_62 = arith.constant 632 : i32
      %scan3A_63 = arith.addi %scan3A_61, %scan3A_62 : i32
      %scan3A_64 = arith.constant 1 : i32
      scf.for %scan3A_66 = %scan3A_61 to %scan3A_63 step %scan3A_64  : i32 {
        %broadcast_in_dim3A_67 = arith.constant 0.000000e+00 : f32
        %broadcast_in_dim3A_68 = vector.broadcast %broadcast_in_dim3A_67 : f32 to vector<16xf32>
        %mul3A_69 = arith.constant 16 : i32
        %mul3A_70 = arith.muli %scan3A_66, %mul3A_69 : i32
        %swap3A_71 = arith.index_cast %mul3A_70 : i32 to index
        %swap3A_72 = tpu.vector_load %arg6[%swap3A_71] {strides = array<i32>} : memref<10112xf32, #tpu.memory_space<vmem>>, vector<16xf32>,
        %swap3A_73 = vector.shape_cast %swap3A_72 : vector<16xf32> to vector<16xf32>
        %swap3A_74 = vector.shape_cast %broadcast_in_dim3A_68 : vector<16xf32> to vector<16xf32>
        tpu.vector_store %arg6[%swap3A_71], %swap3A_74 {strides = array<i32>} : memref<10112xf32, #tpu.memory_space<vmem>>, vector<16xf32>,
      }
      %scan3A_65 = arith.constant 632 : i32
      "tpu.region"() ({
        %run_scoped3A = tpu.sem_alloc : memref<!tpu.dma_semaphore, #tpu.memory_space<semaphore_mem>>
        tpu.enqueue_dma source(%arg6 : memref<10112xf32, #tpu.memory_space<vmem>>) target(%arg7 : memref<10112xf32, #tpu.memory_space<vmem_shared>>) target_semaphore(%run_scoped3A : memref<!tpu.dma_semaphore, #tpu.memory_space<semaphore_mem>>)
        tpu.wait_dma2 semaphore(%run_scoped3A : memref<!tpu.dma_semaphore, #tpu.memory_space<semaphore_mem>>) src(%arg6 : memref<10112xf32, #tpu.memory_space<vmem>>) dst(%arg7 : memref<10112xf32, #tpu.memory_space<vmem_shared>>)
        tpu.yield
      }) : () -> ()
    } else {
    }
    %barrier3A = arith.constant 0 : index
    tpu.barrier barrier_id(%barrier3A)
    "tpu.region"() ({
      %run_scoped3A = tpu.sem_alloc : memref<!tpu.dma_semaphore, #tpu.memory_space<semaphore_mem>>
      %dma_start3A = arith.constant 0 : i32
      %dma_start3A_60 = arith.constant 0 : i32
      %dma_start3A_61 = tpu.memref_slice %arg2[%add3A, %dma_start3A, %dma_start3A_60] : memref<32x79x128xi32, #tpu.memory_space<hbm>> -> memref<1x79x128xi32, #tpu.memory_space<hbm>>
      %dma_start3A_62 = tpu.memref_squeeze %dma_start3A_61 : memref<1x79x128xi32, #tpu.memory_space<hbm>> -> memref<79x128xi32, #tpu.memory_space<hbm>>
      %dma_start3A_63 = arith.constant 0 : i32
      %dma_start3A_64 = arith.constant 0 : i32
      %dma_start3A_65 = tpu.memref_slice %arg2[%add3A, %dma_start3A_63, %dma_start3A_64] : memref<32x79x128xi32, #tpu.memory_space<hbm>> -> memref<1x79x128xi32, #tpu.memory_space<hbm>>
      %dma_start3A_66 = tpu.memref_squeeze %dma_start3A_65 : memref<1x79x128xi32, #tpu.memory_space<hbm>> -> memref<79x128xi32, #tpu.memory_space<hbm>>
      tpu.enqueue_dma source(%dma_start3A_66 : memref<79x128xi32, #tpu.memory_space<hbm>>) target(%arg4 : memref<79x128xi32, #tpu.memory_space<vmem>>) target_semaphore(%run_scoped3A : memref<!tpu.dma_semaphore, #tpu.memory_space<semaphore_mem>>)
      %dma_wait3A = arith.constant 0 : i32
      %dma_wait3A_67 = arith.constant 0 : i32
      %dma_wait3A_68 = tpu.memref_slice %arg2[%add3A, %dma_wait3A, %dma_wait3A_67] : memref<32x79x128xi32, #tpu.memory_space<hbm>> -> memref<1x79x128xi32, #tpu.memory_space<hbm>>
      %dma_wait3A_69 = tpu.memref_squeeze %dma_wait3A_68 : memref<1x79x128xi32, #tpu.memory_space<hbm>> -> memref<79x128xi32, #tpu.memory_space<hbm>>
      %dma_wait3A_70 = arith.constant 0 : i32
      %dma_wait3A_71 = arith.constant 0 : i32
      %dma_wait3A_72 = tpu.memref_slice %arg2[%add3A, %dma_wait3A_70, %dma_wait3A_71] : memref<32x79x128xi32, #tpu.memory_space<hbm>> -> memref<1x79x128xi32, #tpu.memory_space<hbm>>
      %dma_wait3A_73 = tpu.memref_squeeze %dma_wait3A_72 : memref<1x79x128xi32, #tpu.memory_space<hbm>> -> memref<79x128xi32, #tpu.memory_space<hbm>>
      tpu.wait_dma2 semaphore(%run_scoped3A : memref<!tpu.dma_semaphore, #tpu.memory_space<semaphore_mem>>) src(%dma_wait3A_73 : memref<79x128xi32, #tpu.memory_space<hbm>>) dst(%arg4 : memref<79x128xi32, #tpu.memory_space<vmem>>)
      tpu.yield
    }) : () -> ()
    %broadcast_in_dim3A = arith.constant 1.000000e+00 : f32
    %broadcast_in_dim3A_3 = vector.broadcast %broadcast_in_dim3A : f32 to vector<16xf32>
    %swap3A = arith.constant 0 : index
    %swap3A_4 = tpu.vector_load %arg5[%swap3A] {strides = array<i32>} : memref<128xf32, #tpu.memory_space<vmem>>, vector<16xf32>,
    %swap3A_5 = vector.shape_cast %swap3A_4 : vector<16xf32> to vector<16xf32>
    %swap3A_6 = vector.shape_cast %broadcast_in_dim3A_3 : vector<16xf32> to vector<16xf32>
    tpu.vector_store %arg5[%swap3A], %swap3A_6 {strides = array<i32>} : memref<128xf32, #tpu.memory_space<vmem>>, vector<16xf32>,
    %broadcast_in_dim3A_7 = arith.constant 1.000000e+00 : f32
    %broadcast_in_dim3A_8 = vector.broadcast %broadcast_in_dim3A_7 : f32 to vector<16xf32>
    %swap3A_9 = arith.constant 16 : index
    %swap3A_10 = tpu.vector_load %arg5[%swap3A_9] {strides = array<i32>} : memref<128xf32, #tpu.memory_space<vmem>>, vector<16xf32>,
    %swap3A_11 = vector.shape_cast %swap3A_10 : vector<16xf32> to vector<16xf32>
    %swap3A_12 = vector.shape_cast %broadcast_in_dim3A_8 : vector<16xf32> to vector<16xf32>
    tpu.vector_store %arg5[%swap3A_9], %swap3A_12 {strides = array<i32>} : memref<128xf32, #tpu.memory_space<vmem>>, vector<16xf32>,
    %broadcast_in_dim3A_13 = arith.constant 1.000000e+00 : f32
    %broadcast_in_dim3A_14 = vector.broadcast %broadcast_in_dim3A_13 : f32 to vector<16xf32>
    %swap3A_15 = arith.constant 32 : index
    %swap3A_16 = tpu.vector_load %arg5[%swap3A_15] {strides = array<i32>} : memref<128xf32, #tpu.memory_space<vmem>>, vector<16xf32>,
    %swap3A_17 = vector.shape_cast %swap3A_16 : vector<16xf32> to vector<16xf32>
    %swap3A_18 = vector.shape_cast %broadcast_in_dim3A_14 : vector<16xf32> to vector<16xf32>
    tpu.vector_store %arg5[%swap3A_15], %swap3A_18 {strides = array<i32>} : memref<128xf32, #tpu.memory_space<vmem>>, vector<16xf32>,
    %broadcast_in_dim3A_19 = arith.constant 1.000000e+00 : f32
    %broadcast_in_dim3A_20 = vector.broadcast %broadcast_in_dim3A_19 : f32 to vector<16xf32>
    %swap3A_21 = arith.constant 48 : index
    %swap3A_22 = tpu.vector_load %arg5[%swap3A_21] {strides = array<i32>} : memref<128xf32, #tpu.memory_space<vmem>>, vector<16xf32>,
    %swap3A_23 = vector.shape_cast %swap3A_22 : vector<16xf32> to vector<16xf32>
    %swap3A_24 = vector.shape_cast %broadcast_in_dim3A_20 : vector<16xf32> to vector<16xf32>
    tpu.vector_store %arg5[%swap3A_21], %swap3A_24 {strides = array<i32>} : memref<128xf32, #tpu.memory_space<vmem>>, vector<16xf32>,
    %broadcast_in_dim3A_25 = arith.constant 1.000000e+00 : f32
    %broadcast_in_dim3A_26 = vector.broadcast %broadcast_in_dim3A_25 : f32 to vector<16xf32>
    %swap3A_27 = arith.constant 64 : index
    %swap3A_28 = tpu.vector_load %arg5[%swap3A_27] {strides = array<i32>} : memref<128xf32, #tpu.memory_space<vmem>>, vector<16xf32>,
    %swap3A_29 = vector.shape_cast %swap3A_28 : vector<16xf32> to vector<16xf32>
    %swap3A_30 = vector.shape_cast %broadcast_in_dim3A_26 : vector<16xf32> to vector<16xf32>
    tpu.vector_store %arg5[%swap3A_27], %swap3A_30 {strides = array<i32>} : memref<128xf32, #tpu.memory_space<vmem>>, vector<16xf32>,
    %broadcast_in_dim3A_31 = arith.constant 1.000000e+00 : f32
    %broadcast_in_dim3A_32 = vector.broadcast %broadcast_in_dim3A_31 : f32 to vector<16xf32>
    %swap3A_33 = arith.constant 80 : index
    %swap3A_34 = tpu.vector_load %arg5[%swap3A_33] {strides = array<i32>} : memref<128xf32, #tpu.memory_space<vmem>>, vector<16xf32>,
    %swap3A_35 = vector.shape_cast %swap3A_34 : vector<16xf32> to vector<16xf32>
    %swap3A_36 = vector.shape_cast %broadcast_in_dim3A_32 : vector<16xf32> to vector<16xf32>
    tpu.vector_store %arg5[%swap3A_33], %swap3A_36 {strides = array<i32>} : memref<128xf32, #tpu.memory_space<vmem>>, vector<16xf32>,
    %broadcast_in_dim3A_37 = arith.constant 1.000000e+00 : f32
    %broadcast_in_dim3A_38 = vector.broadcast %broadcast_in_dim3A_37 : f32 to vector<16xf32>
    %swap3A_39 = arith.constant 96 : index
    %swap3A_40 = tpu.vector_load %arg5[%swap3A_39] {strides = array<i32>} : memref<128xf32, #tpu.memory_space<vmem>>, vector<16xf32>,
    %swap3A_41 = vector.shape_cast %swap3A_40 : vector<16xf32> to vector<16xf32>
    %swap3A_42 = vector.shape_cast %broadcast_in_dim3A_38 : vector<16xf32> to vector<16xf32>
    tpu.vector_store %arg5[%swap3A_39], %swap3A_42 {strides = array<i32>} : memref<128xf32, #tpu.memory_space<vmem>>, vector<16xf32>,
    %broadcast_in_dim3A_43 = arith.constant 1.000000e+00 : f32
    %broadcast_in_dim3A_44 = vector.broadcast %broadcast_in_dim3A_43 : f32 to vector<16xf32>
    %swap3A_45 = arith.constant 112 : index
    %swap3A_46 = tpu.vector_load %arg5[%swap3A_45] {strides = array<i32>} : memref<128xf32, #tpu.memory_space<vmem>>, vector<16xf32>,
    %swap3A_47 = vector.shape_cast %swap3A_46 : vector<16xf32> to vector<16xf32>
    %swap3A_48 = vector.shape_cast %broadcast_in_dim3A_44 : vector<16xf32> to vector<16xf32>
    tpu.vector_store %arg5[%swap3A_45], %swap3A_48 {strides = array<i32>} : memref<128xf32, #tpu.memory_space<vmem>>, vector<16xf32>,
    %scan3A = arith.constant 0 : i32
    %scan3A_49 = arith.constant 0 : i32
    %scan3A_50 = arith.constant 79 : i32
    %scan3A_51 = arith.addi %scan3A_49, %scan3A_50 : i32
    %scan3A_52 = arith.constant 1 : i32
    scf.for %scan3A_60 = %scan3A_49 to %scan3A_51 step %scan3A_52  : i32 {
      "tpu.region"() ({
        %run_scoped3A = tpu.sem_alloc : memref<!tpu.dma_semaphore, #tpu.memory_space<semaphore_mem>>
        %dma_start3A = arith.constant 0 : i32
        %dma_start3A_61 = tpu.memref_slice %arg4[%scan3A_60, %dma_start3A] : memref<79x128xi32, #tpu.memory_space<vmem>> -> memref<1x128xi32, #tpu.memory_space<vmem>>
        %dma_start3A_62 = tpu.memref_squeeze %dma_start3A_61 : memref<1x128xi32, #tpu.memory_space<vmem>> -> memref<128xi32, #tpu.memory_space<vmem>>
        %dma_start3A_63 = arith.constant 0 : i32
        %dma_start3A_64 = tpu.memref_slice %arg7[%dma_start3A_63] : memref<10112xf32, #tpu.memory_space<vmem_shared>> -> memref<10112xf32, #tpu.memory_space<vmem_shared>>
        tpu.enqueue_indirect_dma source(%arg5 : memref<128xf32, #tpu.memory_space<vmem>>) target(%dma_start3A_64 : memref<10112xf32, #tpu.memory_space<vmem_shared>>) offsets(%dma_start3A_62 : memref<128xi32, #tpu.memory_space<vmem>>) semaphore(%run_scoped3A : memref<!tpu.dma_semaphore, #tpu.memory_space<semaphore_mem>>) {add = true}
        %dma_wait3A = arith.constant 0 : i32
        %dma_wait3A_65 = tpu.memref_slice %arg4[%scan3A_60, %dma_wait3A] : memref<79x128xi32, #tpu.memory_space<vmem>> -> memref<1x128xi32, #tpu.memory_space<vmem>>
        %dma_wait3A_66 = tpu.memref_squeeze %dma_wait3A_65 : memref<1x128xi32, #tpu.memory_space<vmem>> -> memref<128xi32, #tpu.memory_space<vmem>>
        %dma_wait3A_67 = arith.constant 0 : i32
        %dma_wait3A_68 = tpu.memref_slice %arg7[%dma_wait3A_67] : memref<10112xf32, #tpu.memory_space<vmem_shared>> -> memref<10112xf32, #tpu.memory_space<vmem_shared>>
        tpu.wait_indirect_dma semaphore(%run_scoped3A : memref<!tpu.dma_semaphore, #tpu.memory_space<semaphore_mem>>) src(%arg5 : memref<128xf32, #tpu.memory_space<vmem>>) dst(%dma_wait3A_68 : memref<10112xf32, #tpu.memory_space<vmem_shared>>)
        tpu.yield
      }) : () -> ()
    }
    %scan3A_53 = arith.constant 79 : i32
    %barrier3A_54 = arith.constant 0 : index
    tpu.barrier barrier_id(%barrier3A_54)
    %eq3A_55 = arith.constant 0 : i32
    %eq3A_56 = arith.cmpi eq, %arg1, %eq3A_55 : i32
    %convert_element_type3A_57 = arith.extui %eq3A_56 : i1 to i32
    %cond3A_58 = arith.constant 0 : i32
    %cond3A_59 = arith.cmpi ne, %convert_element_type3A_57, %cond3A_58 : i32
    scf.if %cond3A_59 {
      "tpu.region"() ({
        %run_scoped3A = tpu.sem_alloc : memref<!tpu.dma_semaphore, #tpu.memory_space<semaphore_mem>>
        %dma_start3A = arith.constant 0 : i32
        %dma_start3A_62 = tpu.memref_slice %arg6[%dma_start3A] : memref<10112xf32, #tpu.memory_space<vmem>> -> memref<10000xf32, #tpu.memory_space<vmem>>
        %dma_start3A_63 = arith.constant 0 : i32
        %dma_start3A_64 = tpu.memref_slice %arg7[%dma_start3A_63] : memref<10112xf32, #tpu.memory_space<vmem_shared>> -> memref<10000xf32, #tpu.memory_space<vmem_shared>>
        %dma_start3A_65 = arith.constant 0 : i32
        %dma_start3A_66 = tpu.memref_slice %arg6[%dma_start3A_65] : memref<10112xf32, #tpu.memory_space<vmem>> -> memref<10000xf32, #tpu.memory_space<vmem>>
        %dma_start3A_67 = arith.constant 0 : i32
        %dma_start3A_68 = tpu.memref_slice %arg7[%dma_start3A_67] : memref<10112xf32, #tpu.memory_space<vmem_shared>> -> memref<10000xf32, #tpu.memory_space<vmem_shared>>
        tpu.enqueue_dma source(%dma_start3A_68 : memref<10000xf32, #tpu.memory_space<vmem_shared>>) target(%dma_start3A_66 : memref<10000xf32, #tpu.memory_space<vmem>>) target_semaphore(%run_scoped3A : memref<!tpu.dma_semaphore, #tpu.memory_space<semaphore_mem>>)
        %dma_wait3A = arith.constant 0 : i32
        %dma_wait3A_69 = tpu.memref_slice %arg6[%dma_wait3A] : memref<10112xf32, #tpu.memory_space<vmem>> -> memref<10000xf32, #tpu.memory_space<vmem>>
        %dma_wait3A_70 = arith.constant 0 : i32
        %dma_wait3A_71 = tpu.memref_slice %arg7[%dma_wait3A_70] : memref<10112xf32, #tpu.memory_space<vmem_shared>> -> memref<10000xf32, #tpu.memory_space<vmem_shared>>
        %dma_wait3A_72 = arith.constant 0 : i32
        %dma_wait3A_73 = tpu.memref_slice %arg6[%dma_wait3A_72] : memref<10112xf32, #tpu.memory_space<vmem>> -> memref<10000xf32, #tpu.memory_space<vmem>>
        %dma_wait3A_74 = arith.constant 0 : i32
        %dma_wait3A_75 = tpu.memref_slice %arg7[%dma_wait3A_74] : memref<10112xf32, #tpu.memory_space<vmem_shared>> -> memref<10000xf32, #tpu.memory_space<vmem_shared>>
        tpu.wait_dma2 semaphore(%run_scoped3A : memref<!tpu.dma_semaphore, #tpu.memory_space<semaphore_mem>>) src(%dma_wait3A_75 : memref<10000xf32, #tpu.memory_space<vmem_shared>>) dst(%dma_wait3A_73 : memref<10000xf32, #tpu.memory_space<vmem>>)
        tpu.yield
      }) : () -> ()
      %mul3A_60 = arith.constant 10000 : i32
      %mul3A_61 = arith.muli %arg0, %mul3A_60 : i32
      "tpu.region"() ({
        %run_scoped3A = tpu.sem_alloc : memref<!tpu.dma_semaphore, #tpu.memory_space<semaphore_mem>>
        %dma_start3A = arith.constant 0 : i32
        %dma_start3A_62 = tpu.memref_slice %arg6[%dma_start3A] : memref<10112xf32, #tpu.memory_space<vmem>> -> memref<10000xf32, #tpu.memory_space<vmem>>
        %dma_start3A_63 = tpu.memref_slice %arg3[%mul3A_61] : memref<20000xf32, #tpu.memory_space<hbm>> -> memref<10000xf32, #tpu.memory_space<hbm>>
        %dma_start3A_64 = tpu.memref_slice %arg3[%mul3A_61] : memref<20000xf32, #tpu.memory_space<hbm>> -> memref<10000xf32, #tpu.memory_space<hbm>>
        %dma_start3A_65 = arith.constant 0 : i32
        %dma_start3A_66 = tpu.memref_slice %arg6[%dma_start3A_65] : memref<10112xf32, #tpu.memory_space<vmem>> -> memref<10000xf32, #tpu.memory_space<vmem>>
        tpu.enqueue_dma source(%dma_start3A_66 : memref<10000xf32, #tpu.memory_space<vmem>>) target(%dma_start3A_64 : memref<10000xf32, #tpu.memory_space<hbm>>) target_semaphore(%run_scoped3A : memref<!tpu.dma_semaphore, #tpu.memory_space<semaphore_mem>>)
        %dma_wait3A = arith.constant 0 : i32
        %dma_wait3A_67 = tpu.memref_slice %arg6[%dma_wait3A] : memref<10112xf32, #tpu.memory_space<vmem>> -> memref<10000xf32, #tpu.memory_space<vmem>>
        %dma_wait3A_68 = tpu.memref_slice %arg3[%mul3A_61] : memref<20000xf32, #tpu.memory_space<hbm>> -> memref<10000xf32, #tpu.memory_space<hbm>>
        %dma_wait3A_69 = tpu.memref_slice %arg3[%mul3A_61] : memref<20000xf32, #tpu.memory_space<hbm>> -> memref<10000xf32, #tpu.memory_space<hbm>>
        %dma_wait3A_70 = arith.constant 0 : i32
        %dma_wait3A_71 = tpu.memref_slice %arg6[%dma_wait3A_70] : memref<10112xf32, #tpu.memory_space<vmem>> -> memref<10000xf32, #tpu.memory_space<vmem>>
        tpu.wait_dma2 semaphore(%run_scoped3A : memref<!tpu.dma_semaphore, #tpu.memory_space<semaphore_mem>>) src(%dma_wait3A_71 : memref<10000xf32, #tpu.memory_space<vmem>>) dst(%dma_wait3A_69 : memref<10000xf32, #tpu.memory_space<hbm>>)
        tpu.yield
      }) : () -> ()
    } else {
    }
    return
  }
}

#map = affine_map<(d0, d1) -> (0, 0, 0)>
#map1 = affine_map<(d0, d1) -> (0, 0)>
module attributes {stable_mosaic.version = 14 : i64} {
  func.func @_edge_agg(%arg0: i32, %arg1: i32, %arg2: memref<32x79x128xi32, #tpu.memory_space<hbm>>, %arg3: memref<32x79x128xi32, #tpu.memory_space<hbm>>, %arg4: memref<10000x128xf32, #tpu.memory_space<hbm>>, %arg5: memref<10112x128xf32, #tpu.memory_space<hbm>>, %arg6: memref<20224x128xf32, #tpu.memory_space<hbm>>, %arg7: memref<79x128xi32, #tpu.memory_space<vmem>>, %arg8: memref<79x128xi32, #tpu.memory_space<vmem>>, %arg9: memref<128x128xf32, #tpu.memory_space<vmem>>, %arg10: memref<10112x128xf32, #tpu.memory_space<vmem_shared>>) attributes {dimension_semantics = [#tpu.dimension_semantics<core_parallel>, #tpu.dimension_semantics<subcore_parallel>], iteration_bounds = array<i64: 2, 16>, scalar_prefetch = 0 : i64, scratch_operands = 4 : i64, tpu.core_type = #tpu.core_type<sc_vector_subcore>, window_params = [{transform_indices = #map}, {transform_indices = #map}, {transform_indices = #map1}, {transform_indices = #map1}, {transform_indices = #map1}]} {
    %mul3A = arith.constant 2 : i32
    %mul3A_0 = arith.muli %arg1, %mul3A : i32
    %add3A = arith.addi %mul3A_0, %arg0 : i32
    %mul3A_1 = arith.constant 632 : i32
    %mul3A_2 = arith.muli %arg1, %mul3A_1 : i32
    %mul3A_3 = arith.constant 632 : i32
    %mul3A_4 = arith.muli %arg1, %mul3A_3 : i32
    "tpu.region"() ({
      %run_scoped3A = tpu.sem_alloc : memref<!tpu.dma_semaphore, #tpu.memory_space<semaphore_mem>>
      %dma_start3A = arith.constant 0 : i32
      %dma_start3A_18 = tpu.memref_slice %arg10[%mul3A_4, %dma_start3A] : memref<10112x128xf32, #tpu.memory_space<vmem_shared>> -> memref<632x128xf32, #tpu.memory_space<vmem_shared>>
      %dma_start3A_19 = arith.constant 0 : i32
      %dma_start3A_20 = tpu.memref_slice %arg5[%mul3A_2, %dma_start3A_19] : memref<10112x128xf32, #tpu.memory_space<hbm>> -> memref<632x128xf32, #tpu.memory_space<hbm>>
      tpu.enqueue_dma source(%dma_start3A_20 : memref<632x128xf32, #tpu.memory_space<hbm>>) target(%dma_start3A_18 : memref<632x128xf32, #tpu.memory_space<vmem_shared>>) target_semaphore(%run_scoped3A : memref<!tpu.dma_semaphore, #tpu.memory_space<semaphore_mem>>)
      %dma_wait3A = arith.constant 0 : i32
      %dma_wait3A_21 = tpu.memref_slice %arg10[%mul3A_4, %dma_wait3A] : memref<10112x128xf32, #tpu.memory_space<vmem_shared>> -> memref<632x128xf32, #tpu.memory_space<vmem_shared>>
      %dma_wait3A_22 = arith.constant 0 : i32
      %dma_wait3A_23 = tpu.memref_slice %arg5[%mul3A_2, %dma_wait3A_22] : memref<10112x128xf32, #tpu.memory_space<hbm>> -> memref<632x128xf32, #tpu.memory_space<hbm>>
      tpu.wait_dma2 semaphore(%run_scoped3A : memref<!tpu.dma_semaphore, #tpu.memory_space<semaphore_mem>>) src(%dma_wait3A_23 : memref<632x128xf32, #tpu.memory_space<hbm>>) dst(%dma_wait3A_21 : memref<632x128xf32, #tpu.memory_space<vmem_shared>>)
      tpu.yield
    }) : () -> ()
    %barrier3A = arith.constant 0 : index
    tpu.barrier barrier_id(%barrier3A)
    "tpu.region"() ({
      %run_scoped3A = tpu.sem_alloc : memref<!tpu.dma_semaphore, #tpu.memory_space<semaphore_mem>>
      %dma_start3A = arith.constant 0 : i32
      %dma_start3A_18 = arith.constant 0 : i32
      %dma_start3A_19 = tpu.memref_slice %arg2[%add3A, %dma_start3A, %dma_start3A_18] : memref<32x79x128xi32, #tpu.memory_space<hbm>> -> memref<1x79x128xi32, #tpu.memory_space<hbm>>
      %dma_start3A_20 = tpu.memref_squeeze %dma_start3A_19 : memref<1x79x128xi32, #tpu.memory_space<hbm>> -> memref<79x128xi32, #tpu.memory_space<hbm>>
      %dma_start3A_21 = arith.constant 0 : i32
      %dma_start3A_22 = arith.constant 0 : i32
      %dma_start3A_23 = tpu.memref_slice %arg2[%add3A, %dma_start3A_21, %dma_start3A_22] : memref<32x79x128xi32, #tpu.memory_space<hbm>> -> memref<1x79x128xi32, #tpu.memory_space<hbm>>
      %dma_start3A_24 = tpu.memref_squeeze %dma_start3A_23 : memref<1x79x128xi32, #tpu.memory_space<hbm>> -> memref<79x128xi32, #tpu.memory_space<hbm>>
      tpu.enqueue_dma source(%dma_start3A_24 : memref<79x128xi32, #tpu.memory_space<hbm>>) target(%arg7 : memref<79x128xi32, #tpu.memory_space<vmem>>) target_semaphore(%run_scoped3A : memref<!tpu.dma_semaphore, #tpu.memory_space<semaphore_mem>>)
      %dma_wait3A = arith.constant 0 : i32
      %dma_wait3A_25 = arith.constant 0 : i32
      %dma_wait3A_26 = tpu.memref_slice %arg2[%add3A, %dma_wait3A, %dma_wait3A_25] : memref<32x79x128xi32, #tpu.memory_space<hbm>> -> memref<1x79x128xi32, #tpu.memory_space<hbm>>
      %dma_wait3A_27 = tpu.memref_squeeze %dma_wait3A_26 : memref<1x79x128xi32, #tpu.memory_space<hbm>> -> memref<79x128xi32, #tpu.memory_space<hbm>>
      %dma_wait3A_28 = arith.constant 0 : i32
      %dma_wait3A_29 = arith.constant 0 : i32
      %dma_wait3A_30 = tpu.memref_slice %arg2[%add3A, %dma_wait3A_28, %dma_wait3A_29] : memref<32x79x128xi32, #tpu.memory_space<hbm>> -> memref<1x79x128xi32, #tpu.memory_space<hbm>>
      %dma_wait3A_31 = tpu.memref_squeeze %dma_wait3A_30 : memref<1x79x128xi32, #tpu.memory_space<hbm>> -> memref<79x128xi32, #tpu.memory_space<hbm>>
      tpu.wait_dma2 semaphore(%run_scoped3A : memref<!tpu.dma_semaphore, #tpu.memory_space<semaphore_mem>>) src(%dma_wait3A_31 : memref<79x128xi32, #tpu.memory_space<hbm>>) dst(%arg7 : memref<79x128xi32, #tpu.memory_space<vmem>>)
      tpu.yield
    }) : () -> ()
    "tpu.region"() ({
      %run_scoped3A = tpu.sem_alloc : memref<!tpu.dma_semaphore, #tpu.memory_space<semaphore_mem>>
      %dma_start3A = arith.constant 0 : i32
      %dma_start3A_18 = arith.constant 0 : i32
      %dma_start3A_19 = tpu.memref_slice %arg3[%add3A, %dma_start3A, %dma_start3A_18] : memref<32x79x128xi32, #tpu.memory_space<hbm>> -> memref<1x79x128xi32, #tpu.memory_space<hbm>>
      %dma_start3A_20 = tpu.memref_squeeze %dma_start3A_19 : memref<1x79x128xi32, #tpu.memory_space<hbm>> -> memref<79x128xi32, #tpu.memory_space<hbm>>
      %dma_start3A_21 = arith.constant 0 : i32
      %dma_start3A_22 = arith.constant 0 : i32
      %dma_start3A_23 = tpu.memref_slice %arg3[%add3A, %dma_start3A_21, %dma_start3A_22] : memref<32x79x128xi32, #tpu.memory_space<hbm>> -> memref<1x79x128xi32, #tpu.memory_space<hbm>>
      %dma_start3A_24 = tpu.memref_squeeze %dma_start3A_23 : memref<1x79x128xi32, #tpu.memory_space<hbm>> -> memref<79x128xi32, #tpu.memory_space<hbm>>
      tpu.enqueue_dma source(%dma_start3A_24 : memref<79x128xi32, #tpu.memory_space<hbm>>) target(%arg8 : memref<79x128xi32, #tpu.memory_space<vmem>>) target_semaphore(%run_scoped3A : memref<!tpu.dma_semaphore, #tpu.memory_space<semaphore_mem>>)
      %dma_wait3A = arith.constant 0 : i32
      %dma_wait3A_25 = arith.constant 0 : i32
      %dma_wait3A_26 = tpu.memref_slice %arg3[%add3A, %dma_wait3A, %dma_wait3A_25] : memref<32x79x128xi32, #tpu.memory_space<hbm>> -> memref<1x79x128xi32, #tpu.memory_space<hbm>>
      %dma_wait3A_27 = tpu.memref_squeeze %dma_wait3A_26 : memref<1x79x128xi32, #tpu.memory_space<hbm>> -> memref<79x128xi32, #tpu.memory_space<hbm>>
      %dma_wait3A_28 = arith.constant 0 : i32
      %dma_wait3A_29 = arith.constant 0 : i32
      %dma_wait3A_30 = tpu.memref_slice %arg3[%add3A, %dma_wait3A_28, %dma_wait3A_29] : memref<32x79x128xi32, #tpu.memory_space<hbm>> -> memref<1x79x128xi32, #tpu.memory_space<hbm>>
      %dma_wait3A_31 = tpu.memref_squeeze %dma_wait3A_30 : memref<1x79x128xi32, #tpu.memory_space<hbm>> -> memref<79x128xi32, #tpu.memory_space<hbm>>
      tpu.wait_dma2 semaphore(%run_scoped3A : memref<!tpu.dma_semaphore, #tpu.memory_space<semaphore_mem>>) src(%dma_wait3A_31 : memref<79x128xi32, #tpu.memory_space<hbm>>) dst(%arg8 : memref<79x128xi32, #tpu.memory_space<vmem>>)
      tpu.yield
    }) : () -> ()
    %scan3A = arith.constant 0 : i32
    %scan3A_5 = arith.constant 0 : i32
    %scan3A_6 = arith.constant 79 : i32
    %scan3A_7 = arith.addi %scan3A_5, %scan3A_6 : i32
    %scan3A_8 = arith.constant 1 : i32
    scf.for %scan3A_18 = %scan3A_5 to %scan3A_7 step %scan3A_8  : i32 {
      "tpu.region"() ({
        %run_scoped3A = tpu.sem_alloc : memref<!tpu.dma_semaphore, #tpu.memory_space<semaphore_mem>>
        %dma_start3A = arith.constant 0 : i32
        %dma_start3A_19 = tpu.memref_slice %arg7[%scan3A_18, %dma_start3A] : memref<79x128xi32, #tpu.memory_space<vmem>> -> memref<1x128xi32, #tpu.memory_space<vmem>>
        %dma_start3A_20 = tpu.memref_squeeze %dma_start3A_19 : memref<1x128xi32, #tpu.memory_space<vmem>> -> memref<128xi32, #tpu.memory_space<vmem>>
        %dma_start3A_21 = arith.constant 0 : i32
        %dma_start3A_22 = arith.constant 0 : i32
        %dma_start3A_23 = tpu.memref_slice %arg4[%dma_start3A_21, %dma_start3A_22] : memref<10000x128xf32, #tpu.memory_space<hbm>> -> memref<10000x128xf32, #tpu.memory_space<hbm>>
        tpu.enqueue_indirect_dma source(%dma_start3A_23 : memref<10000x128xf32, #tpu.memory_space<hbm>>) target(%arg9 : memref<128x128xf32, #tpu.memory_space<vmem>>) offsets(%dma_start3A_20 : memref<128xi32, #tpu.memory_space<vmem>>) semaphore(%run_scoped3A : memref<!tpu.dma_semaphore, #tpu.memory_space<semaphore_mem>>)
        %dma_wait3A = arith.constant 0 : i32
        %dma_wait3A_24 = tpu.memref_slice %arg7[%scan3A_18, %dma_wait3A] : memref<79x128xi32, #tpu.memory_space<vmem>> -> memref<1x128xi32, #tpu.memory_space<vmem>>
        %dma_wait3A_25 = tpu.memref_squeeze %dma_wait3A_24 : memref<1x128xi32, #tpu.memory_space<vmem>> -> memref<128xi32, #tpu.memory_space<vmem>>
        %dma_wait3A_26 = arith.constant 0 : i32
        %dma_wait3A_27 = arith.constant 0 : i32
        %dma_wait3A_28 = tpu.memref_slice %arg4[%dma_wait3A_26, %dma_wait3A_27] : memref<10000x128xf32, #tpu.memory_space<hbm>> -> memref<10000x128xf32, #tpu.memory_space<hbm>>
        tpu.wait_indirect_dma semaphore(%run_scoped3A : memref<!tpu.dma_semaphore, #tpu.memory_space<semaphore_mem>>) src(%dma_wait3A_28 : memref<10000x128xf32, #tpu.memory_space<hbm>>) dst(%arg9 : memref<128x128xf32, #tpu.memory_space<vmem>>)
        tpu.yield
      }) : () -> ()
      "tpu.region"() ({
        %run_scoped3A = tpu.sem_alloc : memref<!tpu.dma_semaphore, #tpu.memory_space<semaphore_mem>>
        %dma_start3A = arith.constant 0 : i32
        %dma_start3A_19 = tpu.memref_slice %arg8[%scan3A_18, %dma_start3A] : memref<79x128xi32, #tpu.memory_space<vmem>> -> memref<1x128xi32, #tpu.memory_space<vmem>>
        %dma_start3A_20 = tpu.memref_squeeze %dma_start3A_19 : memref<1x128xi32, #tpu.memory_space<vmem>> -> memref<128xi32, #tpu.memory_space<vmem>>
        %dma_start3A_21 = arith.constant 0 : i32
        %dma_start3A_22 = arith.constant 0 : i32
        %dma_start3A_23 = tpu.memref_slice %arg10[%dma_start3A_21, %dma_start3A_22] : memref<10112x128xf32, #tpu.memory_space<vmem_shared>> -> memref<10112x128xf32, #tpu.memory_space<vmem_shared>>
        tpu.enqueue_indirect_dma source(%arg9 : memref<128x128xf32, #tpu.memory_space<vmem>>) target(%dma_start3A_23 : memref<10112x128xf32, #tpu.memory_space<vmem_shared>>) offsets(%dma_start3A_20 : memref<128xi32, #tpu.memory_space<vmem>>) semaphore(%run_scoped3A : memref<!tpu.dma_semaphore, #tpu.memory_space<semaphore_mem>>) {add = true}
        %dma_wait3A = arith.constant 0 : i32
        %dma_wait3A_24 = tpu.memref_slice %arg8[%scan3A_18, %dma_wait3A] : memref<79x128xi32, #tpu.memory_space<vmem>> -> memref<1x128xi32, #tpu.memory_space<vmem>>
        %dma_wait3A_25 = tpu.memref_squeeze %dma_wait3A_24 : memref<1x128xi32, #tpu.memory_space<vmem>> -> memref<128xi32, #tpu.memory_space<vmem>>
        %dma_wait3A_26 = arith.constant 0 : i32
        %dma_wait3A_27 = arith.constant 0 : i32
        %dma_wait3A_28 = tpu.memref_slice %arg10[%dma_wait3A_26, %dma_wait3A_27] : memref<10112x128xf32, #tpu.memory_space<vmem_shared>> -> memref<10112x128xf32, #tpu.memory_space<vmem_shared>>
        tpu.wait_indirect_dma semaphore(%run_scoped3A : memref<!tpu.dma_semaphore, #tpu.memory_space<semaphore_mem>>) src(%arg9 : memref<128x128xf32, #tpu.memory_space<vmem>>) dst(%dma_wait3A_28 : memref<10112x128xf32, #tpu.memory_space<vmem_shared>>)
        tpu.yield
      }) : () -> ()
    }
    %scan3A_9 = arith.constant 79 : i32
    %barrier3A_10 = arith.constant 0 : index
    tpu.barrier barrier_id(%barrier3A_10)
    %mul3A_11 = arith.constant 632 : i32
    %mul3A_12 = arith.muli %arg1, %mul3A_11 : i32
    %mul3A_13 = arith.constant 10112 : i32
    %mul3A_14 = arith.muli %arg0, %mul3A_13 : i32
    %mul3A_15 = arith.constant 632 : i32
    %mul3A_16 = arith.muli %arg1, %mul3A_15 : i32
    %add3A_17 = arith.addi %mul3A_14, %mul3A_16 : i32
    "tpu.region"() ({
      %run_scoped3A = tpu.sem_alloc : memref<!tpu.dma_semaphore, #tpu.memory_space<semaphore_mem>>
      %dma_start3A = arith.constant 0 : i32
      %dma_start3A_18 = tpu.memref_slice %arg6[%add3A_17, %dma_start3A] : memref<20224x128xf32, #tpu.memory_space<hbm>> -> memref<632x128xf32, #tpu.memory_space<hbm>>
      %dma_start3A_19 = arith.constant 0 : i32
      %dma_start3A_20 = tpu.memref_slice %arg10[%mul3A_12, %dma_start3A_19] : memref<10112x128xf32, #tpu.memory_space<vmem_shared>> -> memref<632x128xf32, #tpu.memory_space<vmem_shared>>
      tpu.enqueue_dma source(%dma_start3A_20 : memref<632x128xf32, #tpu.memory_space<vmem_shared>>) target(%dma_start3A_18 : memref<632x128xf32, #tpu.memory_space<hbm>>) target_semaphore(%run_scoped3A : memref<!tpu.dma_semaphore, #tpu.memory_space<semaphore_mem>>)
      %dma_wait3A = arith.constant 0 : i32
      %dma_wait3A_21 = tpu.memref_slice %arg6[%add3A_17, %dma_wait3A] : memref<20224x128xf32, #tpu.memory_space<hbm>> -> memref<632x128xf32, #tpu.memory_space<hbm>>
      %dma_wait3A_22 = arith.constant 0 : i32
      %dma_wait3A_23 = tpu.memref_slice %arg10[%mul3A_12, %dma_wait3A_22] : memref<10112x128xf32, #tpu.memory_space<vmem_shared>> -> memref<632x128xf32, #tpu.memory_space<vmem_shared>>
      tpu.wait_dma2 semaphore(%run_scoped3A : memref<!tpu.dma_semaphore, #tpu.memory_space<semaphore_mem>>) src(%dma_wait3A_23 : memref<632x128xf32, #tpu.memory_space<vmem_shared>>) dst(%dma_wait3A_21 : memref<632x128xf32, #tpu.memory_space<hbm>>)
      tpu.yield
    }) : () -> ()
    return
  }
}

module attributes {stable_mosaic.version = 14 : i64} {
  func.func @_scale_body(%arg0: i32, %arg1: memref<1000x2xf32, #tpu.memory_space<vmem>>, %arg2: memref<1000x128xf32, #tpu.memory_space<vmem>>, %arg3: memref<128x128xf32, #tpu.memory_space<vmem>>, %arg4: memref<1000x128xf32, #tpu.memory_space<vmem>>, %arg5: memref<1000x1xf32, #tpu.memory_space<vmem>>) attributes {dimension_semantics = [#tpu.dimension_semantics<arbitrary>], iteration_bounds = array<i64: 10>, scalar_prefetch = 0 : i64, scratch_operands = 0 : i64, tpu.core_type = #tpu.core_type<tc>, window_params = [{transform_indices = @transform_0, window_bounds = array<i64: 1000, 2>}, {transform_indices = @transform_1, window_bounds = array<i64: 1000, 128>}, {pipeline_mode = #tpu.pipeline_mode<synchronous>, transform_indices = @transform_2, window_bounds = array<i64: 128, 128>}, {transform_indices = @transform_3, window_bounds = array<i64: 1000, 128>}, {transform_indices = @transform_4, window_bounds = array<i64: 1000, 1>}]} {
    %get3A = arith.constant 0 : index
    %get3A_0 = arith.constant 0 : index
    %get3A_1 = vector.load %arg1[%get3A, %get3A_0] : memref<1000x2xf32, #tpu.memory_space<vmem>>, vector<1000x2xf32>
    %slice3A = vector.extract_strided_slice %get3A_1 {offsets = [0, 0], sizes = [1000, 1], strides = [1, 1]} : vector<1000x2xf32> to vector<1000x1xf32>
    %slice3A_2 = vector.extract_strided_slice %get3A_1 {offsets = [0, 1], sizes = [1000, 1], strides = [1, 1]} : vector<1000x2xf32> to vector<1000x1xf32>
    %add3A = arith.addf %slice3A, %slice3A_2 : vector<1000x1xf32>
    %add3A_3 = arith.constant 1.000000e+00 : f32
    %add3A_4 = vector.broadcast %add3A_3 : f32 to vector<1000x1xf32>
    %add3A_5 = arith.addf %add3A, %add3A_4 : vector<1000x1xf32>
    %rsqrt3A = math.rsqrt %add3A_5 : vector<1000x1xf32>
    %get3A_6 = arith.constant 0 : index
    %get3A_7 = arith.constant 0 : index
    %get3A_8 = vector.load %arg2[%get3A_6, %get3A_7] : memref<1000x128xf32, #tpu.memory_space<vmem>>, vector<1000x128xf32>
    %get3A_9 = arith.constant 0 : index
    %get3A_10 = arith.constant 0 : index
    %get3A_11 = vector.load %arg3[%get3A_9, %get3A_10] : memref<128x128xf32, #tpu.memory_space<vmem>>, vector<128x128xf32>
    %dot_general3A = arith.constant dense<0.000000e+00> : vector<1000x128xf32>
    %dot_general3A_12 = tpu.matmul %get3A_8, %get3A_11, %dot_general3A {dimension_numbers = #tpu.dot_dimension_numbers<[1], [0], [0], [1], [0, 0, 1, 1], [], []>, transpose_lhs_hint = false} : vector<1000x128xf32>, vector<128x128xf32>, vector<1000x128xf32> -> vector<1000x128xf32>
    %mul3A = vector.broadcast %rsqrt3A : vector<1000x1xf32> to vector<1000x128xf32>
    %mul3A_13 = arith.mulf %dot_general3A_12, %mul3A : vector<1000x128xf32>
    %swap3A = arith.constant 0 : index
    %swap3A_14 = arith.constant 0 : index
    %swap3A_15 = vector.load %arg4[%swap3A, %swap3A_14] : memref<1000x128xf32, #tpu.memory_space<vmem>>, vector<1000x128xf32>
    tpu.vector_store %arg4[%swap3A, %swap3A_14], %mul3A_13 {strides = array<i32>} : memref<1000x128xf32, #tpu.memory_space<vmem>>, vector<1000x128xf32>,
    %swap3A_16 = arith.constant 0 : index
    %swap3A_17 = arith.constant 0 : index
    %swap3A_18 = vector.load %arg5[%swap3A_16, %swap3A_17] : memref<1000x1xf32, #tpu.memory_space<vmem>>, vector<1000x1xf32>
    tpu.vector_store %arg5[%swap3A_16, %swap3A_17], %rsqrt3A {strides = array<i32>} : memref<1000x1xf32, #tpu.memory_space<vmem>>, vector<1000x1xf32>,
    return
  }
  func.func @transform_0(%arg0: i32) -> (i32, i32) {
    %c0_i32 = arith.constant 0 : i32
    %c0_i32_0 = arith.constant 0 : i32
    return %arg0, %c0_i32 : i32, i32
  }
  func.func @transform_1(%arg0: i32) -> (i32, i32) {
    %c0_i32 = arith.constant 0 : i32
    %c0_i32_0 = arith.constant 0 : i32
    return %arg0, %c0_i32 : i32, i32
  }
  func.func @transform_2(%arg0: i32) -> (i32, i32) {
    %c0_i32 = arith.constant 0 : i32
    %c0_i32_0 = arith.constant 0 : i32
    %c0_i32_1 = arith.constant 0 : i32
    return %c0_i32, %c0_i32_0 : i32, i32
  }
  func.func @transform_3(%arg0: i32) -> (i32, i32) {
    %c0_i32 = arith.constant 0 : i32
    %c0_i32_0 = arith.constant 0 : i32
    return %arg0, %c0_i32 : i32, i32
  }
  func.func @transform_4(%arg0: i32) -> (i32, i32) {
    %c0_i32 = arith.constant 0 : i32
    %c0_i32_0 = arith.constant 0 : i32
    return %arg0, %c0_i32 : i32, i32
  }
}

module attributes {stable_mosaic.version = 14 : i64} {
  func.func @_gates_body(%arg0: i32, %arg1: memref<1000x128xf32, #tpu.memory_space<vmem>>, %arg2: memref<1000x128xf32, #tpu.memory_space<vmem>>, %arg3: memref<1000x128xf32, #tpu.memory_space<vmem>>, %arg4: memref<1000x1xf32, #tpu.memory_space<vmem>>, %arg5: memref<128x128xf32, #tpu.memory_space<vmem>>, %arg6: memref<128x128xf32, #tpu.memory_space<vmem>>, %arg7: memref<128x128xf32, #tpu.memory_space<vmem>>, %arg8: memref<128x16xf32, #tpu.memory_space<vmem>>, %arg9: memref<1x128xf32, #tpu.memory_space<vmem>>, %arg10: memref<1x128xf32, #tpu.memory_space<vmem>>, %arg11: memref<1x128xf32, #tpu.memory_space<vmem>>, %arg12: memref<1x128xf32, #tpu.memory_space<vmem>>, %arg13: memref<1x128xf32, #tpu.memory_space<vmem>>, %arg14: memref<1x128xf32, #tpu.memory_space<vmem>>, %arg15: memref<1x128xf32, #tpu.memory_space<vmem>>, %arg16: memref<1x16xf32, #tpu.memory_space<vmem>>, %arg17: memref<1000x128xf32, #tpu.memory_space<vmem>>) attributes {dimension_semantics = [#tpu.dimension_semantics<arbitrary>], iteration_bounds = array<i64: 10>, scalar_prefetch = 0 : i64, scratch_operands = 0 : i64, tpu.core_type = #tpu.core_type<tc>, window_params = [{transform_indices = @transform_0, window_bounds = array<i64: 1000, 128>}, {transform_indices = @transform_1, window_bounds = array<i64: 1000, 128>}, {transform_indices = @transform_2, window_bounds = array<i64: 1000, 128>}, {transform_indices = @transform_3, window_bounds = array<i64: 1000, 1>}, {pipeline_mode = #tpu.pipeline_mode<synchronous>, transform_indices = @transform_4, window_bounds = array<i64: 128, 128>}, {pipeline_mode = #tpu.pipeline_mode<synchronous>, transform_indices = @transform_5, window_bounds = array<i64: 128, 128>}, {pipeline_mode = #tpu.pipeline_mode<synchronous>, transform_indices = @transform_6, window_bounds = array<i64: 128, 128>}, {pipeline_mode = #tpu.pipeline_mode<synchronous>, transform_indices = @transform_7, window_bounds = array<i64: 128, 16>}, {pipeline_mode = #tpu.pipeline_mode<synchronous>, transform_indices = @transform_8, window_bounds = array<i64: 1, 128>}, {pipeline_mode = #tpu.pipeline_mode<synchronous>, transform_indices = @transform_9, window_bounds = array<i64: 1, 128>}, {pipeline_mode = #tpu.pipeline_mode<synchronous>, transform_indices = @transform_10, window_bounds = array<i64: 1, 128>}, {pipeline_mode = #tpu.pipeline_mode<synchronous>, transform_indices = @transform_11, window_bounds = array<i64: 1, 128>}, {pipeline_mode = #tpu.pipeline_mode<synchronous>, transform_indices = @transform_12, window_bounds = array<i64: 1, 128>}, {pipeline_mode = #tpu.pipeline_mode<synchronous>, transform_indices = @transform_13, window_bounds = array<i64: 1, 128>}, {pipeline_mode = #tpu.pipeline_mode<synchronous>, transform_indices = @transform_14, window_bounds = array<i64: 1, 128>}, {pipeline_mode = #tpu.pipeline_mode<synchronous>, transform_indices = @transform_15, window_bounds = array<i64: 1, 16>}, {transform_indices = @transform_16, window_bounds = array<i64: 1000, 128>}]} {
    %get3A = arith.constant 0 : index
    %get3A_0 = arith.constant 0 : index
    %get3A_1 = vector.load %arg1[%get3A, %get3A_0] : memref<1000x128xf32, #tpu.memory_space<vmem>>, vector<1000x128xf32>
    %get3A_2 = arith.constant 0 : index
    %get3A_3 = arith.constant 0 : index
    %get3A_4 = vector.load %arg2[%get3A_2, %get3A_3] : memref<1000x128xf32, #tpu.memory_space<vmem>>, vector<1000x128xf32>
    %add3A = arith.addf %get3A_1, %get3A_4 : vector<1000x128xf32>
    %get3A_5 = arith.constant 0 : index
    %get3A_6 = arith.constant 0 : index
    %get3A_7 = vector.load %arg3[%get3A_5, %get3A_6] : memref<1000x128xf32, #tpu.memory_space<vmem>>, vector<1000x128xf32>
    %add3A_8 = arith.addf %add3A, %get3A_7 : vector<1000x128xf32>
    %get3A_9 = arith.constant 0 : index
    %get3A_10 = arith.constant 0 : index
    %get3A_11 = vector.load %arg4[%get3A_9, %get3A_10] : memref<1000x1xf32, #tpu.memory_space<vmem>>, vector<1000x1xf32>
    %mul3A = vector.broadcast %get3A_11 : vector<1000x1xf32> to vector<1000x128xf32>
    %mul3A_12 = arith.mulf %add3A_8, %mul3A : vector<1000x128xf32>
    %get3A_13 = arith.constant 0 : index
    %get3A_14 = arith.constant 0 : index
    %get3A_15 = vector.load %arg9[%get3A_13, %get3A_14] : memref<1x128xf32, #tpu.memory_space<vmem>>, vector<1x128xf32>
    %add3A_16 = vector.broadcast %get3A_15 : vector<1x128xf32> to vector<1000x128xf32>
    %add3A_17 = arith.addf %mul3A_12, %add3A_16 : vector<1000x128xf32>
    %get3A_18 = arith.constant 0 : index
    %get3A_19 = arith.constant 0 : index
    %get3A_20 = vector.load %arg5[%get3A_18, %get3A_19] : memref<128x128xf32, #tpu.memory_space<vmem>>, vector<128x128xf32>
    %dot_general3A = arith.constant dense<0.000000e+00> : vector<1000x128xf32>
    %dot_general3A_21 = tpu.matmul %add3A_17, %get3A_20, %dot_general3A {dimension_numbers = #tpu.dot_dimension_numbers<[1], [0], [0], [1], [0, 0, 1, 1], [], []>, transpose_lhs_hint = false} : vector<1000x128xf32>, vector<128x128xf32>, vector<1000x128xf32> -> vector<1000x128xf32>
    %get3A_22 = arith.constant 0 : index
    %get3A_23 = arith.constant 0 : index
    %get3A_24 = vector.load %arg10[%get3A_22, %get3A_23] : memref<1x128xf32, #tpu.memory_space<vmem>>, vector<1x128xf32>
    %add3A_25 = vector.broadcast %get3A_24 : vector<1x128xf32> to vector<1000x128xf32>
    %add3A_26 = arith.addf %dot_general3A_21, %add3A_25 : vector<1000x128xf32>
    %get3A_27 = arith.constant 0 : index
    %get3A_28 = arith.constant 0 : index
    %get3A_29 = vector.load %arg13[%get3A_27, %get3A_28] : memref<1x128xf32, #tpu.memory_space<vmem>>, vector<1x128xf32>
    %add3A_30 = vector.broadcast %get3A_29 : vector<1x128xf32> to vector<1000x128xf32>
    %add3A_31 = arith.addf %add3A_26, %add3A_30 : vector<1000x128xf32>
    %logistic3A = arith.negf %add3A_31 : vector<1000x128xf32>
    %logistic3A_32 = math.exp %logistic3A : vector<1000x128xf32>
    %logistic3A_33 = arith.constant 1.000000e+00 : f32
    %logistic3A_34 = vector.broadcast %logistic3A_33 : f32 to vector<1000x128xf32>
    %logistic3A_35 = arith.addf %logistic3A_34, %logistic3A_32 : vector<1000x128xf32>
    %logistic3A_36 = arith.divf %logistic3A_34, %logistic3A_35 : vector<1000x128xf32>
    %get3A_37 = arith.constant 0 : index
    %get3A_38 = arith.constant 0 : index
    %get3A_39 = vector.load %arg6[%get3A_37, %get3A_38] : memref<128x128xf32, #tpu.memory_space<vmem>>, vector<128x128xf32>
    %dot_general3A_40 = arith.constant dense<0.000000e+00> : vector<1000x128xf32>
    %dot_general3A_41 = tpu.matmul %add3A_17, %get3A_39, %dot_general3A_40 {dimension_numbers = #tpu.dot_dimension_numbers<[1], [0], [0], [1], [0, 0, 1, 1], [], []>, transpose_lhs_hint = false} : vector<1000x128xf32>, vector<128x128xf32>, vector<1000x128xf32> -> vector<1000x128xf32>
    %get3A_42 = arith.constant 0 : index
    %get3A_43 = arith.constant 0 : index
    %get3A_44 = vector.load %arg11[%get3A_42, %get3A_43] : memref<1x128xf32, #tpu.memory_space<vmem>>, vector<1x128xf32>
    %add3A_45 = vector.broadcast %get3A_44 : vector<1x128xf32> to vector<1000x128xf32>
    %add3A_46 = arith.addf %dot_general3A_41, %add3A_45 : vector<1000x128xf32>
    %get3A_47 = arith.constant 0 : index
    %get3A_48 = arith.constant 0 : index
    %get3A_49 = vector.load %arg14[%get3A_47, %get3A_48] : memref<1x128xf32, #tpu.memory_space<vmem>>, vector<1x128xf32>
    %add3A_50 = vector.broadcast %get3A_49 : vector<1x128xf32> to vector<1000x128xf32>
    %add3A_51 = arith.addf %add3A_46, %add3A_50 : vector<1000x128xf32>
    %tanh3A = math.tanh %add3A_51 : vector<1000x128xf32>
    %get3A_52 = arith.constant 0 : index
    %get3A_53 = arith.constant 0 : index
    %get3A_54 = vector.load %arg7[%get3A_52, %get3A_53] : memref<128x128xf32, #tpu.memory_space<vmem>>, vector<128x128xf32>
    %dot_general3A_55 = arith.constant dense<0.000000e+00> : vector<1000x128xf32>
    %dot_general3A_56 = tpu.matmul %add3A_17, %get3A_54, %dot_general3A_55 {dimension_numbers = #tpu.dot_dimension_numbers<[1], [0], [0], [1], [0, 0, 1, 1], [], []>, transpose_lhs_hint = false} : vector<1000x128xf32>, vector<128x128xf32>, vector<1000x128xf32> -> vector<1000x128xf32>
    %get3A_57 = arith.constant 0 : index
    %get3A_58 = arith.constant 0 : index
    %get3A_59 = vector.load %arg12[%get3A_57, %get3A_58] : memref<1x128xf32, #tpu.memory_space<vmem>>, vector<1x128xf32>
    %add3A_60 = vector.broadcast %get3A_59 : vector<1x128xf32> to vector<1000x128xf32>
    %add3A_61 = arith.addf %dot_general3A_56, %add3A_60 : vector<1000x128xf32>
    %get3A_62 = arith.constant 0 : index
    %get3A_63 = arith.constant 0 : index
    %get3A_64 = vector.load %arg15[%get3A_62, %get3A_63] : memref<1x128xf32, #tpu.memory_space<vmem>>, vector<1x128xf32>
    %add3A_65 = vector.broadcast %get3A_64 : vector<1x128xf32> to vector<1000x128xf32>
    %add3A_66 = arith.addf %add3A_61, %add3A_65 : vector<1000x128xf32>
    %logistic3A_67 = arith.negf %add3A_66 : vector<1000x128xf32>
    %logistic3A_68 = math.exp %logistic3A_67 : vector<1000x128xf32>
    %logistic3A_69 = arith.constant 1.000000e+00 : f32
    %logistic3A_70 = vector.broadcast %logistic3A_69 : f32 to vector<1000x128xf32>
    %logistic3A_71 = arith.addf %logistic3A_70, %logistic3A_68 : vector<1000x128xf32>
    %logistic3A_72 = arith.divf %logistic3A_70, %logistic3A_71 : vector<1000x128xf32>
    %mul3A_73 = arith.mulf %logistic3A_36, %tanh3A : vector<1000x128xf32>
    %tanh3A_74 = math.tanh %mul3A_73 : vector<1000x128xf32>
    %mul3A_75 = arith.mulf %logistic3A_72, %tanh3A_74 : vector<1000x128xf32>
    %max3A = arith.constant 0.000000e+00 : f32
    %max3A_76 = vector.broadcast %max3A : f32 to vector<1000x128xf32>
    %max3A_77 = arith.maximumf %mul3A_75, %max3A_76 : vector<1000x128xf32>
    %get3A_78 = arith.constant 0 : index
    %get3A_79 = arith.constant 0 : index
    %get3A_80 = vector.load %arg8[%get3A_78, %get3A_79] : memref<128x16xf32, #tpu.memory_space<vmem>>, vector<128x16xf32>
    %dot_general3A_81 = arith.constant dense<0.000000e+00> : vector<1000x16xf32>
    %dot_general3A_82 = tpu.matmul %max3A_77, %get3A_80, %dot_general3A_81 {dimension_numbers = #tpu.dot_dimension_numbers<[1], [0], [0], [1], [0, 0, 1, 1], [], []>, transpose_lhs_hint = false} : vector<1000x128xf32>, vector<128x16xf32>, vector<1000x16xf32> -> vector<1000x16xf32>
    %get3A_83 = arith.constant 0 : index
    %get3A_84 = arith.constant 0 : index
    %get3A_85 = vector.load %arg16[%get3A_83, %get3A_84] : memref<1x16xf32, #tpu.memory_space<vmem>>, vector<1x16xf32>
    %add3A_86 = vector.broadcast %get3A_85 : vector<1x16xf32> to vector<1000x16xf32>
    %add3A_87 = arith.addf %dot_general3A_82, %add3A_86 : vector<1000x16xf32>
    %reduce_max3A = arith.constant dense<0xFF800000> : vector<1000xf32>
    %reduce_max3A_88 = vector.multi_reduction <maximumf>, %add3A_87, %reduce_max3A [1] : vector<1000x16xf32> to vector<1000xf32>
    %broadcast_in_dim3A = vector.shape_cast %reduce_max3A_88 : vector<1000xf32> to vector<1000x1xf32>
    %sub3A = vector.broadcast %broadcast_in_dim3A : vector<1000x1xf32> to vector<1000x16xf32>
    %sub3A_89 = arith.subf %add3A_87, %sub3A : vector<1000x16xf32>
    %exp3A = math.exp %sub3A_89 : vector<1000x16xf32>
    %reduce_sum3A = arith.constant dense<0.000000e+00> : vector<1000xf32>
    %reduce_sum3A_90 = vector.multi_reduction <add>, %exp3A, %reduce_sum3A [1] : vector<1000x16xf32> to vector<1000xf32>
    %broadcast_in_dim3A_91 = vector.shape_cast %reduce_sum3A_90 : vector<1000xf32> to vector<1000x1xf32>
    %div3A = vector.broadcast %broadcast_in_dim3A_91 : vector<1000x1xf32> to vector<1000x16xf32>
    %div3A_92 = arith.divf %exp3A, %div3A : vector<1000x16xf32>
    %broadcast_in_dim3A_93 = arith.constant 0.000000e+00 : f32
    %broadcast_in_dim3A_94 = vector.broadcast %broadcast_in_dim3A_93 : f32 to vector<1000x112xf32>
    %concatenate3A = tpu.concatenate %div3A_92, %broadcast_in_dim3A_94 in 1 : vector<1000x16xf32>, vector<1000x112xf32> -> vector<1000x128xf32>
    %swap3A = arith.constant 0 : index
    %swap3A_95 = arith.constant 0 : index
    %swap3A_96 = vector.load %arg17[%swap3A, %swap3A_95] : memref<1000x128xf32, #tpu.memory_space<vmem>>, vector<1000x128xf32>
    tpu.vector_store %arg17[%swap3A, %swap3A_95], %concatenate3A {strides = array<i32>} : memref<1000x128xf32, #tpu.memory_space<vmem>>, vector<1000x128xf32>,
    return
  }
  func.func @transform_0(%arg0: i32) -> (i32, i32) {
    %c0_i32 = arith.constant 0 : i32
    %c0_i32_0 = arith.constant 0 : i32
    return %arg0, %c0_i32 : i32, i32
  }
  func.func @transform_1(%arg0: i32) -> (i32, i32) {
    %c0_i32 = arith.constant 0 : i32
    %c0_i32_0 = arith.constant 0 : i32
    return %arg0, %c0_i32 : i32, i32
  }
  func.func @transform_2(%arg0: i32) -> (i32, i32) {
    %c0_i32 = arith.constant 0 : i32
    %c0_i32_0 = arith.constant 0 : i32
    return %arg0, %c0_i32 : i32, i32
  }
  func.func @transform_3(%arg0: i32) -> (i32, i32) {
    %c0_i32 = arith.constant 0 : i32
    %c0_i32_0 = arith.constant 0 : i32
    return %arg0, %c0_i32 : i32, i32
  }
  func.func @transform_4(%arg0: i32) -> (i32, i32) {
    %c0_i32 = arith.constant 0 : i32
    %c0_i32_0 = arith.constant 0 : i32
    %c0_i32_1 = arith.constant 0 : i32
    return %c0_i32, %c0_i32_0 : i32, i32
  }
  func.func @transform_5(%arg0: i32) -> (i32, i32) {
    %c0_i32 = arith.constant 0 : i32
    %c0_i32_0 = arith.constant 0 : i32
    %c0_i32_1 = arith.constant 0 : i32
    return %c0_i32, %c0_i32_0 : i32, i32
  }
  func.func @transform_6(%arg0: i32) -> (i32, i32) {
    %c0_i32 = arith.constant 0 : i32
    %c0_i32_0 = arith.constant 0 : i32
    %c0_i32_1 = arith.constant 0 : i32
    return %c0_i32, %c0_i32_0 : i32, i32
  }
  func.func @transform_7(%arg0: i32) -> (i32, i32) {
    %c0_i32 = arith.constant 0 : i32
    %c0_i32_0 = arith.constant 0 : i32
    %c0_i32_1 = arith.constant 0 : i32
    return %c0_i32, %c0_i32_0 : i32, i32
  }
  func.func @transform_8(%arg0: i32) -> (i32, i32) {
    %c0_i32 = arith.constant 0 : i32
    %c0_i32_0 = arith.constant 0 : i32
    %c0_i32_1 = arith.constant 0 : i32
    return %c0_i32, %c0_i32_0 : i32, i32
  }
  func.func @transform_9(%arg0: i32) -> (i32, i32) {
    %c0_i32 = arith.constant 0 : i32
    %c0_i32_0 = arith.constant 0 : i32
    %c0_i32_1 = arith.constant 0 : i32
    return %c0_i32, %c0_i32_0 : i32, i32
  }
  func.func @transform_10(%arg0: i32) -> (i32, i32) {
    %c0_i32 = arith.constant 0 : i32
    %c0_i32_0 = arith.constant 0 : i32
    %c0_i32_1 = arith.constant 0 : i32
    return %c0_i32, %c0_i32_0 : i32, i32
  }
  func.func @transform_11(%arg0: i32) -> (i32, i32) {
    %c0_i32 = arith.constant 0 : i32
    %c0_i32_0 = arith.constant 0 : i32
    %c0_i32_1 = arith.constant 0 : i32
    return %c0_i32, %c0_i32_0 : i32, i32
  }
  func.func @transform_12(%arg0: i32) -> (i32, i32) {
    %c0_i32 = arith.constant 0 : i32
    %c0_i32_0 = arith.constant 0 : i32
    %c0_i32_1 = arith.constant 0 : i32
    return %c0_i32, %c0_i32_0 : i32, i32
  }
  func.func @transform_13(%arg0: i32) -> (i32, i32) {
    %c0_i32 = arith.constant 0 : i32
    %c0_i32_0 = arith.constant 0 : i32
    %c0_i32_1 = arith.constant 0 : i32
    return %c0_i32, %c0_i32_0 : i32, i32
  }
  func.func @transform_14(%arg0: i32) -> (i32, i32) {
    %c0_i32 = arith.constant 0 : i32
    %c0_i32_0 = arith.constant 0 : i32
    %c0_i32_1 = arith.constant 0 : i32
    return %c0_i32, %c0_i32_0 : i32, i32
  }
  func.func @transform_15(%arg0: i32) -> (i32, i32) {
    %c0_i32 = arith.constant 0 : i32
    %c0_i32_0 = arith.constant 0 : i32
    %c0_i32_1 = arith.constant 0 : i32
    return %c0_i32, %c0_i32_0 : i32, i32
  }
  func.func @transform_16(%arg0: i32) -> (i32, i32) {
    %c0_i32 = arith.constant 0 : i32
    %c0_i32_0 = arith.constant 0 : i32
    return %arg0, %c0_i32 : i32, i32
  }
}

module attributes {stable_mosaic.version = 14 : i64} {
  func.func @_pair_body(%arg0: i32, %arg1: memref<8192x128xf32, #tpu.memory_space<vmem>>, %arg2: memref<8192x128xf32, #tpu.memory_space<vmem>>, %arg3: memref<8192x1xf32, #tpu.memory_space<vmem>>) attributes {dimension_semantics = [#tpu.dimension_semantics<arbitrary>], iteration_bounds = array<i64: 8>, scalar_prefetch = 0 : i64, scratch_operands = 0 : i64, tpu.core_type = #tpu.core_type<tc>, window_params = [{transform_indices = @transform_0, window_bounds = array<i64: 8192, 128>}, {transform_indices = @transform_1, window_bounds = array<i64: 8192, 128>}, {transform_indices = @transform_2, window_bounds = array<i64: 8192, 1>}]} {
    %get3A = arith.constant 0 : index
    %get3A_0 = arith.constant 0 : index
    %get3A_1 = vector.load %arg1[%get3A, %get3A_0] : memref<8192x128xf32, #tpu.memory_space<vmem>>, vector<8192x128xf32>
    %get3A_2 = arith.constant 0 : index
    %get3A_3 = arith.constant 0 : index
    %get3A_4 = vector.load %arg2[%get3A_2, %get3A_3] : memref<8192x128xf32, #tpu.memory_space<vmem>>, vector<8192x128xf32>
    %mul3A = arith.mulf %get3A_1, %get3A_4 : vector<8192x128xf32>
    %reduce_sum3A = arith.constant dense<0.000000e+00> : vector<8192xf32>
    %reduce_sum3A_5 = vector.multi_reduction <add>, %mul3A, %reduce_sum3A [1] : vector<8192x128xf32> to vector<8192xf32>
    %broadcast_in_dim3A = vector.shape_cast %reduce_sum3A_5 : vector<8192xf32> to vector<8192x1xf32>
    %swap3A = arith.constant 0 : index
    %swap3A_6 = arith.constant 0 : index
    %swap3A_7 = vector.load %arg3[%swap3A, %swap3A_6] : memref<8192x1xf32, #tpu.memory_space<vmem>>, vector<8192x1xf32>
    tpu.vector_store %arg3[%swap3A, %swap3A_6], %broadcast_in_dim3A {strides = array<i32>} : memref<8192x1xf32, #tpu.memory_space<vmem>>, vector<8192x1xf32>,
    return
  }
  func.func @transform_0(%arg0: i32) -> (i32, i32) {
    %c0_i32 = arith.constant 0 : i32
    %c0_i32_0 = arith.constant 0 : i32
    return %arg0, %c0_i32 : i32, i32
  }
  func.func @transform_1(%arg0: i32) -> (i32, i32) {
    %c0_i32 = arith.constant 0 : i32
    %c0_i32_0 = arith.constant 0 : i32
    return %arg0, %c0_i32 : i32, i32
  }
  func.func @transform_2(%arg0: i32) -> (i32, i32) {
    %c0_i32 = arith.constant 0 : i32
    %c0_i32_0 = arith.constant 0 : i32
    return %arg0, %c0_i32 : i32, i32
  }
}

</mosaic_0001>

<sc_bundles>
// kernel: kernel.11.cloned.1.call-start
scs
__scs_entry_jumppad:
0x0: {  	(pc) =	sbr.rel $0x88, $3  }
0x1: {  	(tag) =	ssettag $0x0;
	lr =	simm.s32 $0x1  }
0x2: {  	[smem:$0x3F91] =	sst lr;
	_ =	strace $0xD0000000  }
0x3: {  	_ = 	snop  }
0x4: {  	_ = 	snop  }
0x5: {  	_ = 	snop  }
0x6: {  	_ = 	snop  }
0x7: {  	_ = 	snop  }
__scs_overlays_trampoline_lowered:
0x8: {  	[smem:$0x3FA0] =	sst s0  }
0x9: {  	[smem:$0x3FA1] =	sst s1  }
0xa: {  	[smem:$0x3FA2] =	sst s2  }
0xb: {  	[smem:$0x3FA3] =	sst s3  }
0xc: {  	[smem:$0x3FA4] =	sst s4  }
0xd: {  	[smem:$0x3FA5] =	sst s5  }
0xe: {  	[smem:$0x3FA6] =	sst s6  }
0xf: {  	[smem:$0x3FA7] =	sst s7  }
0x10: {  	[smem:$0x3FA8] =	sst s8  }
0x11: {  	[smem:$0x3FA9] =	sst s9;
	s0 =	simm.s32 @!p0 $0x0  }
0x12: {  	s1 =	sld [smem:$0x3F8F];
	s0 =	simm.s32 @p0 $0x1  }
0x13: {  	[smem:$0x3FAA] =	sst s0;
	s0 =	simm.s32 @!p1 $0x0  }
0x14: {  	s2 =	sld [smem:$0x3F8E];
	s0 =	simm.s32 @p1 $0x1  }
0x15: {  	[smem:$0x3FAB] =	sst s0;
	s0 =	simm.s32 @!p2 $0x0  }
0x16: {  	s3 =	sld [smem:$0x3FDB];
	s0 =	simm.s32 @p2 $0x1  }
0x17: {  	s4 =	simm.s32 $0x1BF5;
	[smem:$0x3FAD] =	sst s0  }
0x18: {  	s0 =	sld [smem:$0x3F90];
	_ =	swait.ge [sflag:s4], $0x0  }
0x19: {  	s7 =	sld [smem:$0x3F91]  }
0x1a: {  	s8 =	sadd.s32 $0xFFFFE003, lr  }
0x1b: {  	s9 =	sadd.s32 $0xFFFFFEF7, lr;
	s5 =	simm.s32 $0xFFFFFFFF;
	p2 =	slt.u32 s8, $0xFFFFF086  }
0x1c: {  	p1 =	slt.u32 s9, $0xF7A;
	s5 =	simm.s32 @!p2 $0x0  }
0x1d: {  	s5 =	simm.s32 @p1 $0x1;
	p0 =	seq.s32 s7, s2  }
0x1e: {  	s7 =	smul.u32 @!p0 $0xF7A, s2;
	p2 =	seq.s32 @!p0 s5, $0x0  }
0x1f: {  	s9 =	smul.u32 $0xF7A, s1;
	s8 =	simm.s32 @!p0 $0x1BF5;
	p2 =	por !p2, p0  }
0x20: {  	[sflag:s8] =	ssyncset.s32 @!p0 $0xFFFFF086;
	s6 =	sadd.s32 @!p0 s3, s7;
	s7 =	simm.s32 @!p0 $0x108  }
0x21: {  	s3 =	sadd.s32 s3, s9;
	s6 =	sadd.s32 @!p0 $0x88, s6;
	s7 =	simm.s32 @p2 $0x1082  }
0x22: {  	[simem:s7], [sflag:s8] =	dma.local @!p0 [hbm:s6], $0xF7A  }
0x23: {  	s9 =	sor.u32 $0xD0000000, s2;
	s6 =	simm.s32 $0x108;
	_ =	swait.ge @!p0 [sflag:s8], $0x0  }
0x24: {  	s3 =	sadd.s32 $0x88, s3;
	s6 =	simm.s32 @!p1 $0x1082;
	[sflag:s4] =	ssyncset.s32 $0xFFFFF086  }
0x25: {  	[simem:s6], [sflag:s4] =	dma.local [hbm:s3], $0xF7A  }
0x26: {  	[smem:$0x3F91] =	sst s1;
	(tag) =	ssettag s2;
	_ =	strace s9  }
0x27: {  	s1 =	sld [smem:$0x3FA1]  }
0x28: {  	s2 =	sld [smem:$0x3FA2]  }
0x29: {  	s4 =	sld [smem:$0x3FA4]  }
0x2a: {  	p0 =	seq.s32 s5, $0x0;
	s5 =	sld [smem:$0x3FA5]  }
0x2b: {  	s6 =	sld [smem:$0x3FA6]  }
0x2c: {  	s7 =	sld [smem:$0x3FA7]  }
0x2d: {  	s3 =	simm.s32 $0x108;
	s8 =	sld [smem:$0x3FA8]  }
0x2e: {  	s3 =	simm.s32 @!p0 $0x1082;
	s9 =	sld [smem:$0x3FA9]  }
0x2f: {  	lr =	sadd.s32 s0, s3;
	s0 =	sld [smem:$0x3FA0]  }
0x30: {  	s3 =	sld [smem:$0x3FA3]  }
0x31: {  	[smem:$0x3FAC] =	sst s10  }
0x32: {  	s10 =	sld [smem:$0x3FAA];
	_ =	sdelay $0x3  }
0x33: {  	p0 =	seq.s32 s10, $0x1;
	s10 =	sld [smem:$0x3FAC];
	_ =	sdelay $0x3  }
0x34: {  	[smem:$0x3FAC] =	sst s10  }
0x35: {  	s10 =	sld [smem:$0x3FAB];
	_ =	sdelay $0x3  }
0x36: {  	p1 =	seq.s32 s10, $0x1;
	s10 =	sld [smem:$0x3FAC];
	_ =	sdelay $0x3  }
0x37: {  	[smem:$0x3FAC] =	sst s10  }
0x38: {  	s10 =	sld [smem:$0x3FAD]  }
0x39: {  	_ = 	snop;
	(pc) =	sbr.ind lr, $3  }
0x3a: {  	_ = 	snop  }
0x3b: {  	_ = 	snop  }
0x3c: {  	p2 =	seq.s32 s10, $0x1;
	s10 =	sld [smem:$0x3FAC]  }
0x3d: {  	_ =	shalt  }
0x3e: {  	_ =	shalt  }
0x3f: {  	_ =	shalt  }
0x40: {  	_ =	shalt  }
0x41: {  	_ =	shalt  }
0x42: {  	_ =	shalt  }
0x43: {  	_ =	shalt  }
0x44: {  	_ =	shalt  }
0x45: {  	_ =	shalt  }
0x46: {  	_ =	shalt  }
0x47: {  	_ =	shalt  }
0x48: {  	_ =	shalt  }
0x49: {  	_ =	shalt  }
0x4a: {  	_ =	shalt  }
0x4b: {  	_ =	shalt  }
0x4c: {  	_ =	shalt  }
0x4d: {  	_ =	shalt  }
0x4e: {  	_ =	shalt  }
0x4f: {  	_ =	shalt  }
0x50: {  	_ =	shalt  }
0x51: {  	_ =	shalt  }
0x52: {  	_ =	shalt  }
0x53: {  	_ =	shalt  }
0x54: {  	_ =	shalt  }
0x55: {  	_ =	shalt  }
0x56: {  	_ =	shalt  }
0x57: {  	_ =	shalt  }
0x58: {  	_ =	shalt  }
0x59: {  	_ =	shalt  }
0x5a: {  	_ =	shalt  }
0x5b: {  	_ =	shalt  }
0x5c: {  	_ =	shalt  }
0x5d: {  	_ =	shalt  }
0x5e: {  	_ =	shalt  }
0x5f: {  	_ =	shalt  }
0x60: {  	_ =	shalt  }
0x61: {  	_ =	shalt  }
0x62: {  	_ =	shalt  }
0x63: {  	_ =	shalt  }
0x64: {  	_ =	shalt  }
0x65: {  	_ =	shalt  }
0x66: {  	_ =	shalt  }
0x67: {  	_ =	shalt  }
0x68: {  	_ =	shalt  }
0x69: {  	_ =	shalt  }
0x6a: {  	_ =	shalt  }
0x6b: {  	_ =	shalt  }
0x6c: {  	_ =	shalt  }
0x6d: {  	_ =	shalt  }
0x6e: {  	_ =	shalt  }
0x6f: {  	_ =	shalt  }
0x70: {  	_ =	shalt  }
0x71: {  	_ =	shalt  }
0x72: {  	_ =	shalt  }
0x73: {  	_ =	shalt  }
0x74: {  	_ =	shalt  }
0x75: {  	_ =	shalt  }
0x76: {  	_ =	shalt  }
0x77: {  	_ =	shalt  }
0x78: {  	_ =	shalt  }
0x79: {  	_ =	shalt  }
0x7a: {  	_ =	shalt  }
0x7b: {  	_ =	shalt  }
0x7c: {  	_ =	shalt  }
0x7d: {  	_ =	shalt  }
0x7e: {  	_ =	shalt  }
0x7f: {  	_ =	shalt  }
0x80: {  	_ =	shalt  }
0x81: {  	_ =	shalt  }
0x82: {  	_ =	shalt  }
0x83: {  	_ =	shalt  }
0x84: {  	_ =	shalt  }
0x85: {  	_ =	shalt  }
0x86: {  	_ =	shalt  }
0x87: {  	_ =	shalt  }
.Lfunc_end0:
.L_simem_size_0:
called_computation.1_lowered:
.L_overlay_start_0:
0x88: {  	s2 =	sld [smem:$0x3FD9]  }
0x89: {  	s3 =	sld [smem:$0x3FFE];
	_ =	sdelay $0x1  }
0x8a: {  	s1 =	srdreg.scid  }
0x8b: {  	s0 =	sand.u32 $0x1, s1  }
0x8c: {  	s16 =	sshll.u32 s0, $0xA;
	s2 =	sadd.s32 s3, s2  }
0x8d: {  	s2 =	sadd.s32 s2, s16  }
0x8e: {  	[smem:$0x3FB8] =	sst s2  }
0x8f: {  	_ = 	snop  }
0x90: {  	(tm) =	ssettm $0x1  }
0x91: {  	s17 =	sld [smem:$0x3FFB];
	_ =	sdelay $0x3  }
0x92: {  	_ =	strace s17  }
0x93: {  	s2 =	sld [smem:$0x3FFC];
	_ =	sdelay $0x3  }
0x94: {  	_ =	strace s2  }
0x95: {  	s2 =	sld [smem:$0x3FFD];
	_ =	sdelay $0x3  }
0x96: {  	_ =	strace s2  }
0x97: {  	_ =	strace $0x8FFFFFFF  }
0x98: {  	s18 =	sld [smem:$0x3FDB];
	_ =	sdelay $0x1  }
0x99: {  	s19 =	simm.s32 $_scs_section_size  }
0x9a: {  	s4 =	simm.s32 $_size__tile_overlayer_lowered;
	s5 =	simm.s32 $_tile_overlayer_lowered  }
0x9b: {  	s22 =	simm.s32 $0x1BFF;
	s21 =	sshll.u32 s5, $0x1;
	s2 =	sadd.s32 s19, s18  }
0x9c: {  	s6 =	simm.s32 $0x0;
	s20 =	sshll.u32 s4, $0x1;
	s4 =	sadd.s32 s21, s2  }
0x9d: {  	[timem:s6], [sflag:s22] =	dma.local [hbm:s4], s20  }
0x9e: {  	_ =	swait.ge [sflag:s22], s20  }
0x9f: {  	s3 =	ssub.s32 $0x0, s20;
	[sflag:s22] =	ssyncset.done $0x0  }
0xa0: {  	[sflag:s22] =	ssyncadd.s32 s3;
	_ =	sdelay $0x1  }
0xa1: {  	s23 =	simm.s32 $0x1B8B  }
0xa2: {  	_ =	swait.ge [sflag:s23], $0x1  }
0xa3: {  	[sflag:s23] =	ssyncset.done $0x0  }
0xa4: {  	s25 =	simm.s32 $0x1B8E;
	s24 =	sld [smem:$0x3FFE];
	[sflag:s23] =	ssyncadd.s32 $0xFFFFFFFF  }
0xa5: {  	s26 =	simm.s32 $execute0_lowered;
	[smem:$0x3FD2] =	sst s25  }
0xa6: {  	s4 =	sshll.u32 s26, $0x1;
	_ =	strace $0x80000049;
	[dreg:$0x1] =	wrdreg $0xFFFFFFFF  }
0xa7: {  	s28 =	simm.s32 $_size_execute0_lowered;
	s2 =	sadd.s32 s2, s4;
	[dreg:$0x0] =	wrdreg $0x0  }
0xa8: {  	s4 =	sshll.u32 s28, $0x1;
	[dreg:$0x2] =	wrdreg s2  }
0xa9: {  	[dreg:$0x3] =	wrdreg s4  }
0xaa: {  	[dreg:$0x4] =	wrdreg $0xC0  }
0xab: {  	_ =	task [dreg:s6], $0x5FFFF  }
0xac: {  	[dreg:$0x1] =	wrdreg $0xFFFFFFFF  }
0xad: {  	[dreg:$0x0] =	wrdreg $0x60  }
0xae: {  	[dreg:$0x2] =	wrdreg s24  }
0xaf: {  	[dreg:$0x3] =	wrdreg $0x90000  }
0xb0: {  	[dreg:$0x4] =	wrdreg $0x9  }
0xb1: {  	_ =	task.clear_ibuf [dreg:s6], $0x5FFFF;
	_ =	strace $0x90000049  }
0xb2: {  	s29 =	simm.s32 $0x9;
	_ =	strace $0x8000004B  }
0xb3: {  	_ =	swait.ge [sflag:s29], $0x1  }
0xb4: {  	[sflag:s29] =	ssyncadd.s32 $0xFFFFFFFF  }
0xb5: {  	_ =	strace $0x9000004B  }
0xb6: {  	_ =	sfence  }
0xb7: {  	s30 =	sld [smem:$0x0];
	_ =	sdelay $0x2  }
0xb8: {  	s31 =	sshll.u32 s1, $0xD;
	s1 =	sshrl.u32 s1, $0x2  }
0xb9: {  	s3 =	sand.u32 $0x4000, s31;
	s1 =	sadd.s32 s1, s30  }
0xba: {  	s0 =	sor.u32 s3, s0;
	s1 =	sshll.u32 s1, $0x11  }
0xbb: {  	s0 =	sor.u32 s1, s0  }
0xbc: {  	s0 =	sadd.s32 $0x8F2B, s0  }
0xbd: {  	[sflag:s0] =	ssyncadd.remote.s32 $0x1  }
0xbe: {  	_ =	sfence.sel $0xFFFF  }
0xbf: {  	[dreg:$0x0] =	wrdreg $0xFFFFFFFF;
	(pc) =	sbr.abs _section_cstart, $3  }
0xc0: {  	[dreg:$0x1] =	wrdreg $0xFFFFFFFF  }
0xc1: {  	_ =	task.clear_ibuf [dreg:s6], $0x2FFFF;
	_ =	strace $0x9FFFFFFF  }
0xc2: {  	(tm) =	ssettm $0x7FFFFFFF  }
0xc3: {  	_ =	shalt  }
tec
execute0_lowered:
.L_overlay_start_1:
0x0: {  	(tag) =	ssettag $0x1  }
0x1: {  	s1 =	srdreg.scid;
	s5 =	rddreg [dreg:$0x0]  }
0x2: {  	s0 =	stileid.u32;
	s2 =	rddreg [dreg:$0x1];
	s3 =	simm.s32 $0x0  }
0x3: {  	s14 =	simm.s32 $0x80;
	s15 =	simm.s32 $0x5000;
	s16 =	simm.s32 $0x0  }
0x4: {  	s6 =	sand.u32 $0x1, s1;
	s1 =	rddreg [dreg:$0x2];
	s7 =	smul.u32 $0x2780, s0  }
0x5: {  	s26 =	sshll.u32 s0, $0x1;
	[smem:$0x7FF] =	sst s3;
	s10 =	smul.u32 $0x4F000, s0  }
0x6: {  	s31 =	sshll.u32 s0, $0x6;
	s4 =	sor.u32 s6, s26;
	s8 =	smul.u32 $0x27800, s6  }
0x7: {  	_ =	strace $0x8000004A;
	s6 =	ssub.s32 $0x2, s6;
	s4 =	smul.u32 $0x500, s4  }
0x8: {  	s11 =	sadd.s32 s7, s5;
	s28 =	sshrl.u32 s6, $0x1;
	s29 =	sshrl.u32 s10, $0x2  }
0x9: {  	s7 =	sadd.s32 s7, s8;
	s30 =	ssub.s32 s6, s28;
	s13 =	sadd.s32 s29, s2  }
0xa: {  	s6 =	sor.u32 $0x1C01, s31;
	s9 =	sadd.s32 s4, s5;
	s4 =	sadd.s32 $0x17800, s5  }
0xb: {  	s12 =	sadd.s32 s7, s5;
	s5 =	sadd.s32 $0x65C00, s11;
	s10 =	smax.u32 s30, $0x1  }
0xc: {  	s11 =	sshrl.u32 s13, $0x3;
	s13 =	simm.s32 $0x2800;
	s7 =	sadd.s32 $0xD800, s9  }
0xd: {  	s8 =	sadd.s32 $0x3800, s9;
	s9 =	sadd.s32 $0x8D400, s12;
	s12 =	simm.s32 $0x1  }
.LBB2_1:
0xe: {  	[spmem:s11], [sflag:s6] =	dma.local [hbm:s5], $0x2780  }
0xf: {  	_ =	swait.ge [sflag:s12], $0x2780  }
0x10: {  	[sflag:s12] =	ssyncset.done $0x0  }
0x11: {  	[sflag:s12] =	ssyncadd.s32 $0xFFFFD880  }
0x12: {  	[bflag:$0x0] =	sbarrier.arrive $0xFFFF  }
0x13: {  	[tilespmem:s3], [sflag:$0x1] =	stream.linear.gather [hbm4b:s7+s3], $0x2780, $0x38;
	[tilespmem:$0x1CC00] =	vst v63  }
0x14: {  	_ =	swait.ge [sflag:s12], $0x2780  }
0x15: {  	[sflag:s12] =	ssyncset.done $0x0  }
0x16: {  	[sflag:s12] =	ssyncadd.s32 $0xFFFFD880  }
0x17: {  	[tilespmem:s13], [sflag:$0x1] =	stream.linear.gather [hbm4b:s8+s3], $0x2780, $0x38;
	[tilespmem:$0x1CC00] =	vst v63  }
0x18: {  	_ =	swait.ge [sflag:s12], $0x2780  }
0x19: {  	[sflag:s12] =	ssyncset.done $0x0  }
0x1a: {  	s17 =	simm.s32 $0x0;
	[sflag:s12] =	ssyncadd.s32 $0xFFFFD880  }
0x1b: {  	[tilespmem:s15], [sflag:$0x1] =	stream.indirect.gather [hbm4b:s4+s14], $0x80, s17, s14, $0xb8;
	[tilespmem:$0x1CC00] =	vst v63  }
0x1c: {  	_ =	swait.ge [sflag:s12], $0x4000  }
0x1d: {  	[sflag:s12] =	ssyncset.done $0x0  }
0x1e: {  	s31 =	simm.s32 $0x2800;
	[sflag:s12] =	ssyncadd.s32 $0xFFFFC000  }
0x1f: {  	[spmem:s2] =	stream.indirect.scatter.add.f32 [tilespmem:s15], [sflag:$0x1], $0x80, s31, s14, $0xb8;
	[tilespmem:$0x1CC00] =	vst v63  }
0x20: {  	_ =	swait.ge [sflag:s12], $0x4000  }
0x21: {  	s18 =	simm.s32 $0x400;
	s17 =	simm.s32 $0x200;
	[sflag:s12] =	ssyncset.done $0x0  }
.LBB2_2:
0x22: {  	s19 =	sshra.s32 s17, $0x2  }
0x23: {  	[sflag:s12] =	ssyncadd.s32 $0xFFFFC000;
	s17 =	smov.u32 s18;
	s20 =	sadd.s32 $0x200, s18  }
0x24: {  	[tilespmem:s15], [sflag:$0x1] =	stream.indirect.gather [hbm4b:s4+s14], $0x80, s19, s14, $0xb8;
	[tilespmem:$0x1CC00] =	vst v63  }
0x25: {  	p0 =	sne.s32 s18, $0x9C00;
	_ =	swait.ge [sflag:s12], $0x4000  }
.Ltmp0:
0x26: {  	[sflag:s12] =	ssyncset.done $0x0;
	(pc) =	sbr.rel @p0 .LBB2_2-.Ltmp0, $4  }
0x27: {  	s18 =	sadd.s32 $0x2800, s19;
	[sflag:s12] =	ssyncadd.s32 $0xFFFFC000  }
0x28: {  	[spmem:s2] =	stream.indirect.scatter.add.f32 [tilespmem:s15], [sflag:$0x1], $0x80, s18, s14, $0xb8;
	[tilespmem:$0x1CC00] =	vst v63  }
0x29: {  	_ =	swait.ge [sflag:s12], $0x4000  }
0x2a: {  	s18 =	smov.u32 s20;
	[sflag:s12] =	ssyncset.done $0x0  }
0x2b: {  	s17 =	sshra.s32 s17, $0x2;
	[sflag:s12] =	ssyncadd.s32 $0xFFFFC000  }
0x2c: {  	[tilespmem:s15], [sflag:$0x1] =	stream.indirect.gather [hbm4b:s4+s14], $0x80, s17, s14, $0xb8;
	[tilespmem:$0x1CC00] =	vst v63  }
0x2d: {  	_ =	swait.ge [sflag:s12], $0x4000  }
0x2e: {  	[sflag:s12] =	ssyncset.done $0x0  }
0x2f: {  	s17 =	sadd.s32 $0x2800, s17;
	[sflag:s12] =	ssyncadd.s32 $0xFFFFC000  }
0x30: {  	[spmem:s2] =	stream.indirect.scatter.add.f32 [tilespmem:s15], [sflag:$0x1], $0x80, s17, s14, $0xb8;
	[tilespmem:$0x1CC00] =	vst v63  }
0x31: {  	_ =	swait.ge [sflag:s12], $0x4000  }
0x32: {  	s16 =	sadd.s32 $0x1, s16;
	[sflag:s12] =	ssyncset.done $0x0  }
0x33: {  	p0 =	sne.s32 s16, s10;
	[sflag:s12] =	ssyncadd.s32 $0xFFFFC000  }
.Ltmp1:
0x34: {  	[bflag:$0x0] =	sbarrier.arrive $0xFFFF;
	(pc) =	sbr.rel @p0 .LBB2_1-.Ltmp1, $4  }
0x35: {  	[hbm:s9], [sflag:s6] =	dma.local [spmem:s11], $0x2780  }
0x36: {  	_ =	swait.ge [sflag:s12], $0x2780  }
0x37: {  	[sflag:s12] =	ssyncset.done $0x0  }
0x38: {  	[sflag:s12] =	ssyncadd.s32 $0xFFFFD880  }
0x39: {  	_ =	sfence.sel $0x180000  }
0x3a: {  	[bflag:$0x0] =	sbarrier.arrive $0xFFFF  }
0x3b: {  	p0 =	sne.s32 s0, $0x0;
	_ =	strace $0x9000004A  }
0x3c: {  	s0 =	sadd.s32 @!p0 $0x100000, s1;
	[bflag:$0x2] =	sbarrier.arrive $0xFFFF  }
0x3d: {  	[sflag:s0] =	ssyncadd.tile.s32 @!p0 $0x1;
	_ =	shalt  }
.Lfunc_end2:
_tile_overlayer_lowered:
.L_overlay_start_2:
0x3e: {  	(tag) =	ssettag $0x2  }
0x3f: {  	s0 =	rddreg [dreg:$0x0];
	s2 =	stileid.u32  }
0x40: {  	s1 =	rddreg [dreg:$0x1];
	p0 =	sne.s32 s2, $0x0  }
0x41: {  	s3 =	rddreg [dreg:$0x2];
	[bflag:$0x3] =	sbarrier.arrive $0xFFFF;
	s2 =	simm.s32 @!p0 $0x1C01  }
0x42: {  	[timem:s3], [sflag:s2] =	dma.local @!p0 [hbm:s0], s1  }
0x43: {  	s0 =	simm.s32 @!p0 $0x1  }
0x44: {  	_ =	swait.ge @!p0 [sflag:s0], s1  }
0x45: {  	s1 =	ssub.s32 @!p0 $0x0, s1;
	[sflag:s0] =	ssyncset.done @!p0 $0x0  }
0x46: {  	[sflag:s0] =	ssyncadd.s32 @!p0 s1  }
0x47: {  	[bflag:$0x3] =	sbarrier.arrive $0xFFFF  }
0x48: {  	_ =	shalt  }

// kernel: kernel.14.cloned.1.call-start
scs
__scs_entry_jumppad:
0x0: {  	(pc) =	sbr.rel $0x88, $3  }
0x1: {  	(tag) =	ssettag $0x0;
	lr =	simm.s32 $0x1  }
0x2: {  	[smem:$0x3F91] =	sst lr;
	_ =	strace $0xD0000000  }
0x3: {  	_ = 	snop  }
0x4: {  	_ = 	snop  }
0x5: {  	_ = 	snop  }
0x6: {  	_ = 	snop  }
0x7: {  	_ = 	snop  }
__scs_overlays_trampoline_lowered:
0x8: {  	[smem:$0x3FA0] =	sst s0  }
0x9: {  	[smem:$0x3FA1] =	sst s1  }
0xa: {  	[smem:$0x3FA2] =	sst s2  }
0xb: {  	[smem:$0x3FA3] =	sst s3  }
0xc: {  	[smem:$0x3FA4] =	sst s4  }
0xd: {  	[smem:$0x3FA5] =	sst s5  }
0xe: {  	[smem:$0x3FA6] =	sst s6  }
0xf: {  	[smem:$0x3FA7] =	sst s7  }
0x10: {  	[smem:$0x3FA8] =	sst s8  }
0x11: {  	[smem:$0x3FA9] =	sst s9;
	s0 =	simm.s32 @!p0 $0x0  }
0x12: {  	s1 =	sld [smem:$0x3F8F];
	s0 =	simm.s32 @p0 $0x1  }
0x13: {  	[smem:$0x3FAA] =	sst s0;
	s0 =	simm.s32 @!p1 $0x0  }
0x14: {  	s2 =	sld [smem:$0x3F8E];
	s0 =	simm.s32 @p1 $0x1  }
0x15: {  	[smem:$0x3FAB] =	sst s0;
	s0 =	simm.s32 @!p2 $0x0  }
0x16: {  	s3 =	sld [smem:$0x3FDB];
	s0 =	simm.s32 @p2 $0x1  }
0x17: {  	s4 =	simm.s32 $0x1BF5;
	[smem:$0x3FAD] =	sst s0  }
0x18: {  	s0 =	sld [smem:$0x3F90];
	_ =	swait.ge [sflag:s4], $0x0  }
0x19: {  	s7 =	sld [smem:$0x3F91]  }
0x1a: {  	s8 =	sadd.s32 $0xFFFFE003, lr  }
0x1b: {  	s9 =	sadd.s32 $0xFFFFFEF7, lr;
	s5 =	simm.s32 $0xFFFFFFFF;
	p2 =	slt.u32 s8, $0xFFFFF086  }
0x1c: {  	p1 =	slt.u32 s9, $0xF7A;
	s5 =	simm.s32 @!p2 $0x0  }
0x1d: {  	s5 =	simm.s32 @p1 $0x1;
	p0 =	seq.s32 s7, s2  }
0x1e: {  	s7 =	smul.u32 @!p0 $0xF7A, s2;
	p2 =	seq.s32 @!p0 s5, $0x0  }
0x1f: {  	s9 =	smul.u32 $0xF7A, s1;
	s8 =	simm.s32 @!p0 $0x1BF5;
	p2 =	por !p2, p0  }
0x20: {  	[sflag:s8] =	ssyncset.s32 @!p0 $0xFFFFF086;
	s6 =	sadd.s32 @!p0 s3, s7;
	s7 =	simm.s32 @!p0 $0x108  }
0x21: {  	s3 =	sadd.s32 s3, s9;
	s6 =	sadd.s32 @!p0 $0x88, s6;
	s7 =	simm.s32 @p2 $0x1082  }
0x22: {  	[simem:s7], [sflag:s8] =	dma.local @!p0 [hbm:s6], $0xF7A  }
0x23: {  	s9 =	sor.u32 $0xD0000000, s2;
	s6 =	simm.s32 $0x108;
	_ =	swait.ge @!p0 [sflag:s8], $0x0  }
0x24: {  	s3 =	sadd.s32 $0x88, s3;
	s6 =	simm.s32 @!p1 $0x1082;
	[sflag:s4] =	ssyncset.s32 $0xFFFFF086  }
0x25: {  	[simem:s6], [sflag:s4] =	dma.local [hbm:s3], $0xF7A  }
0x26: {  	[smem:$0x3F91] =	sst s1;
	(tag) =	ssettag s2;
	_ =	strace s9  }
0x27: {  	s1 =	sld [smem:$0x3FA1]  }
0x28: {  	s2 =	sld [smem:$0x3FA2]  }
0x29: {  	s4 =	sld [smem:$0x3FA4]  }
0x2a: {  	p0 =	seq.s32 s5, $0x0;
	s5 =	sld [smem:$0x3FA5]  }
0x2b: {  	s6 =	sld [smem:$0x3FA6]  }
0x2c: {  	s7 =	sld [smem:$0x3FA7]  }
0x2d: {  	s3 =	simm.s32 $0x108;
	s8 =	sld [smem:$0x3FA8]  }
0x2e: {  	s3 =	simm.s32 @!p0 $0x1082;
	s9 =	sld [smem:$0x3FA9]  }
0x2f: {  	lr =	sadd.s32 s0, s3;
	s0 =	sld [smem:$0x3FA0]  }
0x30: {  	s3 =	sld [smem:$0x3FA3]  }
0x31: {  	[smem:$0x3FAC] =	sst s10  }
0x32: {  	s10 =	sld [smem:$0x3FAA];
	_ =	sdelay $0x3  }
0x33: {  	p0 =	seq.s32 s10, $0x1;
	s10 =	sld [smem:$0x3FAC];
	_ =	sdelay $0x3  }
0x34: {  	[smem:$0x3FAC] =	sst s10  }
0x35: {  	s10 =	sld [smem:$0x3FAB];
	_ =	sdelay $0x3  }
0x36: {  	p1 =	seq.s32 s10, $0x1;
	s10 =	sld [smem:$0x3FAC];
	_ =	sdelay $0x3  }
0x37: {  	[smem:$0x3FAC] =	sst s10  }
0x38: {  	s10 =	sld [smem:$0x3FAD]  }
0x39: {  	_ = 	snop;
	(pc) =	sbr.ind lr, $3  }
0x3a: {  	_ = 	snop  }
0x3b: {  	_ = 	snop  }
0x3c: {  	p2 =	seq.s32 s10, $0x1;
	s10 =	sld [smem:$0x3FAC]  }
0x3d: {  	_ =	shalt  }
0x3e: {  	_ =	shalt  }
0x3f: {  	_ =	shalt  }
0x40: {  	_ =	shalt  }
0x41: {  	_ =	shalt  }
0x42: {  	_ =	shalt  }
0x43: {  	_ =	shalt  }
0x44: {  	_ =	shalt  }
0x45: {  	_ =	shalt  }
0x46: {  	_ =	shalt  }
0x47: {  	_ =	shalt  }
0x48: {  	_ =	shalt  }
0x49: {  	_ =	shalt  }
0x4a: {  	_ =	shalt  }
0x4b: {  	_ =	shalt  }
0x4c: {  	_ =	shalt  }
0x4d: {  	_ =	shalt  }
0x4e: {  	_ =	shalt  }
0x4f: {  	_ =	shalt  }
0x50: {  	_ =	shalt  }
0x51: {  	_ =	shalt  }
0x52: {  	_ =	shalt  }
0x53: {  	_ =	shalt  }
0x54: {  	_ =	shalt  }
0x55: {  	_ =	shalt  }
0x56: {  	_ =	shalt  }
0x57: {  	_ =	shalt  }
0x58: {  	_ =	shalt  }
0x59: {  	_ =	shalt  }
0x5a: {  	_ =	shalt  }
0x5b: {  	_ =	shalt  }
0x5c: {  	_ =	shalt  }
0x5d: {  	_ =	shalt  }
0x5e: {  	_ =	shalt  }
0x5f: {  	_ =	shalt  }
0x60: {  	_ =	shalt  }
0x61: {  	_ =	shalt  }
0x62: {  	_ =	shalt  }
0x63: {  	_ =	shalt  }
0x64: {  	_ =	shalt  }
0x65: {  	_ =	shalt  }
0x66: {  	_ =	shalt  }
0x67: {  	_ =	shalt  }
0x68: {  	_ =	shalt  }
0x69: {  	_ =	shalt  }
0x6a: {  	_ =	shalt  }
0x6b: {  	_ =	shalt  }
0x6c: {  	_ =	shalt  }
0x6d: {  	_ =	shalt  }
0x6e: {  	_ =	shalt  }
0x6f: {  	_ =	shalt  }
0x70: {  	_ =	shalt  }
0x71: {  	_ =	shalt  }
0x72: {  	_ =	shalt  }
0x73: {  	_ =	shalt  }
0x74: {  	_ =	shalt  }
0x75: {  	_ =	shalt  }
0x76: {  	_ =	shalt  }
0x77: {  	_ =	shalt  }
0x78: {  	_ =	shalt  }
0x79: {  	_ =	shalt  }
0x7a: {  	_ =	shalt  }
0x7b: {  	_ =	shalt  }
0x7c: {  	_ =	shalt  }
0x7d: {  	_ =	shalt  }
0x7e: {  	_ =	shalt  }
0x7f: {  	_ =	shalt  }
0x80: {  	_ =	shalt  }
0x81: {  	_ =	shalt  }
0x82: {  	_ =	shalt  }
0x83: {  	_ =	shalt  }
0x84: {  	_ =	shalt  }
0x85: {  	_ =	shalt  }
0x86: {  	_ =	shalt  }
0x87: {  	_ =	shalt  }
.Lfunc_end0:
.L_simem_size_0:
called_computation.2_lowered:
.L_overlay_start_0:
0x88: {  	s2 =	sld [smem:$0x3FD9]  }
0x89: {  	s3 =	sld [smem:$0x3FFE];
	_ =	sdelay $0x1  }
0x8a: {  	s1 =	srdreg.scid  }
0x8b: {  	s0 =	sand.u32 $0x1, s1  }
0x8c: {  	s16 =	sshll.u32 s0, $0xA;
	s2 =	sadd.s32 s3, s2  }
0x8d: {  	s2 =	sadd.s32 s2, s16  }
0x8e: {  	[smem:$0x3FB8] =	sst s2  }
0x8f: {  	_ = 	snop  }
0x90: {  	(tm) =	ssettm $0x1  }
0x91: {  	s17 =	sld [smem:$0x3FFB];
	_ =	sdelay $0x3  }
0x92: {  	_ =	strace s17  }
0x93: {  	s2 =	sld [smem:$0x3FFC];
	_ =	sdelay $0x3  }
0x94: {  	_ =	strace s2  }
0x95: {  	s2 =	sld [smem:$0x3FFD];
	_ =	sdelay $0x3  }
0x96: {  	_ =	strace s2  }
0x97: {  	_ =	strace $0x8FFFFFFF  }
0x98: {  	s18 =	sld [smem:$0x3FDB];
	_ =	sdelay $0x1  }
0x99: {  	s19 =	simm.s32 $_scs_section_size  }
0x9a: {  	s4 =	simm.s32 $_size__tile_overlayer_lowered;
	s5 =	simm.s32 $_tile_overlayer_lowered  }
0x9b: {  	s22 =	simm.s32 $0x1BFF;
	s21 =	sshll.u32 s5, $0x1;
	s2 =	sadd.s32 s19, s18  }
0x9c: {  	s6 =	simm.s32 $0x0;
	s20 =	sshll.u32 s4, $0x1;
	s4 =	sadd.s32 s21, s2  }
0x9d: {  	[timem:s6], [sflag:s22] =	dma.local [hbm:s4], s20  }
0x9e: {  	_ =	swait.ge [sflag:s22], s20  }
0x9f: {  	s3 =	ssub.s32 $0x0, s20;
	[sflag:s22] =	ssyncset.done $0x0  }
0xa0: {  	[sflag:s22] =	ssyncadd.s32 s3;
	_ =	sdelay $0x1  }
0xa1: {  	s23 =	simm.s32 $0x1B8B  }
0xa2: {  	_ =	swait.ge [sflag:s23], $0x1  }
0xa3: {  	[sflag:s23] =	ssyncset.done $0x0  }
0xa4: {  	s25 =	simm.s32 $0x1B8E;
	s24 =	sld [smem:$0x3FFE];
	[sflag:s23] =	ssyncadd.s32 $0xFFFFFFFF  }
0xa5: {  	s26 =	simm.s32 $execute0_lowered;
	[smem:$0x3FD2] =	sst s25  }
0xa6: {  	s4 =	sshll.u32 s26, $0x1;
	_ =	strace $0x8000004C;
	[dreg:$0x1] =	wrdreg $0xFFFFFFFF  }
0xa7: {  	s28 =	simm.s32 $_size_execute0_lowered;
	s2 =	sadd.s32 s2, s4;
	[dreg:$0x0] =	wrdreg $0x0  }
0xa8: {  	s4 =	sshll.u32 s28, $0x1;
	[dreg:$0x2] =	wrdreg s2  }
0xa9: {  	[dreg:$0x3] =	wrdreg s4  }
0xaa: {  	[dreg:$0x4] =	wrdreg $0xC0  }
0xab: {  	_ =	task [dreg:s6], $0x5FFFF  }
0xac: {  	[dreg:$0x1] =	wrdreg $0xFFFFFFFF  }
0xad: {  	[dreg:$0x0] =	wrdreg $0x60  }
0xae: {  	[dreg:$0x2] =	wrdreg s24  }
0xaf: {  	[dreg:$0x3] =	wrdreg $0x9  }
0xb0: {  	_ =	task.clear_ibuf [dreg:s6], $0x4FFFF;
	_ =	strace $0x9000004C  }
0xb1: {  	s29 =	simm.s32 $0x9;
	_ =	strace $0x8000004E  }
0xb2: {  	_ =	swait.ge [sflag:s29], $0x1  }
0xb3: {  	[sflag:s29] =	ssyncadd.s32 $0xFFFFFFFF  }
0xb4: {  	_ =	strace $0x9000004E  }
0xb5: {  	_ =	sfence  }
0xb6: {  	s30 =	sld [smem:$0x0];
	_ =	sdelay $0x2  }
0xb7: {  	s31 =	sshll.u32 s1, $0xD;
	s1 =	sshrl.u32 s1, $0x2  }
0xb8: {  	s3 =	sand.u32 $0x4000, s31;
	s1 =	sadd.s32 s1, s30  }
0xb9: {  	s0 =	sor.u32 s3, s0;
	s1 =	sshll.u32 s1, $0x11  }
0xba: {  	s0 =	sor.u32 s1, s0  }
0xbb: {  	s0 =	sadd.s32 $0x8F2B, s0  }
0xbc: {  	[sflag:s0] =	ssyncadd.remote.s32 $0x1  }
0xbd: {  	_ =	sfence.sel $0xFFFF  }
0xbe: {  	[dreg:$0x0] =	wrdreg $0xFFFFFFFF;
	(pc) =	sbr.abs _section_cstart, $3  }
0xbf: {  	[dreg:$0x1] =	wrdreg $0xFFFFFFFF  }
0xc0: {  	_ =	task.clear_ibuf [dreg:s6], $0x2FFFF;
	_ =	strace $0x9FFFFFFF  }
0xc1: {  	(tm) =	ssettm $0x7FFFFFFF  }
tec
execute0_lowered:
.L_overlay_start_1:
0x0: {  	(tag) =	ssettag $0x1  }
0x1: {  	s0 =	srdreg.scid;
	s17 =	stileid.u32  }
0x2: {  	s1 =	sand.u32 $0x1, s0;
	s20 =	sshll.u32 s17, $0x1  }
0x3: {  	s0 =	sor.u32 s1, s20  }
0x4: {  	s3 =	rddreg [dreg:$0x0];
	s2 =	simm.s32 $0x0;
	s4 =	sshll.u32 s0, $0x8  }
0x5: {  	[smem:$0x7FF] =	sst s2;
	s5 =	sadd.s32 s4, s3  }
0x6: {  	_ =	strace $0x8000004D;
	s4 =	sadd.s32 $0xE0400, s3;
	s6 =	sadd.s32 $0xDC400, s5  }
0x7: {  	s7 =	sadd.s32 $0xDE400, s5;
	[dreg:$0x2] =	wrdreg s6;
	s6 =	sshll.u32 s0, $0xF  }
0x8: {  	s5 =	sadd.s32 $0x1E0400, s3;
	[dreg:$0x3] =	wrdreg s7;
	s0 =	sadd.s32 s4, s6  }
0x9: {  	s21 =	sadd.s32 s5, s6;
	[dreg:$0x4] =	wrdreg s0  }
0xa: {  	s22 =	sor.u32 $0x800, s6;
	[dreg:$0x5] =	wrdreg s21  }
0xb: {  	s23 =	sadd.s32 s4, s22;
	s0 =	rddreg [dreg:$0x2]  }
0xc: {  	s25 =	sor.u32 $0x1000, s6;
	s24 =	sadd.s32 s5, s22;
	[dreg:$0x6] =	wrdreg s23  }
0xd: {  	s26 =	sadd.s32 s4, s25;
	[dreg:$0x7] =	wrdreg s24  }
0xe: {  	s9 =	sor.u32 $0x1800, s6;
	s8 =	sadd.s32 s5, s25;
	[dreg:$0x8] =	wrdreg s26  }
0xf: {  	s10 =	sadd.s32 s4, s9;
	[dreg:$0x9] =	wrdreg s8  }
0x10: {  	s12 =	sor.u32 $0x2000, s6;
	s11 =	sadd.s32 s5, s9;
	[dreg:$0xa] =	wrdreg s10  }
0x11: {  	s13 =	sadd.s32 s4, s12;
	[dreg:$0xb] =	wrdreg s11  }
0x12: {  	s15 =	sor.u32 $0x2800, s6;
	s14 =	sadd.s32 s5, s12;
	[dreg:$0xc] =	wrdreg s13  }
0x13: {  	s16 =	sadd.s32 s4, s15;
	[dreg:$0xd] =	wrdreg s14  }
0x14: {  	s19 =	sor.u32 $0x3000, s6;
	s18 =	sadd.s32 s5, s15;
	[dreg:$0xe] =	wrdreg s16  }
0x15: {  	s20 =	sadd.s32 s4, s19;
	[dreg:$0xf] =	wrdreg s18  }
0x16: {  	s21 =	sadd.s32 s5, s19;
	s22 =	sor.u32 $0x3800, s6;
	[dreg:$0x10] =	wrdreg s20  }
0x17: {  	s30 =	simm.s32 $0x9;
	[dreg:$0x11] =	wrdreg s21;
	s23 =	sadd.s32 s4, s22  }
0x18: {  	s25 =	sor.u32 $0x4000, s6;
	s24 =	sadd.s32 s5, s22;
	[dreg:$0x12] =	wrdreg s23  }
0x19: {  	s31 =	simm.s32 $0x800;
	s26 =	sadd.s32 s4, s25;
	[dreg:$0x13] =	wrdreg s24  }
0x1a: {  	s7 =	sadd.s32 s5, s25;
	s8 =	sor.u32 $0x4800, s6;
	[dreg:$0x14] =	wrdreg s26  }
0x1b: {  	s29 =	simm.s32 $0x500;
	[dreg:$0x15] =	wrdreg s7;
	s9 =	sadd.s32 s4, s8  }
0x1c: {  	s11 =	sor.u32 $0x5000, s6;
	s10 =	sadd.s32 s5, s8;
	[dreg:$0x16] =	wrdreg s9  }
0x1d: {  	s28 =	simm.s32 $0xD80;
	s12 =	sadd.s32 s4, s11;
	[dreg:$0x17] =	wrdreg s10  }
0x1e: {  	s14 =	sor.u32 $0x5800, s6;
	s13 =	sadd.s32 s5, s11;
	[dreg:$0x18] =	wrdreg s12  }
0x1f: {  	p0 =	por $0x0, $0x0;
	s15 =	sadd.s32 s4, s14;
	[dreg:$0x19] =	wrdreg s13  }
0x20: {  	s18 =	sor.u32 $0x6000, s6;
	s16 =	sadd.s32 s5, s14;
	[dreg:$0x1a] =	wrdreg s15  }
0x21: {  	s1 =	ssub.s32 $0x2, s1;
	s19 =	sadd.s32 s4, s18;
	[dreg:$0x1b] =	wrdreg s16  }
0x22: {  	s21 =	sor.u32 $0x6800, s6;
	s20 =	sadd.s32 s5, s18;
	[dreg:$0x1c] =	wrdreg s19  }
0x23: {  	s3 =	sadd.s32 $0x3800, s3;
	s22 =	sadd.s32 s4, s21;
	[dreg:$0x1d] =	wrdreg s20  }
0x24: {  	s23 =	sadd.s32 s5, s21;
	s24 =	sor.u32 $0x7000, s6;
	[dreg:$0x1e] =	wrdreg s22  }
0x25: {  	s6 =	sor.u32 $0x7800, s6;
	s11 =	simm.s32 $0x900;
	[dreg:$0x1f] =	wrdreg s23  }
0x26: {  	s8 =	sshrl.u32 s1, $0x1;
	s14 =	simm.s32 $0x200;
	[smem:$0x7EF] =	sst s11  }
0x27: {  	s18 =	simm.s32 $0xA80;
	s21 =	simm.s32 $0x380;
	[smem:$0x7F2] =	sst s14  }
0x28: {  	s25 =	sadd.s32 s4, s24;
	s26 =	sadd.s32 s5, s24;
	[smem:$0x7F5] =	sst s18  }
0x29: {  	s4 =	sadd.s32 s4, s6;
	s7 =	sadd.s32 s5, s6;
	[smem:$0x7F8] =	sst s21  }
0x2a: {  	s9 =	simm.s32 $0x880;
	s1 =	ssub.s32 s1, s8;
	[smem:$0x7E9] =	sst s25  }
0x2b: {  	s10 =	simm.s32 $0x100;
	s12 =	simm.s32 $0x180;
	[smem:$0x7EA] =	sst s26  }
0x2c: {  	s13 =	simm.s32 $0x980;
	s6 =	simm.s32 $0x1000;
	[smem:$0x7EB] =	sst s4  }
0x2d: {  	s15 =	simm.s32 $0xA00;
	s16 =	simm.s32 $0x280;
	[smem:$0x7EC] =	sst s7  }
0x2e: {  	s5 =	simm.s32 $0xD000;
	s19 =	simm.s32 $0x300;
	[smem:$0x7ED] =	sst s9  }
0x2f: {  	s14 =	simm.s32 $0x1;
	s20 =	simm.s32 $0xB00;
	[smem:$0x7EE] =	sst s10  }
0x30: {  	s8 =	simm.s32 $0x5;
	s22 =	simm.s32 $0xB80;
	[smem:$0x7F0] =	sst s12  }
0x31: {  	s23 =	simm.s32 $0x400;
	s24 =	simm.s32 $0xC00;
	[smem:$0x7F1] =	sst s13  }
0x32: {  	s11 =	simm.s32 $0x6;
	s21 =	simm.s32 $0xF00;
	[smem:$0x7F3] =	sst s15  }
0x33: {  	s18 =	simm.s32 $0x780;
	s1 =	smax.u32 s1, $0x1;
	[smem:$0x7F4] =	sst s16  }
0x34: {  	s10 =	simm.s32 $0x80;
	s7 =	simm.s32 $0x9000;
	[smem:$0x7F6] =	sst s19  }
0x35: {  	s4 =	simm.s32 $0x5000;
	s13 =	simm.s32 $0x3;
	[smem:$0x7F7] =	sst s20  }
0x36: {  	s9 =	simm.s32 $0x7;
	[smem:$0x7F9] =	sst s22;
	s16 =	simm.s32 $0x2  }
0x37: {  	[smem:$0x7FA] =	sst s23;
	s15 =	simm.s32 $0x4;
	p1 =	sne.s32 s1, $0x1  }
.Ltmp0:
0x38: {  	[smem:$0x7FB] =	sst s24;
	s25 =	simm.s32 $0x480;
	(pc) =	sbr.rel @!p1 .LBB2_1-.Ltmp0, $4  }
0x39: {  	s26 =	simm.s32 $0xC80;
	s12 =	simm.s32 $0x8;
	s24 =	simm.s32 $0xD00  }
0x3a: {  	s22 =	simm.s32 $0x680;
	s23 =	simm.s32 $0xE80;
	[smem:$0x7FC] =	sst s25  }
0x3b: {  	s20 =	simm.s32 $0x700;
	s19 =	simm.s32 $0xF80;
	[smem:$0x7FD] =	sst s26  }
0x3c: {  	s26 =	simm.s32 $0x580;
	s25 =	simm.s32 $0xE00;
	s1 =	sadd.s32 $0xFFFFFFFF, s1  }
0x3d: {  	[tilespmem:s2], [sflag:$0x9] =	stream.linear.gather [hbm4b:s0+s2], $0x800, $0x38;
	[tilespmem:$0x11000] =	vst v63  }
0x3e: {  	_ =	swait.ge [sflag:s30], $0x800  }
0x3f: {  	[sflag:s30] =	ssyncset.done $0x0  }
0x40: {  	s17 =	rddreg [dreg:$0x3];
	[sflag:s30] =	ssyncadd.s32 $0xFFFFF800  }
0x41: {  	[tilespmem:s31], [sflag:$0x9] =	stream.linear.gather [hbm4b:s17+s2], $0x800, $0x38;
	[tilespmem:$0x11000] =	vst v63  }
0x42: {  	_ =	swait.ge [sflag:s30], $0x800  }
0x43: {  	[sflag:s30] =	ssyncset.done $0x0  }
0x44: {  	[sflag:s30] =	ssyncadd.s32 $0xFFFFF800  }
0x45: {  	[tilespmem:s6], [sflag:$0x1] =	stream.indirect.gather [hbm4b:s3+s10], $0x80, s2, s10, $0xb8;
	[tilespmem:$0x11000] =	vst v63  }
0x46: {  	_ = 	snop  }
0x47: {  	[tilespmem:s7], [sflag:$0x3] =	stream.indirect.gather [hbm4b:s3+s10], $0x80, s31, s10, $0xb8;
	[tilespmem:$0x11000] =	vst v63  }
0x48: {  	s17 =	sld [smem:$0x7ED]  }
0x49: {  	[tilespmem:s4], [sflag:$0x2] =	stream.indirect.gather [hbm4b:s3+s10], $0x80, s10, s10, $0xb8;
	[tilespmem:$0x11000] =	vst v63  }
0x4a: {  	_ = 	snop  }
0x4b: {  	[tilespmem:s5], [sflag:$0x4] =	stream.indirect.gather [hbm4b:s3+s10], $0x80, s17, s10, $0xb8;
	[tilespmem:$0x11000] =	vst v63  }
0x4c: {  	_ =	swait.ge [sflag:s14], $0x4000  }
0x4d: {  	[sflag:s14] =	ssyncset.done $0x0  }
0x4e: {  	[sflag:s14] =	ssyncadd.s32 $0xFFFFC000  }
0x4f: {  	_ =	swait.ge [sflag:s13], $0x4000  }
0x50: {  	[sflag:s13] =	ssyncset.done $0x0  }
0x51: {  	s0 =	rddreg [dreg:$0x4];
	[sflag:s13] =	ssyncadd.s32 $0xFFFFC000  }
0x52: {  	[hbm4b:s0+s2] =	stream.linear.scatter [tilespmem:s6], [sflag:$0x5], $0x4000, $0x38;
	[tilespmem:$0x11000] =	vst v63  }
0x53: {  	s17 =	smov.u32 s1;
	s1 =	rddreg [dreg:$0x5]  }
0x54: {  	[hbm4b:s1+s2] =	stream.linear.scatter [tilespmem:s7], [sflag:$0x7], $0x4000, $0x38;
	[tilespmem:$0x11000] =	vst v63  }
0x55: {  	_ =	swait.ge [sflag:s8], $0x4000  }
0x56: {  	[sflag:s8] =	ssyncset.done $0x0  }
0x57: {  	[sflag:s8] =	ssyncadd.s32 $0xFFFFC000  }
0x58: {  	_ =	swait.ge [sflag:s9], $0x4000  }
0x59: {  	s0 =	sld [smem:$0x7EE]  }
0x5a: {  	[sflag:s9] =	ssyncset.done $0x0  }
0x5b: {  	s1 =	sld [smem:$0x7EF];
	[sflag:s9] =	ssyncadd.s32 $0xFFFFC000  }
0x5c: {  	[tilespmem:s6], [sflag:$0x1] =	stream.indirect.gather [hbm4b:s3+s10], $0x80, s0, s10, $0xb8;
	[tilespmem:$0x11000] =	vst v63  }
0x5d: {  	_ = 	snop  }
0x5e: {  	[tilespmem:s7], [sflag:$0x3] =	stream.indirect.gather [hbm4b:s3+s10], $0x80, s1, s10, $0xb8;
	[tilespmem:$0x11000] =	vst v63  }
0x5f: {  	_ =	swait.ge [sflag:s16], $0x4000  }
0x60: {  	[sflag:s16] =	ssyncset.done $0x0  }
0x61: {  	[sflag:s16] =	ssyncadd.s32 $0xFFFFC000  }
0x62: {  	_ =	swait.ge [sflag:s15], $0x4000  }
0x63: {  	[sflag:s15] =	ssyncset.done $0x0  }
0x64: {  	s0 =	rddreg [dreg:$0x6];
	[sflag:s15] =	ssyncadd.s32 $0xFFFFC000  }
0x65: {  	[hbm4b:s0+s2] =	stream.linear.scatter [tilespmem:s4], [sflag:$0x6], $0x4000, $0x38;
	[tilespmem:$0x11000] =	vst v63  }
0x66: {  	s1 =	rddreg [dreg:$0x7]  }
0x67: {  	[hbm4b:s1+s2] =	stream.linear.scatter [tilespmem:s5], [sflag:$0x8], $0x4000, $0x38;
	[tilespmem:$0x11000] =	vst v63  }
0x68: {  	_ =	swait.ge [sflag:s11], $0x4000  }
0x69: {  	[sflag:s11] =	ssyncset.done $0x0  }
0x6a: {  	[sflag:s11] =	ssyncadd.s32 $0xFFFFC000  }
0x6b: {  	_ =	swait.ge [sflag:s12], $0x4000  }
0x6c: {  	s0 =	sld [smem:$0x7F0]  }
0x6d: {  	[sflag:s12] =	ssyncset.done $0x0  }
0x6e: {  	s1 =	sld [smem:$0x7F1];
	[sflag:s12] =	ssyncadd.s32 $0xFFFFC000  }
0x6f: {  	[tilespmem:s4], [sflag:$0x2] =	stream.indirect.gather [hbm4b:s3+s10], $0x80, s0, s10, $0xb8;
	[tilespmem:$0x11000] =	vst v63  }
0x70: {  	_ = 	snop  }
0x71: {  	[tilespmem:s5], [sflag:$0x4] =	stream.indirect.gather [hbm4b:s3+s10], $0x80, s1, s10, $0xb8;
	[tilespmem:$0x11000] =	vst v63  }
0x72: {  	_ =	swait.ge [sflag:s14], $0x4000  }
0x73: {  	[sflag:s14] =	ssyncset.done $0x0  }
0x74: {  	[sflag:s14] =	ssyncadd.s32 $0xFFFFC000  }
0x75: {  	_ =	swait.ge [sflag:s13], $0x4000  }
0x76: {  	[sflag:s13] =	ssyncset.done $0x0  }
0x77: {  	s0 =	rddreg [dreg:$0x8];
	[sflag:s13] =	ssyncadd.s32 $0xFFFFC000  }
0x78: {  	[hbm4b:s0+s2] =	stream.linear.scatter [tilespmem:s6], [sflag:$0x5], $0x4000, $0x38;
	[tilespmem:$0x11000] =	vst v63  }
0x79: {  	s1 =	rddreg [dreg:$0x9]  }
0x7a: {  	[hbm4b:s1+s2] =	stream.linear.scatter [tilespmem:s7], [sflag:$0x7], $0x4000, $0x38;
	[tilespmem:$0x11000] =	vst v63  }
0x7b: {  	_ =	swait.ge [sflag:s8], $0x4000  }
0x7c: {  	[sflag:s8] =	ssyncset.done $0x0  }
0x7d: {  	[sflag:s8] =	ssyncadd.s32 $0xFFFFC000  }
0x7e: {  	_ =	swait.ge [sflag:s9], $0x4000  }
0x7f: {  	s0 =	sld [smem:$0x7F2]  }
0x80: {  	[sflag:s9] =	ssyncset.done $0x0  }
0x81: {  	s1 =	sld [smem:$0x7F3];
	[sflag:s9] =	ssyncadd.s32 $0xFFFFC000  }
0x82: {  	[tilespmem:s6], [sflag:$0x1] =	stream.indirect.gather [hbm4b:s3+s10], $0x80, s0, s10, $0xb8;
	[tilespmem:$0x11000] =	vst v63  }
0x83: {  	_ = 	snop  }
0x84: {  	[tilespmem:s7], [sflag:$0x3] =	stream.indirect.gather [hbm4b:s3+s10], $0x80, s1, s10, $0xb8;
	[tilespmem:$0x11000] =	vst v63  }
0x85: {  	_ =	swait.ge [sflag:s16], $0x4000  }
0x86: {  	[sflag:s16] =	ssyncset.done $0x0  }
0x87: {  	[sflag:s16] =	ssyncadd.s32 $0xFFFFC000  }
0x88: {  	_ =	swait.ge [sflag:s15], $0x4000  }
0x89: {  	[sflag:s15] =	ssyncset.done $0x0  }
0x8a: {  	s0 =	rddreg [dreg:$0xa];
	[sflag:s15] =	ssyncadd.s32 $0xFFFFC000  }
0x8b: {  	[hbm4b:s0+s2] =	stream.linear.scatter [tilespmem:s4], [sflag:$0x6], $0x4000, $0x38;
	[tilespmem:$0x11000] =	vst v63  }
0x8c: {  	s1 =	rddreg [dreg:$0xb]  }
0x8d: {  	[hbm4b:s1+s2] =	stream.linear.scatter [tilespmem:s5], [sflag:$0x8], $0x4000, $0x38;
	[tilespmem:$0x11000] =	vst v63  }
0x8e: {  	_ =	swait.ge [sflag:s11], $0x4000  }
0x8f: {  	[sflag:s11] =	ssyncset.done $0x0  }
0x90: {  	[sflag:s11] =	ssyncadd.s32 $0xFFFFC000  }
0x91: {  	_ =	swait.ge [sflag:s12], $0x4000  }
0x92: {  	s0 =	sld [smem:$0x7F4]  }
0x93: {  	[sflag:s12] =	ssyncset.done $0x0  }
0x94: {  	s1 =	sld [smem:$0x7F5];
	[sflag:s12] =	ssyncadd.s32 $0xFFFFC000  }
0x95: {  	[tilespmem:s4], [sflag:$0x2] =	stream.indirect.gather [hbm4b:s3+s10], $0x80, s0, s10, $0xb8;
	[tilespmem:$0x11000] =	vst v63  }
0x96: {  	_ = 	snop  }
0x97: {  	[tilespmem:s5], [sflag:$0x4] =	stream.indirect.gather [hbm4b:s3+s10], $0x80, s1, s10, $0xb8;
	[tilespmem:$0x11000] =	vst v63  }
0x98: {  	_ =	swait.ge [sflag:s14], $0x4000  }
0x99: {  	[sflag:s14] =	ssyncset.done $0x0  }
0x9a: {  	[sflag:s14] =	ssyncadd.s32 $0xFFFFC000  }
0x9b: {  	_ =	swait.ge [sflag:s13], $0x4000  }
0x9c: {  	[sflag:s13] =	ssyncset.done $0x0  }
0x9d: {  	s0 =	rddreg [dreg:$0xc];
	[sflag:s13] =	ssyncadd.s32 $0xFFFFC000  }
0x9e: {  	[hbm4b:s0+s2] =	stream.linear.scatter [tilespmem:s6], [sflag:$0x5], $0x4000, $0x38;
	[tilespmem:$0x11000] =	vst v63  }
0x9f: {  	s1 =	rddreg [dreg:$0xd]  }
0xa0: {  	[hbm4b:s1+s2] =	stream.linear.scatter [tilespmem:s7], [sflag:$0x7], $0x4000, $0x38;
	[tilespmem:$0x11000] =	vst v63  }
0xa1: {  	_ =	swait.ge [sflag:s8], $0x4000  }
0xa2: {  	[sflag:s8] =	ssyncset.done $0x0  }
0xa3: {  	[sflag:s8] =	ssyncadd.s32 $0xFFFFC000  }
0xa4: {  	_ =	swait.ge [sflag:s9], $0x4000  }
0xa5: {  	s0 =	sld [smem:$0x7F6]  }
0xa6: {  	[sflag:s9] =	ssyncset.done $0x0  }
0xa7: {  	s1 =	sld [smem:$0x7F7];
	[sflag:s9] =	ssyncadd.s32 $0xFFFFC000  }
0xa8: {  	[tilespmem:s6], [sflag:$0x1] =	stream.indirect.gather [hbm4b:s3+s10], $0x80, s0, s10, $0xb8;
	[tilespmem:$0x11000] =	vst v63  }
0xa9: {  	_ = 	snop  }
0xaa: {  	[tilespmem:s7], [sflag:$0x3] =	stream.indirect.gather [hbm4b:s3+s10], $0x80, s1, s10, $0xb8;
	[tilespmem:$0x11000] =	vst v63  }
0xab: {  	_ =	swait.ge [sflag:s16], $0x4000  }
0xac: {  	[sflag:s16] =	ssyncset.done $0x0  }
0xad: {  	[sflag:s16] =	ssyncadd.s32 $0xFFFFC000  }
0xae: {  	_ =	swait.ge [sflag:s15], $0x4000  }
0xaf: {  	[sflag:s15] =	ssyncset.done $0x0  }
0xb0: {  	s0 =	rddreg [dreg:$0xe];
	[sflag:s15] =	ssyncadd.s32 $0xFFFFC000  }
0xb1: {  	[hbm4b:s0+s2] =	stream.linear.scatter [tilespmem:s4], [sflag:$0x6], $0x4000, $0x38;
	[tilespmem:$0x11000] =	vst v63  }
0xb2: {  	s1 =	rddreg [dreg:$0xf]  }
0xb3: {  	[hbm4b:s1+s2] =	stream.linear.scatter [tilespmem:s5], [sflag:$0x8], $0x4000, $0x38;
	[tilespmem:$0x11000] =	vst v63  }
0xb4: {  	_ =	swait.ge [sflag:s11], $0x4000  }
0xb5: {  	[sflag:s11] =	ssyncset.done $0x0  }
0xb6: {  	[sflag:s11] =	ssyncadd.s32 $0xFFFFC000  }
0xb7: {  	_ =	swait.ge [sflag:s12], $0x4000  }
0xb8: {  	s0 =	sld [smem:$0x7F8]  }
0xb9: {  	[sflag:s12] =	ssyncset.done $0x0  }
0xba: {  	s1 =	sld [smem:$0x7F9];
	[sflag:s12] =	ssyncadd.s32 $0xFFFFC000  }
0xbb: {  	[tilespmem:s4], [sflag:$0x2] =	stream.indirect.gather [hbm4b:s3+s10], $0x80, s0, s10, $0xb8;
	[tilespmem:$0x11000] =	vst v63  }
0xbc: {  	_ = 	snop  }
0xbd: {  	[tilespmem:s5], [sflag:$0x4] =	stream.indirect.gather [hbm4b:s3+s10], $0x80, s1, s10, $0xb8;
	[tilespmem:$0x11000] =	vst v63  }
0xbe: {  	_ =	swait.ge [sflag:s14], $0x4000  }
0xbf: {  	[sflag:s14] =	ssyncset.done $0x0  }
0xc0: {  	[sflag:s14] =	ssyncadd.s32 $0xFFFFC000  }
0xc1: {  	_ =	swait.ge [sflag:s13], $0x4000  }
0xc2: {  	[sflag:s13] =	ssyncset.done $0x0  }
0xc3: {  	s0 =	rddreg [dreg:$0x10];
	[sflag:s13] =	ssyncadd.s32 $0xFFFFC000  }
0xc4: {  	[hbm4b:s0+s2] =	stream.linear.scatter [tilespmem:s6], [sflag:$0x5], $0x4000, $0x38;
	[tilespmem:$0x11000] =	vst v63  }
0xc5: {  	s1 =	rddreg [dreg:$0x11]  }
0xc6: {  	[hbm4b:s1+s2] =	stream.linear.scatter [tilespmem:s7], [sflag:$0x7], $0x4000, $0x38;
	[tilespmem:$0x11000] =	vst v63  }
0xc7: {  	_ =	swait.ge [sflag:s8], $0x4000  }
0xc8: {  	[sflag:s8] =	ssyncset.done $0x0  }
0xc9: {  	[sflag:s8] =	ssyncadd.s32 $0xFFFFC000  }
0xca: {  	_ =	swait.ge [sflag:s9], $0x4000  }
0xcb: {  	s0 =	sld [smem:$0x7FA]  }
0xcc: {  	[sflag:s9] =	ssyncset.done $0x0  }
0xcd: {  	s1 =	sld [smem:$0x7FB];
	[sflag:s9] =	ssyncadd.s32 $0xFFFFC000  }
0xce: {  	[tilespmem:s6], [sflag:$0x1] =	stream.indirect.gather [hbm4b:s3+s10], $0x80, s0, s10, $0xb8;
	[tilespmem:$0x11000] =	vst v63  }
0xcf: {  	_ = 	snop  }
0xd0: {  	[tilespmem:s7], [sflag:$0x3] =	stream.indirect.gather [hbm4b:s3+s10], $0x80, s1, s10, $0xb8;
	[tilespmem:$0x11000] =	vst v63  }
0xd1: {  	_ =	swait.ge [sflag:s16], $0x4000  }
0xd2: {  	[sflag:s16] =	ssyncset.done $0x0  }
0xd3: {  	[sflag:s16] =	ssyncadd.s32 $0xFFFFC000  }
0xd4: {  	_ =	swait.ge [sflag:s15], $0x4000  }
0xd5: {  	[sflag:s15] =	ssyncset.done $0x0  }
0xd6: {  	s0 =	rddreg [dreg:$0x12];
	[sflag:s15] =	ssyncadd.s32 $0xFFFFC000  }
0xd7: {  	[hbm4b:s0+s2] =	stream.linear.scatter [tilespmem:s4], [sflag:$0x6], $0x4000, $0x38;
	[tilespmem:$0x11000] =	vst v63  }
0xd8: {  	s1 =	rddreg [dreg:$0x13]  }
0xd9: {  	[hbm4b:s1+s2] =	stream.linear.scatter [tilespmem:s5], [sflag:$0x8], $0x4000, $0x38;
	[tilespmem:$0x11000] =	vst v63  }
0xda: {  	_ =	swait.ge [sflag:s11], $0x4000  }
0xdb: {  	[sflag:s11] =	ssyncset.done $0x0  }
0xdc: {  	[sflag:s11] =	ssyncadd.s32 $0xFFFFC000  }
0xdd: {  	_ =	swait.ge [sflag:s12], $0x4000  }
0xde: {  	s0 =	sld [smem:$0x7FC]  }
0xdf: {  	[sflag:s12] =	ssyncset.done $0x0  }
0xe0: {  	s1 =	sld [smem:$0x7FD];
	[sflag:s12] =	ssyncadd.s32 $0xFFFFC000  }
0xe1: {  	[tilespmem:s4], [sflag:$0x2] =	stream.indirect.gather [hbm4b:s3+s10], $0x80, s0, s10, $0xb8;
	[tilespmem:$0x11000] =	vst v63  }
0xe2: {  	_ = 	snop  }
0xe3: {  	[tilespmem:s5], [sflag:$0x4] =	stream.indirect.gather [hbm4b:s3+s10], $0x80, s1, s10, $0xb8;
	[tilespmem:$0x11000] =	vst v63  }
0xe4: {  	_ =	swait.ge [sflag:s14], $0x4000  }
0xe5: {  	[sflag:s14] =	ssyncset.done $0x0  }
0xe6: {  	[sflag:s14] =	ssyncadd.s32 $0xFFFFC000  }
0xe7: {  	_ =	swait.ge [sflag:s13], $0x4000  }
0xe8: {  	[sflag:s13] =	ssyncset.done $0x0  }
0xe9: {  	s0 =	rddreg [dreg:$0x14];
	[sflag:s13] =	ssyncadd.s32 $0xFFFFC000  }
0xea: {  	[hbm4b:s0+s2] =	stream.linear.scatter [tilespmem:s6], [sflag:$0x5], $0x4000, $0x38;
	[tilespmem:$0x11000] =	vst v63  }
0xeb: {  	s1 =	rddreg [dreg:$0x15]  }
0xec: {  	[hbm4b:s1+s2] =	stream.linear.scatter [tilespmem:s7], [sflag:$0x7], $0x4000, $0x38;
	[tilespmem:$0x11000] =	vst v63  }
0xed: {  	_ =	swait.ge [sflag:s8], $0x4000  }
0xee: {  	[sflag:s8] =	ssyncset.done $0x0  }
0xef: {  	[sflag:s8] =	ssyncadd.s32 $0xFFFFC000  }
0xf0: {  	_ =	swait.ge [sflag:s9], $0x4000  }
0xf1: {  	[sflag:s9] =	ssyncset.done $0x0  }
0xf2: {  	[sflag:s9] =	ssyncadd.s32 $0xFFFFC000  }
0xf3: {  	[tilespmem:s6], [sflag:$0x1] =	stream.indirect.gather [hbm4b:s3+s10], $0x80, s29, s10, $0xb8;
	[tilespmem:$0x11000] =	vst v63  }
0xf4: {  	_ = 	snop  }
0xf5: {  	[tilespmem:s7], [sflag:$0x3] =	stream.indirect.gather [hbm4b:s3+s10], $0x80, s24, s10, $0xb8;
	[tilespmem:$0x11000] =	vst v63  }
0xf6: {  	_ =	swait.ge [sflag:s16], $0x4000  }
0xf7: {  	[sflag:s16] =	ssyncset.done $0x0  }
0xf8: {  	[sflag:s16] =	ssyncadd.s32 $0xFFFFC000  }
0xf9: {  	_ =	swait.ge [sflag:s15], $0x4000  }
0xfa: {  	[sflag:s15] =	ssyncset.done $0x0  }
0xfb: {  	s0 =	rddreg [dreg:$0x16];
	[sflag:s15] =	ssyncadd.s32 $0xFFFFC000  }
0xfc: {  	[hbm4b:s0+s2] =	stream.linear.scatter [tilespmem:s4], [sflag:$0x6], $0x4000, $0x38;
	[tilespmem:$0x11000] =	vst v63  }
0xfd: {  	s1 =	rddreg [dreg:$0x17]  }
0xfe: {  	[hbm4b:s1+s2] =	stream.linear.scatter [tilespmem:s5], [sflag:$0x8], $0x4000, $0x38;
	[tilespmem:$0x11000] =	vst v63  }
0xff: {  	_ =	swait.ge [sflag:s11], $0x4000  }
0x100: {  	[sflag:s11] =	ssyncset.done $0x0  }
0x101: {  	[sflag:s11] =	ssyncadd.s32 $0xFFFFC000  }
0x102: {  	_ =	swait.ge [sflag:s12], $0x4000  }
0x103: {  	[sflag:s12] =	ssyncset.done $0x0  }
0x104: {  	[sflag:s12] =	ssyncadd.s32 $0xFFFFC000  }
0x105: {  	[tilespmem:s4], [sflag:$0x2] =	stream.indirect.gather [hbm4b:s3+s10], $0x80, s26, s10, $0xb8;
	[tilespmem:$0x11000] =	vst v63  }
0x106: {  	_ = 	snop  }
0x107: {  	[tilespmem:s5], [sflag:$0x4] =	stream.indirect.gather [hbm4b:s3+s10], $0x80, s28, s10, $0xb8;
	[tilespmem:$0x11000] =	vst v63  }
0x108: {  	_ =	swait.ge [sflag:s14], $0x4000  }
0x109: {  	[sflag:s14] =	ssyncset.done $0x0  }
0x10a: {  	[sflag:s14] =	ssyncadd.s32 $0xFFFFC000  }
0x10b: {  	_ =	swait.ge [sflag:s13], $0x4000  }
0x10c: {  	[sflag:s13] =	ssyncset.done $0x0  }
0x10d: {  	s0 =	rddreg [dreg:$0x18];
	[sflag:s13] =	ssyncadd.s32 $0xFFFFC000  }
0x10e: {  	[hbm4b:s0+s2] =	stream.linear.scatter [tilespmem:s6], [sflag:$0x5], $0x4000, $0x38;
	[tilespmem:$0x11000] =	vst v63  }
0x10f: {  	s1 =	rddreg [dreg:$0x19]  }
0x110: {  	[hbm4b:s1+s2] =	stream.linear.scatter [tilespmem:s7], [sflag:$0x7], $0x4000, $0x38;
	[tilespmem:$0x11000] =	vst v63  }
0x111: {  	_ =	swait.ge [sflag:s8], $0x4000  }
0x112: {  	[sflag:s8] =	ssyncset.done $0x0  }
0x113: {  	[sflag:s8] =	ssyncadd.s32 $0xFFFFC000  }
0x114: {  	_ =	swait.ge [sflag:s9], $0x4000  }
0x115: {  	[sflag:s9] =	ssyncset.done $0x0  }
0x116: {  	s1 =	simm.s32 $0x600;
	[sflag:s9] =	ssyncadd.s32 $0xFFFFC000  }
0x117: {  	[tilespmem:s6], [sflag:$0x1] =	stream.indirect.gather [hbm4b:s3+s10], $0x80, s1, s10, $0xb8;
	[tilespmem:$0x11000] =	vst v63  }
0x118: {  	_ = 	snop  }
0x119: {  	[tilespmem:s7], [sflag:$0x3] =	stream.indirect.gather [hbm4b:s3+s10], $0x80, s25, s10, $0xb8;
	[tilespmem:$0x11000] =	vst v63  }
0x11a: {  	_ =	swait.ge [sflag:s16], $0x4000  }
0x11b: {  	[sflag:s16] =	ssyncset.done $0x0  }
0x11c: {  	[sflag:s16] =	ssyncadd.s32 $0xFFFFC000  }
0x11d: {  	_ =	swait.ge [sflag:s15], $0x4000  }
0x11e: {  	[sflag:s15] =	ssyncset.done $0x0  }
0x11f: {  	s0 =	rddreg [dreg:$0x1a];
	[sflag:s15] =	ssyncadd.s32 $0xFFFFC000  }
0x120: {  	[hbm4b:s0+s2] =	stream.linear.scatter [tilespmem:s4], [sflag:$0x6], $0x4000, $0x38;
	[tilespmem:$0x11000] =	vst v63  }
0x121: {  	s1 =	rddreg [dreg:$0x1b]  }
0x122: {  	[hbm4b:s1+s2] =	stream.linear.scatter [tilespmem:s5], [sflag:$0x8], $0x4000, $0x38;
	[tilespmem:$0x11000] =	vst v63  }
0x123: {  	_ =	swait.ge [sflag:s11], $0x4000  }
0x124: {  	[sflag:s11] =	ssyncset.done $0x0  }
0x125: {  	[sflag:s11] =	ssyncadd.s32 $0xFFFFC000  }
0x126: {  	_ =	swait.ge [sflag:s12], $0x4000  }
0x127: {  	[sflag:s12] =	ssyncset.done $0x0  }
0x128: {  	[sflag:s12] =	ssyncadd.s32 $0xFFFFC000  }
0x129: {  	[tilespmem:s4], [sflag:$0x2] =	stream.indirect.gather [hbm4b:s3+s10], $0x80, s22, s10, $0xb8;
	[tilespmem:$0x11000] =	vst v63  }
0x12a: {  	_ = 	snop  }
0x12b: {  	[tilespmem:s5], [sflag:$0x4] =	stream.indirect.gather [hbm4b:s3+s10], $0x80, s23, s10, $0xb8;
	[tilespmem:$0x11000] =	vst v63  }
0x12c: {  	_ =	swait.ge [sflag:s14], $0x4000  }
0x12d: {  	[sflag:s14] =	ssyncset.done $0x0  }
0x12e: {  	[sflag:s14] =	ssyncadd.s32 $0xFFFFC000  }
0x12f: {  	_ =	swait.ge [sflag:s13], $0x4000  }
0x130: {  	[sflag:s13] =	ssyncset.done $0x0  }
0x131: {  	s0 =	rddreg [dreg:$0x1c];
	[sflag:s13] =	ssyncadd.s32 $0xFFFFC000  }
0x132: {  	[hbm4b:s0+s2] =	stream.linear.scatter [tilespmem:s6], [sflag:$0x5], $0x4000, $0x38;
	[tilespmem:$0x11000] =	vst v63  }
0x133: {  	s1 =	rddreg [dreg:$0x1d]  }
0x134: {  	[hbm4b:s1+s2] =	stream.linear.scatter [tilespmem:s7], [sflag:$0x7], $0x4000, $0x38;
	[tilespmem:$0x11000] =	vst v63  }
0x135: {  	_ =	swait.ge [sflag:s8], $0x4000  }
0x136: {  	[sflag:s8] =	ssyncset.done $0x0  }
0x137: {  	[sflag:s8] =	ssyncadd.s32 $0xFFFFC000  }
0x138: {  	_ =	swait.ge [sflag:s9], $0x4000  }
0x139: {  	[sflag:s9] =	ssyncset.done $0x0  }
0x13a: {  	[sflag:s9] =	ssyncadd.s32 $0xFFFFC000  }
0x13b: {  	[tilespmem:s6], [sflag:$0x1] =	stream.indirect.gather [hbm4b:s3+s10], $0x80, s20, s10, $0xb8;
	[tilespmem:$0x11000] =	vst v63  }
0x13c: {  	_ = 	snop  }
0x13d: {  	[tilespmem:s7], [sflag:$0x3] =	stream.indirect.gather [hbm4b:s3+s10], $0x80, s21, s10, $0xb8;
	[tilespmem:$0x11000] =	vst v63  }
0x13e: {  	_ =	swait.ge [sflag:s16], $0x4000  }
0x13f: {  	[sflag:s16] =	ssyncset.done $0x0  }
0x140: {  	[sflag:s16] =	ssyncadd.s32 $0xFFFFC000  }
0x141: {  	_ =	swait.ge [sflag:s15], $0x4000  }
0x142: {  	[sflag:s15] =	ssyncset.done $0x0  }
0x143: {  	s0 =	rddreg [dreg:$0x1e];
	[sflag:s15] =	ssyncadd.s32 $0xFFFFC000  }
0x144: {  	[hbm4b:s0+s2] =	stream.linear.scatter [tilespmem:s4], [sflag:$0x6], $0x4000, $0x38;
	[tilespmem:$0x11000] =	vst v63  }
0x145: {  	s1 =	rddreg [dreg:$0x1f]  }
0x146: {  	[hbm4b:s1+s2] =	stream.linear.scatter [tilespmem:s5], [sflag:$0x8], $0x4000, $0x38;
	[tilespmem:$0x11000] =	vst v63  }
0x147: {  	_ =	swait.ge [sflag:s11], $0x4000  }
0x148: {  	[sflag:s11] =	ssyncset.done $0x0  }
0x149: {  	[sflag:s11] =	ssyncadd.s32 $0xFFFFC000  }
0x14a: {  	_ =	swait.ge [sflag:s12], $0x4000  }
0x14b: {  	[sflag:s12] =	ssyncset.done $0x0  }
0x14c: {  	[sflag:s12] =	ssyncadd.s32 $0xFFFFC000  }
0x14d: {  	[tilespmem:s4], [sflag:$0x2] =	stream.indirect.gather [hbm4b:s3+s10], $0x80, s18, s10, $0xb8;
	[tilespmem:$0x11000] =	vst v63  }
0x14e: {  	_ = 	snop  }
0x14f: {  	[tilespmem:s5], [sflag:$0x4] =	stream.indirect.gather [hbm4b:s3+s10], $0x80, s19, s10, $0xb8;
	[tilespmem:$0x11000] =	vst v63  }
0x150: {  	_ =	swait.ge [sflag:s14], $0x4000  }
0x151: {  	[sflag:s14] =	ssyncset.done $0x0  }
0x152: {  	[sflag:s14] =	ssyncadd.s32 $0xFFFFC000  }
0x153: {  	_ =	swait.ge [sflag:s13], $0x4000  }
0x154: {  	s0 =	sld [smem:$0x7E9]  }
0x155: {  	[sflag:s13] =	ssyncset.done $0x0  }
0x156: {  	s1 =	sld [smem:$0x7EA];
	[sflag:s13] =	ssyncadd.s32 $0xFFFFC000  }
0x157: {  	[hbm4b:s0+s2] =	stream.linear.scatter [tilespmem:s6], [sflag:$0x5], $0x4000, $0x38;
	[tilespmem:$0x11000] =	vst v63  }
0x158: {  	_ = 	snop  }
0x159: {  	[hbm4b:s1+s2] =	stream.linear.scatter [tilespmem:s7], [sflag:$0x7], $0x4000, $0x38;
	[tilespmem:$0x11000] =	vst v63  }
0x15a: {  	_ =	swait.ge [sflag:s16], $0x4000  }
0x15b: {  	[sflag:s16] =	ssyncset.done $0x0  }
0x15c: {  	[sflag:s16] =	ssyncadd.s32 $0xFFFFC000  }
0x15d: {  	_ =	swait.ge [sflag:s15], $0x4000  }
0x15e: {  	s0 =	sld [smem:$0x7EB]  }
0x15f: {  	[sflag:s15] =	ssyncset.done $0x0  }
0x160: {  	s1 =	sld [smem:$0x7EC];
	[sflag:s15] =	ssyncadd.s32 $0xFFFFC000  }
0x161: {  	[hbm4b:s0+s2] =	stream.linear.scatter [tilespmem:s4], [sflag:$0x6], $0x4000, $0x38;
	[tilespmem:$0x11000] =	vst v63  }
0x162: {  	_ = 	snop  }
0x163: {  	[hbm4b:s1+s2] =	stream.linear.scatter [tilespmem:s5], [sflag:$0x8], $0x4000, $0x38;
	[tilespmem:$0x11000] =	vst v63  }
0x164: {  	_ =	swait.ge [sflag:s8], $0x4000  }
0x165: {  	[sflag:s8] =	ssyncset.done $0x0  }
0x166: {  	[sflag:s8] =	ssyncadd.s32 $0xFFFFC000  }
0x167: {  	_ =	swait.ge [sflag:s9], $0x4000  }
0x168: {  	[sflag:s9] =	ssyncset.done $0x0  }
0x169: {  	p1 =	sne.s32 s17, $0x1;
	[sflag:s9] =	ssyncadd.s32 $0xFFFFC000  }
.Ltmp1:
0x16a: {  	_ =	swait.ge [sflag:s11], $0x4000;
	(pc) =	sbr.rel @!p1 .LBB2_3-.Ltmp1, $4  }
0x16b: {  	[sflag:s11] =	ssyncset.done $0x0  }
0x16c: {  	[sflag:s11] =	ssyncadd.s32 $0xFFFFC000  }
0x16d: {  	p0 =	por $0x1, $0x1;
	_ =	swait.ge [sflag:s12], $0x4000  }
0x16e: {  	s1 =	sadd.s32 $0xFFFFFFFF, s17;
	s0 =	rddreg [dreg:$0x2];
	[sflag:s12] =	ssyncset.done $0x0  }
.LBB2_4:
0x16f: {  	[sflag:s12] =	ssyncadd.s32 $0xFFFFC000  }
0x170: {  	[tilespmem:s2], [sflag:$0x9] =	stream.linear.gather [hbm4b:s0+s2], $0x800, $0x38;
	[tilespmem:$0x11000] =	vst v63  }
0x171: {  	_ =	swait.ge [sflag:s30], $0x800  }
0x172: {  	[sflag:s30] =	ssyncset.done $0x0  }
0x173: {  	s17 =	rddreg [dreg:$0x3];
	[sflag:s30] =	ssyncadd.s32 $0xFFFFF800  }
0x174: {  	[tilespmem:s31], [sflag:$0x9] =	stream.linear.gather [hbm4b:s17+s2], $0x800, $0x38;
	[tilespmem:$0x11000] =	vst v63  }
0x175: {  	_ =	swait.ge [sflag:s30], $0x800  }
0x176: {  	[sflag:s30] =	ssyncset.done $0x0  }
0x177: {  	[sflag:s30] =	ssyncadd.s32 $0xFFFFF800  }
0x178: {  	[tilespmem:s6], [sflag:$0x1] =	stream.indirect.gather [hbm4b:s3+s10], $0x80, s2, s10, $0xb8;
	[tilespmem:$0x11000] =	vst v63  }
0x179: {  	_ = 	snop  }
0x17a: {  	[tilespmem:s7], [sflag:$0x3] =	stream.indirect.gather [hbm4b:s3+s10], $0x80, s31, s10, $0xb8;
	[tilespmem:$0x11000] =	vst v63  }
0x17b: {  	s17 =	sld [smem:$0x7ED]  }
0x17c: {  	[tilespmem:s4], [sflag:$0x2] =	stream.indirect.gather [hbm4b:s3+s10], $0x80, s10, s10, $0xb8;
	[tilespmem:$0x11000] =	vst v63  }
0x17d: {  	_ = 	snop  }
0x17e: {  	[tilespmem:s5], [sflag:$0x4] =	stream.indirect.gather [hbm4b:s3+s10], $0x80, s17, s10, $0xb8;
	[tilespmem:$0x11000] =	vst v63  }
0x17f: {  	_ =	swait.ge [sflag:s14], $0x4000  }
0x180: {  	[sflag:s14] =	ssyncset.done $0x0  }
0x181: {  	[sflag:s14] =	ssyncadd.s32 $0xFFFFC000  }
0x182: {  	_ =	swait.ge [sflag:s13], $0x4000  }
0x183: {  	[sflag:s13] =	ssyncset.done $0x0  }
0x184: {  	s0 =	rddreg [dreg:$0x4];
	[sflag:s13] =	ssyncadd.s32 $0xFFFFC000  }
0x185: {  	[hbm4b:s0+s2] =	stream.linear.scatter [tilespmem:s6], [sflag:$0x5], $0x4000, $0x38;
	[tilespmem:$0x11000] =	vst v63  }
0x186: {  	s17 =	rddreg [dreg:$0x5]  }
0x187: {  	[hbm4b:s17+s2] =	stream.linear.scatter [tilespmem:s7], [sflag:$0x7], $0x4000, $0x38;
	[tilespmem:$0x11000] =	vst v63  }
0x188: {  	_ =	swait.ge [sflag:s8], $0x4000  }
0x189: {  	[sflag:s8] =	ssyncset.done $0x0  }
0x18a: {  	[sflag:s8] =	ssyncadd.s32 $0xFFFFC000  }
0x18b: {  	_ =	swait.ge [sflag:s9], $0x4000  }
0x18c: {  	s0 =	sld [smem:$0x7EE]  }
0x18d: {  	[sflag:s9] =	ssyncset.done $0x0  }
0x18e: {  	s17 =	sld [smem:$0x7EF];
	[sflag:s9] =	ssyncadd.s32 $0xFFFFC000  }
0x18f: {  	[tilespmem:s6], [sflag:$0x1] =	stream.indirect.gather [hbm4b:s3+s10], $0x80, s0, s10, $0xb8;
	[tilespmem:$0x11000] =	vst v63  }
0x190: {  	_ = 	snop  }
0x191: {  	[tilespmem:s7], [sflag:$0x3] =	stream.indirect.gather [hbm4b:s3+s10], $0x80, s17, s10, $0xb8;
	[tilespmem:$0x11000] =	vst v63  }
0x192: {  	_ =	swait.ge [sflag:s16], $0x4000  }
0x193: {  	[sflag:s16] =	ssyncset.done $0x0  }
0x194: {  	[sflag:s16] =	ssyncadd.s32 $0xFFFFC000  }
0x195: {  	_ =	swait.ge [sflag:s15], $0x4000  }
0x196: {  	[sflag:s15] =	ssyncset.done $0x0  }
0x197: {  	s0 =	rddreg [dreg:$0x6];
	[sflag:s15] =	ssyncadd.s32 $0xFFFFC000  }
0x198: {  	[hbm4b:s0+s2] =	stream.linear.scatter [tilespmem:s4], [sflag:$0x6], $0x4000, $0x38;
	[tilespmem:$0x11000] =	vst v63  }
0x199: {  	s17 =	rddreg [dreg:$0x7]  }
0x19a: {  	[hbm4b:s17+s2] =	stream.linear.scatter [tilespmem:s5], [sflag:$0x8], $0x4000, $0x38;
	[tilespmem:$0x11000] =	vst v63  }
0x19b: {  	_ =	swait.ge [sflag:s11], $0x4000  }
0x19c: {  	[sflag:s11] =	ssyncset.done $0x0  }
0x19d: {  	[sflag:s11] =	ssyncadd.s32 $0xFFFFC000  }
0x19e: {  	_ =	swait.ge [sflag:s12], $0x4000  }
0x19f: {  	s0 =	sld [smem:$0x7F0]  }
0x1a0: {  	[sflag:s12] =	ssyncset.done $0x0  }
0x1a1: {  	s17 =	sld [smem:$0x7F1];
	[sflag:s12] =	ssyncadd.s32 $0xFFFFC000  }
0x1a2: {  	[tilespmem:s4], [sflag:$0x2] =	stream.indirect.gather [hbm4b:s3+s10], $0x80, s0, s10, $0xb8;
	[tilespmem:$0x11000] =	vst v63  }
0x1a3: {  	_ = 	snop  }
0x1a4: {  	[tilespmem:s5], [sflag:$0x4] =	stream.indirect.gather [hbm4b:s3+s10], $0x80, s17, s10, $0xb8;
	[tilespmem:$0x11000] =	vst v63  }
0x1a5: {  	_ =	swait.ge [sflag:s14], $0x4000  }
0x1a6: {  	[sflag:s14] =	ssyncset.done $0x0  }
0x1a7: {  	[sflag:s14] =	ssyncadd.s32 $0xFFFFC000  }
0x1a8: {  	_ =	swait.ge [sflag:s13], $0x4000  }
0x1a9: {  	[sflag:s13] =	ssyncset.done $0x0  }
0x1aa: {  	s0 =	rddreg [dreg:$0x8];
	[sflag:s13] =	ssyncadd.s32 $0xFFFFC000  }
0x1ab: {  	[hbm4b:s0+s2] =	stream.linear.scatter [tilespmem:s6], [sflag:$0x5], $0x4000, $0x38;
	[tilespmem:$0x11000] =	vst v63  }
0x1ac: {  	s17 =	rddreg [dreg:$0x9]  }
0x1ad: {  	[hbm4b:s17+s2] =	stream.linear.scatter [tilespmem:s7], [sflag:$0x7], $0x4000, $0x38;
	[tilespmem:$0x11000] =	vst v63  }
0x1ae: {  	_ =	swait.ge [sflag:s8], $0x4000  }
0x1af: {  	[sflag:s8] =	ssyncset.done $0x0  }
0x1b0: {  	[sflag:s8] =	ssyncadd.s32 $0xFFFFC000  }
0x1b1: {  	_ =	swait.ge [sflag:s9], $0x4000  }
0x1b2: {  	s0 =	sld [smem:$0x7F2]  }
0x1b3: {  	[sflag:s9] =	ssyncset.done $0x0  }
0x1b4: {  	s17 =	sld [smem:$0x7F3];
	[sflag:s9] =	ssyncadd.s32 $0xFFFFC000  }
0x1b5: {  	[tilespmem:s6], [sflag:$0x1] =	stream.indirect.gather [hbm4b:s3+s10], $0x80, s0, s10, $0xb8;
	[tilespmem:$0x11000] =	vst v63  }
0x1b6: {  	_ = 	snop  }
0x1b7: {  	[tilespmem:s7], [sflag:$0x3] =	stream.indirect.gather [hbm4b:s3+s10], $0x80, s17, s10, $0xb8;
	[tilespmem:$0x11000] =	vst v63  }
0x1b8: {  	_ =	swait.ge [sflag:s16], $0x4000  }
0x1b9: {  	[sflag:s16] =	ssyncset.done $0x0  }
0x1ba: {  	[sflag:s16] =	ssyncadd.s32 $0xFFFFC000  }
0x1bb: {  	_ =	swait.ge [sflag:s15], $0x4000  }
0x1bc: {  	[sflag:s15] =	ssyncset.done $0x0  }
0x1bd: {  	s0 =	rddreg [dreg:$0xa];
	[sflag:s15] =	ssyncadd.s32 $0xFFFFC000  }
0x1be: {  	[hbm4b:s0+s2] =	stream.linear.scatter [tilespmem:s4], [sflag:$0x6], $0x4000, $0x38;
	[tilespmem:$0x11000] =	vst v63  }
0x1bf: {  	s17 =	rddreg [dreg:$0xb]  }
0x1c0: {  	[hbm4b:s17+s2] =	stream.linear.scatter [tilespmem:s5], [sflag:$0x8], $0x4000, $0x38;
	[tilespmem:$0x11000] =	vst v63  }
0x1c1: {  	_ =	swait.ge [sflag:s11], $0x4000  }
0x1c2: {  	[sflag:s11] =	ssyncset.done $0x0  }
0x1c3: {  	[sflag:s11] =	ssyncadd.s32 $0xFFFFC000  }
0x1c4: {  	_ =	swait.ge [sflag:s12], $0x4000  }
0x1c5: {  	s0 =	sld [smem:$0x7F4]  }
0x1c6: {  	[sflag:s12] =	ssyncset.done $0x0  }
0x1c7: {  	s17 =	sld [smem:$0x7F5];
	[sflag:s12] =	ssyncadd.s32 $0xFFFFC000  }
0x1c8: {  	[tilespmem:s4], [sflag:$0x2] =	stream.indirect.gather [hbm4b:s3+s10], $0x80, s0, s10, $0xb8;
	[tilespmem:$0x11000] =	vst v63  }
0x1c9: {  	_ = 	snop  }
0x1ca: {  	[tilespmem:s5], [sflag:$0x4] =	stream.indirect.gather [hbm4b:s3+s10], $0x80, s17, s10, $0xb8;
	[tilespmem:$0x11000] =	vst v63  }
0x1cb: {  	_ =	swait.ge [sflag:s14], $0x4000  }
0x1cc: {  	[sflag:s14] =	ssyncset.done $0x0  }
0x1cd: {  	[sflag:s14] =	ssyncadd.s32 $0xFFFFC000  }
0x1ce: {  	_ =	swait.ge [sflag:s13], $0x4000  }
0x1cf: {  	[sflag:s13] =	ssyncset.done $0x0  }
0x1d0: {  	s0 =	rddreg [dreg:$0xc];
	[sflag:s13] =	ssyncadd.s32 $0xFFFFC000  }
0x1d1: {  	[hbm4b:s0+s2] =	stream.linear.scatter [tilespmem:s6], [sflag:$0x5], $0x4000, $0x38;
	[tilespmem:$0x11000] =	vst v63  }
0x1d2: {  	s17 =	rddreg [dreg:$0xd]  }
0x1d3: {  	[hbm4b:s17+s2] =	stream.linear.scatter [tilespmem:s7], [sflag:$0x7], $0x4000, $0x38;
	[tilespmem:$0x11000] =	vst v63  }
0x1d4: {  	_ =	swait.ge [sflag:s8], $0x4000  }
0x1d5: {  	[sflag:s8] =	ssyncset.done $0x0  }
0x1d6: {  	[sflag:s8] =	ssyncadd.s32 $0xFFFFC000  }
0x1d7: {  	_ =	swait.ge [sflag:s9], $0x4000  }
0x1d8: {  	s0 =	sld [smem:$0x7F6]  }
0x1d9: {  	[sflag:s9] =	ssyncset.done $0x0  }
0x1da: {  	s17 =	sld [smem:$0x7F7];
	[sflag:s9] =	ssyncadd.s32 $0xFFFFC000  }
0x1db: {  	[tilespmem:s6], [sflag:$0x1] =	stream.indirect.gather [hbm4b:s3+s10], $0x80, s0, s10, $0xb8;
	[tilespmem:$0x11000] =	vst v63  }
0x1dc: {  	_ = 	snop  }
0x1dd: {  	[tilespmem:s7], [sflag:$0x3] =	stream.indirect.gather [hbm4b:s3+s10], $0x80, s17, s10, $0xb8;
	[tilespmem:$0x11000] =	vst v63  }
0x1de: {  	_ =	swait.ge [sflag:s16], $0x4000  }
0x1df: {  	[sflag:s16] =	ssyncset.done $0x0  }
0x1e0: {  	[sflag:s16] =	ssyncadd.s32 $0xFFFFC000  }
0x1e1: {  	_ =	swait.ge [sflag:s15], $0x4000  }
0x1e2: {  	[sflag:s15] =	ssyncset.done $0x0  }
0x1e3: {  	s0 =	rddreg [dreg:$0xe];
	[sflag:s15] =	ssyncadd.s32 $0xFFFFC000  }
0x1e4: {  	[hbm4b:s0+s2] =	stream.linear.scatter [tilespmem:s4], [sflag:$0x6], $0x4000, $0x38;
	[tilespmem:$0x11000] =	vst v63  }
0x1e5: {  	s17 =	rddreg [dreg:$0xf]  }
0x1e6: {  	[hbm4b:s17+s2] =	stream.linear.scatter [tilespmem:s5], [sflag:$0x8], $0x4000, $0x38;
	[tilespmem:$0x11000] =	vst v63  }
0x1e7: {  	_ =	swait.ge [sflag:s11], $0x4000  }
0x1e8: {  	[sflag:s11] =	ssyncset.done $0x0  }
0x1e9: {  	[sflag:s11] =	ssyncadd.s32 $0xFFFFC000  }
0x1ea: {  	_ =	swait.ge [sflag:s12], $0x4000  }
0x1eb: {  	s0 =	sld [smem:$0x7F8]  }
0x1ec: {  	[sflag:s12] =	ssyncset.done $0x0  }
0x1ed: {  	s17 =	sld [smem:$0x7F9];
	[sflag:s12] =	ssyncadd.s32 $0xFFFFC000  }
0x1ee: {  	[tilespmem:s4], [sflag:$0x2] =	stream.indirect.gather [hbm4b:s3+s10], $0x80, s0, s10, $0xb8;
	[tilespmem:$0x11000] =	vst v63  }
0x1ef: {  	_ = 	snop  }
0x1f0: {  	[tilespmem:s5], [sflag:$0x4] =	stream.indirect.gather [hbm4b:s3+s10], $0x80, s17, s10, $0xb8;
	[tilespmem:$0x11000] =	vst v63  }
0x1f1: {  	_ =	swait.ge [sflag:s14], $0x4000  }
0x1f2: {  	[sflag:s14] =	ssyncset.done $0x0  }
0x1f3: {  	[sflag:s14] =	ssyncadd.s32 $0xFFFFC000  }
0x1f4: {  	_ =	swait.ge [sflag:s13], $0x4000  }
0x1f5: {  	[sflag:s13] =	ssyncset.done $0x0  }
0x1f6: {  	s0 =	rddreg [dreg:$0x10];
	[sflag:s13] =	ssyncadd.s32 $0xFFFFC000  }
0x1f7: {  	[hbm4b:s0+s2] =	stream.linear.scatter [tilespmem:s6], [sflag:$0x5], $0x4000, $0x38;
	[tilespmem:$0x11000] =	vst v63  }
0x1f8: {  	s17 =	rddreg [dreg:$0x11]  }
0x1f9: {  	[hbm4b:s17+s2] =	stream.linear.scatter [tilespmem:s7], [sflag:$0x7], $0x4000, $0x38;
	[tilespmem:$0x11000] =	vst v63  }
0x1fa: {  	_ =	swait.ge [sflag:s8], $0x4000  }
0x1fb: {  	[sflag:s8] =	ssyncset.done $0x0  }
0x1fc: {  	[sflag:s8] =	ssyncadd.s32 $0xFFFFC000  }
0x1fd: {  	_ =	swait.ge [sflag:s9], $0x4000  }
0x1fe: {  	s0 =	sld [smem:$0x7FA]  }
0x1ff: {  	[sflag:s9] =	ssyncset.done $0x0  }
0x200: {  	s17 =	sld [smem:$0x7FB];
	[sflag:s9] =	ssyncadd.s32 $0xFFFFC000  }
0x201: {  	[tilespmem:s6], [sflag:$0x1] =	stream.indirect.gather [hbm4b:s3+s10], $0x80, s0, s10, $0xb8;
	[tilespmem:$0x11000] =	vst v63  }
0x202: {  	_ = 	snop  }
0x203: {  	[tilespmem:s7], [sflag:$0x3] =	stream.indirect.gather [hbm4b:s3+s10], $0x80, s17, s10, $0xb8;
	[tilespmem:$0x11000] =	vst v63  }
0x204: {  	_ =	swait.ge [sflag:s16], $0x4000  }
0x205: {  	[sflag:s16] =	ssyncset.done $0x0  }
0x206: {  	[sflag:s16] =	ssyncadd.s32 $0xFFFFC000  }
0x207: {  	_ =	swait.ge [sflag:s15], $0x4000  }
0x208: {  	[sflag:s15] =	ssyncset.done $0x0  }
0x209: {  	s0 =	rddreg [dreg:$0x12];
	[sflag:s15] =	ssyncadd.s32 $0xFFFFC000  }
0x20a: {  	[hbm4b:s0+s2] =	stream.linear.scatter [tilespmem:s4], [sflag:$0x6], $0x4000, $0x38;
	[tilespmem:$0x11000] =	vst v63  }
0x20b: {  	s17 =	rddreg [dreg:$0x13]  }
0x20c: {  	[hbm4b:s17+s2] =	stream.linear.scatter [tilespmem:s5], [sflag:$0x8], $0x4000, $0x38;
	[tilespmem:$0x11000] =	vst v63  }
0x20d: {  	_ =	swait.ge [sflag:s11], $0x4000  }
0x20e: {  	[sflag:s11] =	ssyncset.done $0x0  }
0x20f: {  	[sflag:s11] =	ssyncadd.s32 $0xFFFFC000  }
0x210: {  	_ =	swait.ge [sflag:s12], $0x4000  }
0x211: {  	s0 =	sld [smem:$0x7FC]  }
0x212: {  	[sflag:s12] =	ssyncset.done $0x0  }
0x213: {  	s17 =	sld [smem:$0x7FD];
	[sflag:s12] =	ssyncadd.s32 $0xFFFFC000  }
0x214: {  	[tilespmem:s4], [sflag:$0x2] =	stream.indirect.gather [hbm4b:s3+s10], $0x80, s0, s10, $0xb8;
	[tilespmem:$0x11000] =	vst v63  }
0x215: {  	_ = 	snop  }
0x216: {  	[tilespmem:s5], [sflag:$0x4] =	stream.indirect.gather [hbm4b:s3+s10], $0x80, s17, s10, $0xb8;
	[tilespmem:$0x11000] =	vst v63  }
0x217: {  	_ =	swait.ge [sflag:s14], $0x4000  }
0x218: {  	[sflag:s14] =	ssyncset.done $0x0  }
0x219: {  	[sflag:s14] =	ssyncadd.s32 $0xFFFFC000  }
0x21a: {  	_ =	swait.ge [sflag:s13], $0x4000  }
0x21b: {  	[sflag:s13] =	ssyncset.done $0x0  }
0x21c: {  	s0 =	rddreg [dreg:$0x14];
	[sflag:s13] =	ssyncadd.s32 $0xFFFFC000  }
0x21d: {  	[hbm4b:s0+s2] =	stream.linear.scatter [tilespmem:s6], [sflag:$0x5], $0x4000, $0x38;
	[tilespmem:$0x11000] =	vst v63  }
0x21e: {  	s17 =	rddreg [dreg:$0x15]  }
0x21f: {  	[hbm4b:s17+s2] =	stream.linear.scatter [tilespmem:s7], [sflag:$0x7], $0x4000, $0x38;
	[tilespmem:$0x11000] =	vst v63  }
0x220: {  	_ =	swait.ge [sflag:s8], $0x4000  }
0x221: {  	[sflag:s8] =	ssyncset.done $0x0  }
0x222: {  	[sflag:s8] =	ssyncadd.s32 $0xFFFFC000  }
0x223: {  	_ =	swait.ge [sflag:s9], $0x4000  }
0x224: {  	[sflag:s9] =	ssyncset.done $0x0  }
0x225: {  	[sflag:s9] =	ssyncadd.s32 $0xFFFFC000  }
0x226: {  	[tilespmem:s6], [sflag:$0x1] =	stream.indirect.gather [hbm4b:s3+s10], $0x80, s29, s10, $0xb8;
	[tilespmem:$0x11000] =	vst v63  }
0x227: {  	_ = 	snop  }
0x228: {  	[tilespmem:s7], [sflag:$0x3] =	stream.indirect.gather [hbm4b:s3+s10], $0x80, s24, s10, $0xb8;
	[tilespmem:$0x11000] =	vst v63  }
0x229: {  	_ =	swait.ge [sflag:s16], $0x4000  }
0x22a: {  	[sflag:s16] =	ssyncset.done $0x0  }
0x22b: {  	[sflag:s16] =	ssyncadd.s32 $0xFFFFC000  }
0x22c: {  	_ =	swait.ge [sflag:s15], $0x4000  }
0x22d: {  	[sflag:s15] =	ssyncset.done $0x0  }
0x22e: {  	s0 =	rddreg [dreg:$0x16];
	[sflag:s15] =	ssyncadd.s32 $0xFFFFC000  }
0x22f: {  	[hbm4b:s0+s2] =	stream.linear.scatter [tilespmem:s4], [sflag:$0x6], $0x4000, $0x38;
	[tilespmem:$0x11000] =	vst v63  }
0x230: {  	s17 =	rddreg [dreg:$0x17]  }
0x231: {  	[hbm4b:s17+s2] =	stream.linear.scatter [tilespmem:s5], [sflag:$0x8], $0x4000, $0x38;
	[tilespmem:$0x11000] =	vst v63  }
0x232: {  	_ =	swait.ge [sflag:s11], $0x4000  }
0x233: {  	[sflag:s11] =	ssyncset.done $0x0  }
0x234: {  	[sflag:s11] =	ssyncadd.s32 $0xFFFFC000  }
0x235: {  	_ =	swait.ge [sflag:s12], $0x4000  }
0x236: {  	[sflag:s12] =	ssyncset.done $0x0  }
0x237: {  	[sflag:s12] =	ssyncadd.s32 $0xFFFFC000  }
0x238: {  	[tilespmem:s4], [sflag:$0x2] =	stream.indirect.gather [hbm4b:s3+s10], $0x80, s26, s10, $0xb8;
	[tilespmem:$0x11000] =	vst v63  }
0x239: {  	_ = 	snop  }
0x23a: {  	[tilespmem:s5], [sflag:$0x4] =	stream.indirect.gather [hbm4b:s3+s10], $0x80, s28, s10, $0xb8;
	[tilespmem:$0x11000] =	vst v63  }
0x23b: {  	_ =	swait.ge [sflag:s14], $0x4000  }
0x23c: {  	[sflag:s14] =	ssyncset.done $0x0  }
0x23d: {  	[sflag:s14] =	ssyncadd.s32 $0xFFFFC000  }
0x23e: {  	_ =	swait.ge [sflag:s13], $0x4000  }
0x23f: {  	[sflag:s13] =	ssyncset.done $0x0  }
0x240: {  	s0 =	rddreg [dreg:$0x18];
	[sflag:s13] =	ssyncadd.s32 $0xFFFFC000  }
0x241: {  	[hbm4b:s0+s2] =	stream.linear.scatter [tilespmem:s6], [sflag:$0x5], $0x4000, $0x38;
	[tilespmem:$0x11000] =	vst v63  }
0x242: {  	s17 =	rddreg [dreg:$0x19]  }
0x243: {  	[hbm4b:s17+s2] =	stream.linear.scatter [tilespmem:s7], [sflag:$0x7], $0x4000, $0x38;
	[tilespmem:$0x11000] =	vst v63  }
0x244: {  	_ =	swait.ge [sflag:s8], $0x4000  }
0x245: {  	[sflag:s8] =	ssyncset.done $0x0  }
0x246: {  	[sflag:s8] =	ssyncadd.s32 $0xFFFFC000  }
0x247: {  	_ =	swait.ge [sflag:s9], $0x4000  }
0x248: {  	[sflag:s9] =	ssyncset.done $0x0  }
0x249: {  	s17 =	simm.s32 $0x600;
	[sflag:s9] =	ssyncadd.s32 $0xFFFFC000  }
0x24a: {  	[tilespmem:s6], [sflag:$0x1] =	stream.indirect.gather [hbm4b:s3+s10], $0x80, s17, s10, $0xb8;
	[tilespmem:$0x11000] =	vst v63  }
0x24b: {  	_ = 	snop  }
0x24c: {  	[tilespmem:s7], [sflag:$0x3] =	stream.indirect.gather [hbm4b:s3+s10], $0x80, s25, s10, $0xb8;
	[tilespmem:$0x11000] =	vst v63  }
0x24d: {  	_ =	swait.ge [sflag:s16], $0x4000  }
0x24e: {  	[sflag:s16] =	ssyncset.done $0x0  }
0x24f: {  	[sflag:s16] =	ssyncadd.s32 $0xFFFFC000  }
0x250: {  	_ =	swait.ge [sflag:s15], $0x4000  }
0x251: {  	[sflag:s15] =	ssyncset.done $0x0  }
0x252: {  	s0 =	rddreg [dreg:$0x1a];
	[sflag:s15] =	ssyncadd.s32 $0xFFFFC000  }
0x253: {  	[hbm4b:s0+s2] =	stream.linear.scatter [tilespmem:s4], [sflag:$0x6], $0x4000, $0x38;
	[tilespmem:$0x11000] =	vst v63  }
0x254: {  	s17 =	rddreg [dreg:$0x1b]  }
0x255: {  	[hbm4b:s17+s2] =	stream.linear.scatter [tilespmem:s5], [sflag:$0x8], $0x4000, $0x38;
	[tilespmem:$0x11000] =	vst v63  }
0x256: {  	_ =	swait.ge [sflag:s11], $0x4000  }
0x257: {  	[sflag:s11] =	ssyncset.done $0x0  }
0x258: {  	[sflag:s11] =	ssyncadd.s32 $0xFFFFC000  }
0x259: {  	_ =	swait.ge [sflag:s12], $0x4000  }
0x25a: {  	[sflag:s12] =	ssyncset.done $0x0  }
0x25b: {  	[sflag:s12] =	ssyncadd.s32 $0xFFFFC000  }
0x25c: {  	[tilespmem:s4], [sflag:$0x2] =	stream.indirect.gather [hbm4b:s3+s10], $0x80, s22, s10, $0xb8;
	[tilespmem:$0x11000] =	vst v63  }
0x25d: {  	_ = 	snop  }
0x25e: {  	[tilespmem:s5], [sflag:$0x4] =	stream.indirect.gather [hbm4b:s3+s10], $0x80, s23, s10, $0xb8;
	[tilespmem:$0x11000] =	vst v63  }
0x25f: {  	_ =	swait.ge [sflag:s14], $0x4000  }
0x260: {  	[sflag:s14] =	ssyncset.done $0x0  }
0x261: {  	[sflag:s14] =	ssyncadd.s32 $0xFFFFC000  }
0x262: {  	_ =	swait.ge [sflag:s13], $0x4000  }
0x263: {  	[sflag:s13] =	ssyncset.done $0x0  }
0x264: {  	s0 =	rddreg [dreg:$0x1c];
	[sflag:s13] =	ssyncadd.s32 $0xFFFFC000  }
0x265: {  	[hbm4b:s0+s2] =	stream.linear.scatter [tilespmem:s6], [sflag:$0x5], $0x4000, $0x38;
	[tilespmem:$0x11000] =	vst v63  }
0x266: {  	s17 =	rddreg [dreg:$0x1d]  }
0x267: {  	[hbm4b:s17+s2] =	stream.linear.scatter [tilespmem:s7], [sflag:$0x7], $0x4000, $0x38;
	[tilespmem:$0x11000] =	vst v63  }
0x268: {  	_ =	swait.ge [sflag:s8], $0x4000  }
0x269: {  	[sflag:s8] =	ssyncset.done $0x0  }
0x26a: {  	[sflag:s8] =	ssyncadd.s32 $0xFFFFC000  }
0x26b: {  	_ =	swait.ge [sflag:s9], $0x4000  }
0x26c: {  	[sflag:s9] =	ssyncset.done $0x0  }
0x26d: {  	[sflag:s9] =	ssyncadd.s32 $0xFFFFC000  }
0x26e: {  	[tilespmem:s6], [sflag:$0x1] =	stream.indirect.gather [hbm4b:s3+s10], $0x80, s20, s10, $0xb8;
	[tilespmem:$0x11000] =	vst v63  }
0x26f: {  	_ = 	snop  }
0x270: {  	[tilespmem:s7], [sflag:$0x3] =	stream.indirect.gather [hbm4b:s3+s10], $0x80, s21, s10, $0xb8;
	[tilespmem:$0x11000] =	vst v63  }
0x271: {  	_ =	swait.ge [sflag:s16], $0x4000  }
0x272: {  	[sflag:s16] =	ssyncset.done $0x0  }
0x273: {  	[sflag:s16] =	ssyncadd.s32 $0xFFFFC000  }
0x274: {  	_ =	swait.ge [sflag:s15], $0x4000  }
0x275: {  	[sflag:s15] =	ssyncset.done $0x0  }
0x276: {  	s0 =	rddreg [dreg:$0x1e];
	[sflag:s15] =	ssyncadd.s32 $0xFFFFC000  }
0x277: {  	[hbm4b:s0+s2] =	stream.linear.scatter [tilespmem:s4], [sflag:$0x6], $0x4000, $0x38;
	[tilespmem:$0x11000] =	vst v63  }
0x278: {  	s17 =	rddreg [dreg:$0x1f]  }
0x279: {  	[hbm4b:s17+s2] =	stream.linear.scatter [tilespmem:s5], [sflag:$0x8], $0x4000, $0x38;
	[tilespmem:$0x11000] =	vst v63  }
0x27a: {  	_ =	swait.ge [sflag:s11], $0x4000  }
0x27b: {  	[sflag:s11] =	ssyncset.done $0x0  }
0x27c: {  	[sflag:s11] =	ssyncadd.s32 $0xFFFFC000  }
0x27d: {  	_ =	swait.ge [sflag:s12], $0x4000  }
0x27e: {  	[sflag:s12] =	ssyncset.done $0x0  }
0x27f: {  	[sflag:s12] =	ssyncadd.s32 $0xFFFFC000  }
0x280: {  	[tilespmem:s4], [sflag:$0x2] =	stream.indirect.gather [hbm4b:s3+s10], $0x80, s18, s10, $0xb8;
	[tilespmem:$0x11000] =	vst v63  }
0x281: {  	_ = 	snop  }
0x282: {  	[tilespmem:s5], [sflag:$0x4] =	stream.indirect.gather [hbm4b:s3+s10], $0x80, s19, s10, $0xb8;
	[tilespmem:$0x11000] =	vst v63  }
0x283: {  	_ =	swait.ge [sflag:s14], $0x4000  }
0x284: {  	[sflag:s14] =	ssyncset.done $0x0  }
0x285: {  	[sflag:s14] =	ssyncadd.s32 $0xFFFFC000  }
0x286: {  	_ =	swait.ge [sflag:s13], $0x4000  }
0x287: {  	s0 =	sld [smem:$0x7E9]  }
0x288: {  	[sflag:s13] =	ssyncset.done $0x0  }
0x289: {  	s17 =	sld [smem:$0x7EA];
	[sflag:s13] =	ssyncadd.s32 $0xFFFFC000  }
0x28a: {  	[hbm4b:s0+s2] =	stream.linear.scatter [tilespmem:s6], [sflag:$0x5], $0x4000, $0x38;
	[tilespmem:$0x11000] =	vst v63  }
0x28b: {  	_ = 	snop  }
0x28c: {  	[hbm4b:s17+s2] =	stream.linear.scatter [tilespmem:s7], [sflag:$0x7], $0x4000, $0x38;
	[tilespmem:$0x11000] =	vst v63  }
0x28d: {  	_ =	swait.ge [sflag:s16], $0x4000  }
0x28e: {  	[sflag:s16] =	ssyncset.done $0x0  }
0x28f: {  	[sflag:s16] =	ssyncadd.s32 $0xFFFFC000  }
0x290: {  	_ =	swait.ge [sflag:s15], $0x4000  }
0x291: {  	s0 =	sld [smem:$0x7EB]  }
0x292: {  	[sflag:s15] =	ssyncset.done $0x0  }
0x293: {  	s17 =	sld [smem:$0x7EC];
	[sflag:s15] =	ssyncadd.s32 $0xFFFFC000  }
0x294: {  	[hbm4b:s0+s2] =	stream.linear.scatter [tilespmem:s4], [sflag:$0x6], $0x4000, $0x38;
	[tilespmem:$0x11000] =	vst v63  }
0x295: {  	_ = 	snop  }
0x296: {  	[hbm4b:s17+s2] =	stream.linear.scatter [tilespmem:s5], [sflag:$0x8], $0x4000, $0x38;
	[tilespmem:$0x11000] =	vst v63  }
0x297: {  	_ =	swait.ge [sflag:s8], $0x4000  }
0x298: {  	[sflag:s8] =	ssyncset.done $0x0  }
0x299: {  	[sflag:s8] =	ssyncadd.s32 $0xFFFFC000  }
0x29a: {  	_ =	swait.ge [sflag:s9], $0x4000  }
0x29b: {  	[sflag:s9] =	ssyncset.done $0x0  }
0x29c: {  	p1 =	sne.s32 s1, $0x1;
	[sflag:s9] =	ssyncadd.s32 $0xFFFFC000  }
.Ltmp2:
0x29d: {  	_ =	swait.ge [sflag:s11], $0x4000;
	(pc) =	sbr.rel @p1 .LBB2_4-.Ltmp2, $4  }
0x29e: {  	[sflag:s11] =	ssyncset.done $0x0  }
0x29f: {  	[sflag:s11] =	ssyncadd.s32 $0xFFFFC000  }
0x2a0: {  	_ =	swait.ge [sflag:s12], $0x4000  }
0x2a1: {  	s1 =	sadd.s32 $0xFFFFFFFF, s1;
	s0 =	rddreg [dreg:$0x2];
	[sflag:s12] =	ssyncset.done $0x0  }
0x2a2: {  	s19 =	simm.s32 $0xD00;
	s29 =	simm.s32 $0x500;
	s28 =	simm.s32 $0xD80  }
0x2a3: {  	s26 =	simm.s32 $0x580;
	s25 =	simm.s32 $0xE00;
	s24 =	simm.s32 $0x600  }
0x2a4: {  	s23 =	simm.s32 $0xE80;
	s22 =	simm.s32 $0x680;
	s21 =	simm.s32 $0xF00  }
0x2a5: {  	s20 =	simm.s32 $0x700;
	s18 =	simm.s32 $0x780;
	s17 =	stileid.u32  }
.LBB2_6:
0x2a6: {  	[sflag:s12] =	ssyncadd.s32 @p0 $0xFFFFC000  }
0x2a7: {  	[tilespmem:s2], [sflag:$0x9] =	stream.linear.gather [hbm4b:s0+s2], $0x800, $0x38;
	[tilespmem:$0x11000] =	vst v63  }
0x2a8: {  	_ =	swait.ge [sflag:s30], $0x800  }
0x2a9: {  	[sflag:s30] =	ssyncset.done $0x0  }
0x2aa: {  	s1 =	rddreg [dreg:$0x3];
	[sflag:s30] =	ssyncadd.s32 $0xFFFFF800  }
0x2ab: {  	[tilespmem:s31], [sflag:$0x9] =	stream.linear.gather [hbm4b:s1+s2], $0x800, $0x38;
	[tilespmem:$0x11000] =	vst v63  }
0x2ac: {  	_ =	swait.ge [sflag:s30], $0x800  }
0x2ad: {  	[sflag:s30] =	ssyncset.done $0x0  }
0x2ae: {  	[sflag:s30] =	ssyncadd.s32 $0xFFFFF800  }
0x2af: {  	[tilespmem:s6], [sflag:$0x1] =	stream.indirect.gather [hbm4b:s3+s10], $0x80, s2, s10, $0xb8;
	[tilespmem:$0x11000] =	vst v63  }
0x2b0: {  	_ = 	snop  }
0x2b1: {  	[tilespmem:s7], [sflag:$0x3] =	stream.indirect.gather [hbm4b:s3+s10], $0x80, s31, s10, $0xb8;
	[tilespmem:$0x11000] =	vst v63  }
0x2b2: {  	s30 =	sld [smem:$0x7ED]  }
0x2b3: {  	[tilespmem:s4], [sflag:$0x2] =	stream.indirect.gather [hbm4b:s3+s10], $0x80, s10, s10, $0xb8;
	[tilespmem:$0x11000] =	vst v63  }
0x2b4: {  	_ = 	snop  }
0x2b5: {  	[tilespmem:s5], [sflag:$0x4] =	stream.indirect.gather [hbm4b:s3+s10], $0x80, s30, s10, $0xb8;
	[tilespmem:$0x11000] =	vst v63  }
0x2b6: {  	_ =	swait.ge [sflag:s14], $0x4000  }
0x2b7: {  	[sflag:s14] =	ssyncset.done $0x0  }
0x2b8: {  	[sflag:s14] =	ssyncadd.s32 $0xFFFFC000  }
0x2b9: {  	_ =	swait.ge [sflag:s13], $0x4000  }
0x2ba: {  	[sflag:s13] =	ssyncset.done $0x0  }
0x2bb: {  	s31 =	rddreg [dreg:$0x4];
	[sflag:s13] =	ssyncadd.s32 $0xFFFFC000  }
0x2bc: {  	[hbm4b:s31+s2] =	stream.linear.scatter [tilespmem:s6], [sflag:$0x5], $0x4000, $0x38;
	[tilespmem:$0x11000] =	vst v63  }
0x2bd: {  	s1 =	rddreg [dreg:$0x5]  }
0x2be: {  	[hbm4b:s1+s2] =	stream.linear.scatter [tilespmem:s7], [sflag:$0x7], $0x4000, $0x38;
	[tilespmem:$0x11000] =	vst v63  }
0x2bf: {  	_ =	swait.ge [sflag:s8], $0x4000  }
0x2c0: {  	[sflag:s8] =	ssyncset.done $0x0  }
0x2c1: {  	[sflag:s8] =	ssyncadd.s32 $0xFFFFC000  }
0x2c2: {  	_ =	swait.ge [sflag:s9], $0x4000  }
0x2c3: {  	s30 =	sld [smem:$0x7EE]  }
0x2c4: {  	[sflag:s9] =	ssyncset.done $0x0  }
0x2c5: {  	s31 =	sld [smem:$0x7EF];
	[sflag:s9] =	ssyncadd.s32 $0xFFFFC000  }
0x2c6: {  	[tilespmem:s6], [sflag:$0x1] =	stream.indirect.gather [hbm4b:s3+s10], $0x80, s30, s10, $0xb8;
	[tilespmem:$0x11000] =	vst v63  }
0x2c7: {  	_ = 	snop  }
0x2c8: {  	[tilespmem:s7], [sflag:$0x3] =	stream.indirect.gather [hbm4b:s3+s10], $0x80, s31, s10, $0xb8;
	[tilespmem:$0x11000] =	vst v63  }
0x2c9: {  	_ =	swait.ge [sflag:s16], $0x4000  }
0x2ca: {  	[sflag:s16] =	ssyncset.done $0x0  }
0x2cb: {  	[sflag:s16] =	ssyncadd.s32 $0xFFFFC000  }
0x2cc: {  	_ =	swait.ge [sflag:s15], $0x4000  }
0x2cd: {  	[sflag:s15] =	ssyncset.done $0x0  }
0x2ce: {  	s30 =	rddreg [dreg:$0x6];
	[sflag:s15] =	ssyncadd.s32 $0xFFFFC000  }
0x2cf: {  	[hbm4b:s30+s2] =	stream.linear.scatter [tilespmem:s4], [sflag:$0x6], $0x4000, $0x38;
	[tilespmem:$0x11000] =	vst v63  }
0x2d0: {  	s31 =	rddreg [dreg:$0x7]  }
0x2d1: {  	[hbm4b:s31+s2] =	stream.linear.scatter [tilespmem:s5], [sflag:$0x8], $0x4000, $0x38;
	[tilespmem:$0x11000] =	vst v63  }
0x2d2: {  	_ =	swait.ge [sflag:s11], $0x4000  }
0x2d3: {  	[sflag:s11] =	ssyncset.done $0x0  }
0x2d4: {  	[sflag:s11] =	ssyncadd.s32 $0xFFFFC000  }
0x2d5: {  	_ =	swait.ge [sflag:s12], $0x4000  }
0x2d6: {  	s30 =	sld [smem:$0x7F0]  }
0x2d7: {  	[sflag:s12] =	ssyncset.done $0x0  }
0x2d8: {  	s31 =	sld [smem:$0x7F1];
	[sflag:s12] =	ssyncadd.s32 $0xFFFFC000  }
0x2d9: {  	[tilespmem:s4], [sflag:$0x2] =	stream.indirect.gather [hbm4b:s3+s10], $0x80, s30, s10, $0xb8;
	[tilespmem:$0x11000] =	vst v63  }
0x2da: {  	_ = 	snop  }
0x2db: {  	[tilespmem:s5], [sflag:$0x4] =	stream.indirect.gather [hbm4b:s3+s10], $0x80, s31, s10, $0xb8;
	[tilespmem:$0x11000] =	vst v63  }
0x2dc: {  	_ =	swait.ge [sflag:s14], $0x4000  }
0x2dd: {  	[sflag:s14] =	ssyncset.done $0x0  }
0x2de: {  	[sflag:s14] =	ssyncadd.s32 $0xFFFFC000  }
0x2df: {  	_ =	swait.ge [sflag:s13], $0x4000  }
0x2e0: {  	[sflag:s13] =	ssyncset.done $0x0  }
0x2e1: {  	s30 =	rddreg [dreg:$0x8];
	[sflag:s13] =	ssyncadd.s32 $0xFFFFC000  }
0x2e2: {  	[hbm4b:s30+s2] =	stream.linear.scatter [tilespmem:s6], [sflag:$0x5], $0x4000, $0x38;
	[tilespmem:$0x11000] =	vst v63  }
0x2e3: {  	s31 =	rddreg [dreg:$0x9]  }
0x2e4: {  	[hbm4b:s31+s2] =	stream.linear.scatter [tilespmem:s7], [sflag:$0x7], $0x4000, $0x38;
	[tilespmem:$0x11000] =	vst v63  }
0x2e5: {  	_ =	swait.ge [sflag:s8], $0x4000  }
0x2e6: {  	[sflag:s8] =	ssyncset.done $0x0  }
0x2e7: {  	[sflag:s8] =	ssyncadd.s32 $0xFFFFC000  }
0x2e8: {  	_ =	swait.ge [sflag:s9], $0x4000  }
0x2e9: {  	s30 =	sld [smem:$0x7F2]  }
0x2ea: {  	[sflag:s9] =	ssyncset.done $0x0  }
0x2eb: {  	s31 =	sld [smem:$0x7F3];
	[sflag:s9] =	ssyncadd.s32 $0xFFFFC000  }
0x2ec: {  	[tilespmem:s6], [sflag:$0x1] =	stream.indirect.gather [hbm4b:s3+s10], $0x80, s30, s10, $0xb8;
	[tilespmem:$0x11000] =	vst v63  }
0x2ed: {  	_ = 	snop  }
0x2ee: {  	[tilespmem:s7], [sflag:$0x3] =	stream.indirect.gather [hbm4b:s3+s10], $0x80, s31, s10, $0xb8;
	[tilespmem:$0x11000] =	vst v63  }
0x2ef: {  	_ =	swait.ge [sflag:s16], $0x4000  }
0x2f0: {  	[sflag:s16] =	ssyncset.done $0x0  }
0x2f1: {  	[sflag:s16] =	ssyncadd.s32 $0xFFFFC000  }
0x2f2: {  	_ =	swait.ge [sflag:s15], $0x4000  }
0x2f3: {  	[sflag:s15] =	ssyncset.done $0x0  }
0x2f4: {  	s30 =	rddreg [dreg:$0xa];
	[sflag:s15] =	ssyncadd.s32 $0xFFFFC000  }
0x2f5: {  	[hbm4b:s30+s2] =	stream.linear.scatter [tilespmem:s4], [sflag:$0x6], $0x4000, $0x38;
	[tilespmem:$0x11000] =	vst v63  }
0x2f6: {  	s31 =	rddreg [dreg:$0xb]  }
0x2f7: {  	[hbm4b:s31+s2] =	stream.linear.scatter [tilespmem:s5], [sflag:$0x8], $0x4000, $0x38;
	[tilespmem:$0x11000] =	vst v63  }
0x2f8: {  	_ =	swait.ge [sflag:s11], $0x4000  }
0x2f9: {  	[sflag:s11] =	ssyncset.done $0x0  }
0x2fa: {  	[sflag:s11] =	ssyncadd.s32 $0xFFFFC000  }
0x2fb: {  	_ =	swait.ge [sflag:s12], $0x4000  }
0x2fc: {  	s30 =	sld [smem:$0x7F4]  }
0x2fd: {  	[sflag:s12] =	ssyncset.done $0x0  }
0x2fe: {  	s31 =	sld [smem:$0x7F5];
	[sflag:s12] =	ssyncadd.s32 $0xFFFFC000  }
0x2ff: {  	[tilespmem:s4], [sflag:$0x2] =	stream.indirect.gather [hbm4b:s3+s10], $0x80, s30, s10, $0xb8;
	[tilespmem:$0x11000] =	vst v63  }
0x300: {  	_ = 	snop  }
0x301: {  	[tilespmem:s5], [sflag:$0x4] =	stream.indirect.gather [hbm4b:s3+s10], $0x80, s31, s10, $0xb8;
	[tilespmem:$0x11000] =	vst v63  }
0x302: {  	_ =	swait.ge [sflag:s14], $0x4000  }
0x303: {  	[sflag:s14] =	ssyncset.done $0x0  }
0x304: {  	[sflag:s14] =	ssyncadd.s32 $0xFFFFC000  }
0x305: {  	_ =	swait.ge [sflag:s13], $0x4000  }
0x306: {  	[sflag:s13] =	ssyncset.done $0x0  }
0x307: {  	s30 =	rddreg [dreg:$0xc];
	[sflag:s13] =	ssyncadd.s32 $0xFFFFC000  }
0x308: {  	[hbm4b:s30+s2] =	stream.linear.scatter [tilespmem:s6], [sflag:$0x5], $0x4000, $0x38;
	[tilespmem:$0x11000] =	vst v63  }
0x309: {  	s31 =	rddreg [dreg:$0xd]  }
0x30a: {  	[hbm4b:s31+s2] =	stream.linear.scatter [tilespmem:s7], [sflag:$0x7], $0x4000, $0x38;
	[tilespmem:$0x11000] =	vst v63  }
0x30b: {  	_ =	swait.ge [sflag:s8], $0x4000  }
0x30c: {  	[sflag:s8] =	ssyncset.done $0x0  }
0x30d: {  	[sflag:s8] =	ssyncadd.s32 $0xFFFFC000  }
0x30e: {  	_ =	swait.ge [sflag:s9], $0x4000  }
0x30f: {  	s30 =	sld [smem:$0x7F6]  }
0x310: {  	[sflag:s9] =	ssyncset.done $0x0  }
0x311: {  	s31 =	sld [smem:$0x7F7];
	[sflag:s9] =	ssyncadd.s32 $0xFFFFC000  }
0x312: {  	[tilespmem:s6], [sflag:$0x1] =	stream.indirect.gather [hbm4b:s3+s10], $0x80, s30, s10, $0xb8;
	[tilespmem:$0x11000] =	vst v63  }
0x313: {  	_ = 	snop  }
0x314: {  	[tilespmem:s7], [sflag:$0x3] =	stream.indirect.gather [hbm4b:s3+s10], $0x80, s31, s10, $0xb8;
	[tilespmem:$0x11000] =	vst v63  }
0x315: {  	_ =	swait.ge [sflag:s16], $0x4000  }
0x316: {  	[sflag:s16] =	ssyncset.done $0x0  }
0x317: {  	[sflag:s16] =	ssyncadd.s32 $0xFFFFC000  }
0x318: {  	_ =	swait.ge [sflag:s15], $0x4000  }
0x319: {  	[sflag:s15] =	ssyncset.done $0x0  }
0x31a: {  	s30 =	rddreg [dreg:$0xe];
	[sflag:s15] =	ssyncadd.s32 $0xFFFFC000  }
0x31b: {  	[hbm4b:s30+s2] =	stream.linear.scatter [tilespmem:s4], [sflag:$0x6], $0x4000, $0x38;
	[tilespmem:$0x11000] =	vst v63  }
0x31c: {  	s31 =	rddreg [dreg:$0xf]  }
0x31d: {  	[hbm4b:s31+s2] =	stream.linear.scatter [tilespmem:s5], [sflag:$0x8], $0x4000, $0x38;
	[tilespmem:$0x11000] =	vst v63  }
0x31e: {  	_ =	swait.ge [sflag:s11], $0x4000  }
0x31f: {  	[sflag:s11] =	ssyncset.done $0x0  }
0x320: {  	[sflag:s11] =	ssyncadd.s32 $0xFFFFC000  }
0x321: {  	_ =	swait.ge [sflag:s12], $0x4000  }
0x322: {  	s30 =	sld [smem:$0x7F8]  }
0x323: {  	[sflag:s12] =	ssyncset.done $0x0  }
0x324: {  	s31 =	sld [smem:$0x7F9];
	[sflag:s12] =	ssyncadd.s32 $0xFFFFC000  }
0x325: {  	[tilespmem:s4], [sflag:$0x2] =	stream.indirect.gather [hbm4b:s3+s10], $0x80, s30, s10, $0xb8;
	[tilespmem:$0x11000] =	vst v63  }
0x326: {  	_ = 	snop  }
0x327: {  	[tilespmem:s5], [sflag:$0x4] =	stream.indirect.gather [hbm4b:s3+s10], $0x80, s31, s10, $0xb8;
	[tilespmem:$0x11000] =	vst v63  }
0x328: {  	_ =	swait.ge [sflag:s14], $0x4000  }
0x329: {  	[sflag:s14] =	ssyncset.done $0x0  }
0x32a: {  	[sflag:s14] =	ssyncadd.s32 $0xFFFFC000  }
0x32b: {  	_ =	swait.ge [sflag:s13], $0x4000  }
0x32c: {  	[sflag:s13] =	ssyncset.done $0x0  }
0x32d: {  	s30 =	rddreg [dreg:$0x10];
	[sflag:s13] =	ssyncadd.s32 $0xFFFFC000  }
0x32e: {  	[hbm4b:s30+s2] =	stream.linear.scatter [tilespmem:s6], [sflag:$0x5], $0x4000, $0x38;
	[tilespmem:$0x11000] =	vst v63  }
0x32f: {  	s31 =	rddreg [dreg:$0x11]  }
0x330: {  	[hbm4b:s31+s2] =	stream.linear.scatter [tilespmem:s7], [sflag:$0x7], $0x4000, $0x38;
	[tilespmem:$0x11000] =	vst v63  }
0x331: {  	_ =	swait.ge [sflag:s8], $0x4000  }
0x332: {  	[sflag:s8] =	ssyncset.done $0x0  }
0x333: {  	[sflag:s8] =	ssyncadd.s32 $0xFFFFC000  }
0x334: {  	_ =	swait.ge [sflag:s9], $0x4000  }
0x335: {  	s30 =	sld [smem:$0x7FA]  }
0x336: {  	[sflag:s9] =	ssyncset.done $0x0  }
0x337: {  	s31 =	sld [smem:$0x7FB];
	[sflag:s9] =	ssyncadd.s32 $0xFFFFC000  }
0x338: {  	[tilespmem:s6], [sflag:$0x1] =	stream.indirect.gather [hbm4b:s3+s10], $0x80, s30, s10, $0xb8;
	[tilespmem:$0x11000] =	vst v63  }
0x339: {  	_ = 	snop  }
0x33a: {  	[tilespmem:s7], [sflag:$0x3] =	stream.indirect.gather [hbm4b:s3+s10], $0x80, s31, s10, $0xb8;
	[tilespmem:$0x11000] =	vst v63  }
0x33b: {  	_ =	swait.ge [sflag:s16], $0x4000  }
0x33c: {  	[sflag:s16] =	ssyncset.done $0x0  }
0x33d: {  	[sflag:s16] =	ssyncadd.s32 $0xFFFFC000  }
0x33e: {  	_ =	swait.ge [sflag:s15], $0x4000  }
0x33f: {  	[sflag:s15] =	ssyncset.done $0x0  }
0x340: {  	s30 =	rddreg [dreg:$0x12];
	[sflag:s15] =	ssyncadd.s32 $0xFFFFC000  }
0x341: {  	[hbm4b:s30+s2] =	stream.linear.scatter [tilespmem:s4], [sflag:$0x6], $0x4000, $0x38;
	[tilespmem:$0x11000] =	vst v63  }
0x342: {  	s31 =	rddreg [dreg:$0x13]  }
0x343: {  	[hbm4b:s31+s2] =	stream.linear.scatter [tilespmem:s5], [sflag:$0x8], $0x4000, $0x38;
	[tilespmem:$0x11000] =	vst v63  }
0x344: {  	_ =	swait.ge [sflag:s11], $0x4000  }
0x345: {  	[sflag:s11] =	ssyncset.done $0x0  }
0x346: {  	[sflag:s11] =	ssyncadd.s32 $0xFFFFC000  }
0x347: {  	_ =	swait.ge [sflag:s12], $0x4000  }
0x348: {  	s30 =	sld [smem:$0x7FC]  }
0x349: {  	[sflag:s12] =	ssyncset.done $0x0  }
0x34a: {  	s31 =	sld [smem:$0x7FD];
	[sflag:s12] =	ssyncadd.s32 $0xFFFFC000  }
0x34b: {  	[tilespmem:s4], [sflag:$0x2] =	stream.indirect.gather [hbm4b:s3+s10], $0x80, s30, s10, $0xb8;
	[tilespmem:$0x11000] =	vst v63  }
0x34c: {  	_ = 	snop  }
0x34d: {  	[tilespmem:s5], [sflag:$0x4] =	stream.indirect.gather [hbm4b:s3+s10], $0x80, s31, s10, $0xb8;
	[tilespmem:$0x11000] =	vst v63  }
0x34e: {  	_ =	swait.ge [sflag:s14], $0x4000  }
0x34f: {  	[sflag:s14] =	ssyncset.done $0x0  }
0x350: {  	[sflag:s14] =	ssyncadd.s32 $0xFFFFC000  }
0x351: {  	_ =	swait.ge [sflag:s13], $0x4000  }
0x352: {  	[sflag:s13] =	ssyncset.done $0x0  }
0x353: {  	s30 =	rddreg [dreg:$0x14];
	[sflag:s13] =	ssyncadd.s32 $0xFFFFC000  }
0x354: {  	[hbm4b:s30+s2] =	stream.linear.scatter [tilespmem:s6], [sflag:$0x5], $0x4000, $0x38;
	[tilespmem:$0x11000] =	vst v63  }
0x355: {  	s31 =	rddreg [dreg:$0x15]  }
0x356: {  	[hbm4b:s31+s2] =	stream.linear.scatter [tilespmem:s7], [sflag:$0x7], $0x4000, $0x38;
	[tilespmem:$0x11000] =	vst v63  }
0x357: {  	_ =	swait.ge [sflag:s8], $0x4000  }
0x358: {  	[sflag:s8] =	ssyncset.done $0x0  }
0x359: {  	[sflag:s8] =	ssyncadd.s32 $0xFFFFC000  }
0x35a: {  	_ =	swait.ge [sflag:s9], $0x4000  }
0x35b: {  	[sflag:s9] =	ssyncset.done $0x0  }
0x35c: {  	[sflag:s9] =	ssyncadd.s32 $0xFFFFC000  }
0x35d: {  	[tilespmem:s6], [sflag:$0x1] =	stream.indirect.gather [hbm4b:s3+s10], $0x80, s29, s10, $0xb8;
	[tilespmem:$0x11000] =	vst v63  }
0x35e: {  	_ = 	snop  }
0x35f: {  	[tilespmem:s7], [sflag:$0x3] =	stream.indirect.gather [hbm4b:s3+s10], $0x80, s19, s10, $0xb8;
	[tilespmem:$0x11000] =	vst v63  }
0x360: {  	_ =	swait.ge [sflag:s16], $0x4000  }
0x361: {  	[sflag:s16] =	ssyncset.done $0x0  }
0x362: {  	[sflag:s16] =	ssyncadd.s32 $0xFFFFC000  }
0x363: {  	_ =	swait.ge [sflag:s15], $0x4000  }
0x364: {  	[sflag:s15] =	ssyncset.done $0x0  }
0x365: {  	s19 =	rddreg [dreg:$0x16];
	[sflag:s15] =	ssyncadd.s32 $0xFFFFC000  }
0x366: {  	[hbm4b:s19+s2] =	stream.linear.scatter [tilespmem:s4], [sflag:$0x6], $0x4000, $0x38;
	[tilespmem:$0x11000] =	vst v63  }
0x367: {  	s29 =	rddreg [dreg:$0x17]  }
0x368: {  	[hbm4b:s29+s2] =	stream.linear.scatter [tilespmem:s5], [sflag:$0x8], $0x4000, $0x38;
	[tilespmem:$0x11000] =	vst v63  }
0x369: {  	_ =	swait.ge [sflag:s11], $0x4000  }
0x36a: {  	[sflag:s11] =	ssyncset.done $0x0  }
0x36b: {  	[sflag:s11] =	ssyncadd.s32 $0xFFFFC000  }
0x36c: {  	_ =	swait.ge [sflag:s12], $0x4000  }
0x36d: {  	[sflag:s12] =	ssyncset.done $0x0  }
0x36e: {  	[sflag:s12] =	ssyncadd.s32 $0xFFFFC000  }
0x36f: {  	[tilespmem:s4], [sflag:$0x2] =	stream.indirect.gather [hbm4b:s3+s10], $0x80, s26, s10, $0xb8;
	[tilespmem:$0x11000] =	vst v63  }
0x370: {  	_ = 	snop  }
0x371: {  	[tilespmem:s5], [sflag:$0x4] =	stream.indirect.gather [hbm4b:s3+s10], $0x80, s28, s10, $0xb8;
	[tilespmem:$0x11000] =	vst v63  }
0x372: {  	_ =	swait.ge [sflag:s14], $0x4000  }
0x373: {  	[sflag:s14] =	ssyncset.done $0x0  }
0x374: {  	[sflag:s14] =	ssyncadd.s32 $0xFFFFC000  }
0x375: {  	_ =	swait.ge [sflag:s13], $0x4000  }
0x376: {  	[sflag:s13] =	ssyncset.done $0x0  }
0x377: {  	s30 =	rddreg [dreg:$0x18];
	[sflag:s13] =	ssyncadd.s32 $0xFFFFC000  }
0x378: {  	[hbm4b:s30+s2] =	stream.linear.scatter [tilespmem:s6], [sflag:$0x5], $0x4000, $0x38;
	[tilespmem:$0x11000] =	vst v63  }
0x379: {  	s31 =	rddreg [dreg:$0x19]  }
0x37a: {  	[hbm4b:s31+s2] =	stream.linear.scatter [tilespmem:s7], [sflag:$0x7], $0x4000, $0x38;
	[tilespmem:$0x11000] =	vst v63  }
0x37b: {  	_ =	swait.ge [sflag:s8], $0x4000  }
0x37c: {  	[sflag:s8] =	ssyncset.done $0x0  }
0x37d: {  	[sflag:s8] =	ssyncadd.s32 $0xFFFFC000  }
0x37e: {  	_ =	swait.ge [sflag:s9], $0x4000  }
0x37f: {  	[sflag:s9] =	ssyncset.done $0x0  }
0x380: {  	[sflag:s9] =	ssyncadd.s32 $0xFFFFC000  }
0x381: {  	[tilespmem:s6], [sflag:$0x1] =	stream.indirect.gather [hbm4b:s3+s10], $0x80, s24, s10, $0xb8;
	[tilespmem:$0x11000] =	vst v63  }
0x382: {  	_ = 	snop  }
0x383: {  	[tilespmem:s7], [sflag:$0x3] =	stream.indirect.gather [hbm4b:s3+s10], $0x80, s25, s10, $0xb8;
	[tilespmem:$0x11000] =	vst v63  }
0x384: {  	_ =	swait.ge [sflag:s16], $0x4000  }
0x385: {  	[sflag:s16] =	ssyncset.done $0x0  }
0x386: {  	[sflag:s16] =	ssyncadd.s32 $0xFFFFC000  }
0x387: {  	_ =	swait.ge [sflag:s15], $0x4000  }
0x388: {  	[sflag:s15] =	ssyncset.done $0x0  }
0x389: {  	s1 =	rddreg [dreg:$0x1a];
	[sflag:s15] =	ssyncadd.s32 $0xFFFFC000  }
0x38a: {  	[hbm4b:s1+s2] =	stream.linear.scatter [tilespmem:s4], [sflag:$0x6], $0x4000, $0x38;
	[tilespmem:$0x11000] =	vst v63  }
0x38b: {  	s19 =	rddreg [dreg:$0x1b]  }
0x38c: {  	[hbm4b:s19+s2] =	stream.linear.scatter [tilespmem:s5], [sflag:$0x8], $0x4000, $0x38;
	[tilespmem:$0x11000] =	vst v63  }
0x38d: {  	_ =	swait.ge [sflag:s11], $0x4000  }
0x38e: {  	[sflag:s11] =	ssyncset.done $0x0  }
0x38f: {  	[sflag:s11] =	ssyncadd.s32 $0xFFFFC000  }
0x390: {  	_ =	swait.ge [sflag:s12], $0x4000  }
0x391: {  	[sflag:s12] =	ssyncset.done $0x0  }
0x392: {  	[sflag:s12] =	ssyncadd.s32 $0xFFFFC000  }
0x393: {  	[tilespmem:s4], [sflag:$0x2] =	stream.indirect.gather [hbm4b:s3+s10], $0x80, s22, s10, $0xb8;
	[tilespmem:$0x11000] =	vst v63  }
0x394: {  	_ = 	snop  }
0x395: {  	[tilespmem:s5], [sflag:$0x4] =	stream.indirect.gather [hbm4b:s3+s10], $0x80, s23, s10, $0xb8;
	[tilespmem:$0x11000] =	vst v63  }
0x396: {  	_ =	swait.ge [sflag:s14], $0x4000  }
0x397: {  	[sflag:s14] =	ssyncset.done $0x0  }
0x398: {  	[sflag:s14] =	ssyncadd.s32 $0xFFFFC000  }
0x399: {  	_ =	swait.ge [sflag:s13], $0x4000  }
0x39a: {  	[sflag:s13] =	ssyncset.done $0x0  }
0x39b: {  	s22 =	rddreg [dreg:$0x1c];
	[sflag:s13] =	ssyncadd.s32 $0xFFFFC000  }
0x39c: {  	[hbm4b:s22+s2] =	stream.linear.scatter [tilespmem:s6], [sflag:$0x5], $0x4000, $0x38;
	[tilespmem:$0x11000] =	vst v63  }
0x39d: {  	s23 =	rddreg [dreg:$0x1d]  }
0x39e: {  	[hbm4b:s23+s2] =	stream.linear.scatter [tilespmem:s7], [sflag:$0x7], $0x4000, $0x38;
	[tilespmem:$0x11000] =	vst v63  }
0x39f: {  	_ =	swait.ge [sflag:s8], $0x4000  }
0x3a0: {  	[sflag:s8] =	ssyncset.done $0x0  }
0x3a1: {  	[sflag:s8] =	ssyncadd.s32 $0xFFFFC000  }
0x3a2: {  	_ =	swait.ge [sflag:s9], $0x4000  }
0x3a3: {  	[sflag:s9] =	ssyncset.done $0x0  }
0x3a4: {  	[sflag:s9] =	ssyncadd.s32 $0xFFFFC000  }
0x3a5: {  	[tilespmem:s6], [sflag:$0x1] =	stream.indirect.gather [hbm4b:s3+s10], $0x80, s20, s10, $0xb8;
	[tilespmem:$0x11000] =	vst v63  }
0x3a6: {  	_ = 	snop  }
0x3a7: {  	[tilespmem:s7], [sflag:$0x3] =	stream.indirect.gather [hbm4b:s3+s10], $0x80, s21, s10, $0xb8;
	[tilespmem:$0x11000] =	vst v63  }
0x3a8: {  	_ =	swait.ge [sflag:s16], $0x4000  }
0x3a9: {  	[sflag:s16] =	ssyncset.done $0x0  }
0x3aa: {  	[sflag:s16] =	ssyncadd.s32 $0xFFFFC000  }
0x3ab: {  	_ =	swait.ge [sflag:s15], $0x4000  }
0x3ac: {  	[sflag:s15] =	ssyncset.done $0x0  }
0x3ad: {  	s24 =	rddreg [dreg:$0x1e];
	[sflag:s15] =	ssyncadd.s32 $0xFFFFC000  }
0x3ae: {  	[hbm4b:s24+s2] =	stream.linear.scatter [tilespmem:s4], [sflag:$0x6], $0x4000, $0x38;
	[tilespmem:$0x11000] =	vst v63  }
0x3af: {  	s25 =	rddreg [dreg:$0x1f]  }
0x3b0: {  	[hbm4b:s25+s2] =	stream.linear.scatter [tilespmem:s5], [sflag:$0x8], $0x4000, $0x38;
	[tilespmem:$0x11000] =	vst v63  }
0x3b1: {  	_ =	swait.ge [sflag:s11], $0x4000  }
0x3b2: {  	[sflag:s11] =	ssyncset.done $0x0  }
0x3b3: {  	[sflag:s11] =	ssyncadd.s32 $0xFFFFC000  }
0x3b4: {  	_ =	swait.ge [sflag:s12], $0x4000  }
0x3b5: {  	[sflag:s12] =	ssyncset.done $0x0  }
0x3b6: {  	[sflag:s12] =	ssyncadd.s32 $0xFFFFC000  }
0x3b7: {  	[tilespmem:s4], [sflag:$0x2] =	stream.indirect.gather [hbm4b:s3+s10], $0x80, s18, s10, $0xb8;
	[tilespmem:$0x11000] =	vst v63  }
0x3b8: {  	s26 =	simm.s32 $0xF80  }
0x3b9: {  	[tilespmem:s5], [sflag:$0x4] =	stream.indirect.gather [hbm4b:s3+s10], $0x80, s26, s10, $0xb8;
	[tilespmem:$0x11000] =	vst v63  }
0x3ba: {  	_ =	swait.ge [sflag:s14], $0x4000  }
0x3bb: {  	[sflag:s14] =	ssyncset.done $0x0  }
0x3bc: {  	[sflag:s14] =	ssyncadd.s32 $0xFFFFC000  }
0x3bd: {  	_ =	swait.ge [sflag:s13], $0x4000  }
0x3be: {  	s28 =	sld [smem:$0x7E9]  }
0x3bf: {  	[sflag:s13] =	ssyncset.done $0x0  }
0x3c0: {  	s29 =	sld [smem:$0x7EA];
	[sflag:s13] =	ssyncadd.s32 $0xFFFFC000  }
0x3c1: {  	[hbm4b:s28+s2] =	stream.linear.scatter [tilespmem:s6], [sflag:$0x5], $0x4000, $0x38;
	[tilespmem:$0x11000] =	vst v63  }
0x3c2: {  	_ = 	snop  }
0x3c3: {  	[hbm4b:s29+s2] =	stream.linear.scatter [tilespmem:s7], [sflag:$0x7], $0x4000, $0x38;
	[tilespmem:$0x11000] =	vst v63  }
0x3c4: {  	_ =	swait.ge [sflag:s16], $0x4000  }
0x3c5: {  	[sflag:s16] =	ssyncset.done $0x0  }
0x3c6: {  	[sflag:s16] =	ssyncadd.s32 $0xFFFFC000  }
0x3c7: {  	_ =	swait.ge [sflag:s15], $0x4000  }
0x3c8: {  	s30 =	sld [smem:$0x7EB]  }
0x3c9: {  	[sflag:s15] =	ssyncset.done $0x0  }
0x3ca: {  	s31 =	sld [smem:$0x7EC];
	[sflag:s15] =	ssyncadd.s32 $0xFFFFC000  }
0x3cb: {  	[hbm4b:s30+s2] =	stream.linear.scatter [tilespmem:s4], [sflag:$0x6], $0x4000, $0x38;
	[tilespmem:$0x11000] =	vst v63  }
0x3cc: {  	_ = 	snop  }
0x3cd: {  	[hbm4b:s31+s2] =	stream.linear.scatter [tilespmem:s5], [sflag:$0x8], $0x4000, $0x38;
	[tilespmem:$0x11000] =	vst v63  }
0x3ce: {  	_ =	swait.ge [sflag:s8], $0x4000  }
0x3cf: {  	[sflag:s8] =	ssyncset.done $0x0  }
0x3d0: {  	[sflag:s8] =	ssyncadd.s32 $0xFFFFC000  }
0x3d1: {  	_ =	swait.ge [sflag:s9], $0x4000  }
0x3d2: {  	[sflag:s9] =	ssyncset.done $0x0  }
0x3d3: {  	[sflag:s9] =	ssyncadd.s32 $0xFFFFC000  }
0x3d4: {  	_ =	swait.ge [sflag:s11], $0x4000  }
0x3d5: {  	[sflag:s11] =	ssyncset.done $0x0  }
0x3d6: {  	[sflag:s11] =	ssyncadd.s32 $0xFFFFC000  }
0x3d7: {  	_ =	swait.ge [sflag:s12], $0x4000  }
0x3d8: {  	[sflag:s12] =	ssyncset.done $0x0  }
0x3d9: {  	[sflag:s12] =	ssyncadd.s32 $0xFFFFC000  }
0x3da: {  	_ =	sfence.sel $0x180000  }
0x3db: {  	[bflag:$0x0] =	sbarrier.arrive $0xFFFF  }
0x3dc: {  	_ =	strace $0x9000004D  }
0x3dd: {  	[bflag:$0x2] =	sbarrier.arrive $0xFFFF  }
0x3de: {  	p0 =	sne.s32 s17, $0x0;
	s0 =	rddreg [dreg:$0x1]  }
0x3df: {  	s0 =	sadd.s32 @!p0 $0x100000, s0  }
0x3e0: {  	[sflag:s0] =	ssyncadd.tile.s32 @!p0 $0x1;
	_ =	shalt  }
.LBB2_1:
.Ltmp3:
0x3e1: {  	(pc) =	sbr.rel .LBB2_6-.Ltmp3, $4  }
0x3e2: {  	s19 =	simm.s32 $0xD00;
	s29 =	simm.s32 $0x500  }
0x3e3: {  	s28 =	simm.s32 $0xD80;
	s26 =	simm.s32 $0x580;
	s25 =	simm.s32 $0xE00  }
0x3e4: {  	s24 =	simm.s32 $0x600;
	s23 =	simm.s32 $0xE80;
	s22 =	simm.s32 $0x680  }
0x3e5: {  	s21 =	simm.s32 $0xF00;
	s20 =	simm.s32 $0x700;
	s18 =	simm.s32 $0x780  }
.LBB2_3:
.Ltmp4:
0x3e6: {  	(pc) =	sbr.rel .LBB2_6-.Ltmp4, $4  }
0x3e7: {  	s19 =	simm.s32 $0xD00;
	s29 =	simm.s32 $0x500;
	s28 =	simm.s32 $0xD80  }
0x3e8: {  	s26 =	simm.s32 $0x580;
	s25 =	simm.s32 $0xE00;
	s24 =	simm.s32 $0x600  }
0x3e9: {  	s23 =	simm.s32 $0xE80;
	s22 =	simm.s32 $0x680;
	s21 =	simm.s32 $0xF00  }
0x3ea: {  	s20 =	simm.s32 $0x700;
	s18 =	simm.s32 $0x780;
	s17 =	stileid.u32  }
.Lfunc_end2:
_tile_overlayer_lowered:
.L_overlay_start_2:
0x3eb: {  	(tag) =	ssettag $0x2  }
0x3ec: {  	s0 =	rddreg [dreg:$0x0];
	s2 =	stileid.u32  }
0x3ed: {  	s1 =	rddreg [dreg:$0x1];
	p0 =	sne.s32 s2, $0x0  }
0x3ee: {  	s3 =	rddreg [dreg:$0x2];
	[bflag:$0x3] =	sbarrier.arrive $0xFFFF;
	s2 =	simm.s32 @!p0 $0x1C09  }
0x3ef: {  	[timem:s3], [sflag:s2] =	dma.local @!p0 [hbm:s0], s1  }
0x3f0: {  	s0 =	simm.s32 @!p0 $0x9  }
0x3f1: {  	_ =	swait.ge @!p0 [sflag:s0], s1  }
0x3f2: {  	s1 =	ssub.s32 @!p0 $0x0, s1;
	[sflag:s0] =	ssyncset.done @!p0 $0x0  }
0x3f3: {  	[sflag:s0] =	ssyncadd.s32 @!p0 s1  }
0x3f4: {  	[bflag:$0x3] =	sbarrier.arrive $0xFFFF  }
0x3f5: {  	_ =	shalt  }

// kernel: kernel.8.cloned.1.call-start
scs
__scs_entry_jumppad:
0x0: {  	(pc) =	sbr.rel $0x88, $3  }
0x1: {  	(tag) =	ssettag $0x0;
	lr =	simm.s32 $0x1  }
0x2: {  	[smem:$0x3F91] =	sst lr;
	_ =	strace $0xD0000000  }
0x3: {  	_ = 	snop  }
0x4: {  	_ = 	snop  }
0x5: {  	_ = 	snop  }
0x6: {  	_ = 	snop  }
0x7: {  	_ = 	snop  }
__scs_overlays_trampoline_lowered:
0x8: {  	[smem:$0x3FA0] =	sst s0  }
0x9: {  	[smem:$0x3FA1] =	sst s1  }
0xa: {  	[smem:$0x3FA2] =	sst s2  }
0xb: {  	[smem:$0x3FA3] =	sst s3  }
0xc: {  	[smem:$0x3FA4] =	sst s4  }
0xd: {  	[smem:$0x3FA5] =	sst s5  }
0xe: {  	[smem:$0x3FA6] =	sst s6  }
0xf: {  	[smem:$0x3FA7] =	sst s7  }
0x10: {  	[smem:$0x3FA8] =	sst s8  }
0x11: {  	[smem:$0x3FA9] =	sst s9;
	s0 =	simm.s32 @!p0 $0x0  }
0x12: {  	s1 =	sld [smem:$0x3F8F];
	s0 =	simm.s32 @p0 $0x1  }
0x13: {  	[smem:$0x3FAA] =	sst s0;
	s0 =	simm.s32 @!p1 $0x0  }
0x14: {  	s2 =	sld [smem:$0x3F8E];
	s0 =	simm.s32 @p1 $0x1  }
0x15: {  	[smem:$0x3FAB] =	sst s0;
	s0 =	simm.s32 @!p2 $0x0  }
0x16: {  	s3 =	sld [smem:$0x3FDB];
	s0 =	simm.s32 @p2 $0x1  }
0x17: {  	s4 =	simm.s32 $0x1BF5;
	[smem:$0x3FAD] =	sst s0  }
0x18: {  	s0 =	sld [smem:$0x3F90];
	_ =	swait.ge [sflag:s4], $0x0  }
0x19: {  	s7 =	sld [smem:$0x3F91]  }
0x1a: {  	s8 =	sadd.s32 $0xFFFFE003, lr  }
0x1b: {  	s9 =	sadd.s32 $0xFFFFFEF7, lr;
	s5 =	simm.s32 $0xFFFFFFFF;
	p2 =	slt.u32 s8, $0xFFFFF086  }
0x1c: {  	p1 =	slt.u32 s9, $0xF7A;
	s5 =	simm.s32 @!p2 $0x0  }
0x1d: {  	s5 =	simm.s32 @p1 $0x1;
	p0 =	seq.s32 s7, s2  }
0x1e: {  	s7 =	smul.u32 @!p0 $0xF7A, s2;
	p2 =	seq.s32 @!p0 s5, $0x0  }
0x1f: {  	s9 =	smul.u32 $0xF7A, s1;
	s8 =	simm.s32 @!p0 $0x1BF5;
	p2 =	por !p2, p0  }
0x20: {  	[sflag:s8] =	ssyncset.s32 @!p0 $0xFFFFF086;
	s6 =	sadd.s32 @!p0 s3, s7;
	s7 =	simm.s32 @!p0 $0x108  }
0x21: {  	s3 =	sadd.s32 s3, s9;
	s6 =	sadd.s32 @!p0 $0x88, s6;
	s7 =	simm.s32 @p2 $0x1082  }
0x22: {  	[simem:s7], [sflag:s8] =	dma.local @!p0 [hbm:s6], $0xF7A  }
0x23: {  	s9 =	sor.u32 $0xD0000000, s2;
	s6 =	simm.s32 $0x108;
	_ =	swait.ge @!p0 [sflag:s8], $0x0  }
0x24: {  	s3 =	sadd.s32 $0x88, s3;
	s6 =	simm.s32 @!p1 $0x1082;
	[sflag:s4] =	ssyncset.s32 $0xFFFFF086  }
0x25: {  	[simem:s6], [sflag:s4] =	dma.local [hbm:s3], $0xF7A  }
0x26: {  	[smem:$0x3F91] =	sst s1;
	(tag) =	ssettag s2;
	_ =	strace s9  }
0x27: {  	s1 =	sld [smem:$0x3FA1]  }
0x28: {  	s2 =	sld [smem:$0x3FA2]  }
0x29: {  	s4 =	sld [smem:$0x3FA4]  }
0x2a: {  	p0 =	seq.s32 s5, $0x0;
	s5 =	sld [smem:$0x3FA5]  }
0x2b: {  	s6 =	sld [smem:$0x3FA6]  }
0x2c: {  	s7 =	sld [smem:$0x3FA7]  }
0x2d: {  	s3 =	simm.s32 $0x108;
	s8 =	sld [smem:$0x3FA8]  }
0x2e: {  	s3 =	simm.s32 @!p0 $0x1082;
	s9 =	sld [smem:$0x3FA9]  }
0x2f: {  	lr =	sadd.s32 s0, s3;
	s0 =	sld [smem:$0x3FA0]  }
0x30: {  	s3 =	sld [smem:$0x3FA3]  }
0x31: {  	[smem:$0x3FAC] =	sst s10  }
0x32: {  	s10 =	sld [smem:$0x3FAA];
	_ =	sdelay $0x3  }
0x33: {  	p0 =	seq.s32 s10, $0x1;
	s10 =	sld [smem:$0x3FAC];
	_ =	sdelay $0x3  }
0x34: {  	[smem:$0x3FAC] =	sst s10  }
0x35: {  	s10 =	sld [smem:$0x3FAB];
	_ =	sdelay $0x3  }
0x36: {  	p1 =	seq.s32 s10, $0x1;
	s10 =	sld [smem:$0x3FAC];
	_ =	sdelay $0x3  }
0x37: {  	[smem:$0x3FAC] =	sst s10  }
0x38: {  	s10 =	sld [smem:$0x3FAD]  }
0x39: {  	_ = 	snop;
	(pc) =	sbr.ind lr, $3  }
0x3a: {  	_ = 	snop  }
0x3b: {  	_ = 	snop  }
0x3c: {  	p2 =	seq.s32 s10, $0x1;
	s10 =	sld [smem:$0x3FAC]  }
0x3d: {  	_ =	shalt  }
0x3e: {  	_ =	shalt  }
0x3f: {  	_ =	shalt  }
0x40: {  	_ =	shalt  }
0x41: {  	_ =	shalt  }
0x42: {  	_ =	shalt  }
0x43: {  	_ =	shalt  }
0x44: {  	_ =	shalt  }
0x45: {  	_ =	shalt  }
0x46: {  	_ =	shalt  }
0x47: {  	_ =	shalt  }
0x48: {  	_ =	shalt  }
0x49: {  	_ =	shalt  }
0x4a: {  	_ =	shalt  }
0x4b: {  	_ =	shalt  }
0x4c: {  	_ =	shalt  }
0x4d: {  	_ =	shalt  }
0x4e: {  	_ =	shalt  }
0x4f: {  	_ =	shalt  }
0x50: {  	_ =	shalt  }
0x51: {  	_ =	shalt  }
0x52: {  	_ =	shalt  }
0x53: {  	_ =	shalt  }
0x54: {  	_ =	shalt  }
0x55: {  	_ =	shalt  }
0x56: {  	_ =	shalt  }
0x57: {  	_ =	shalt  }
0x58: {  	_ =	shalt  }
0x59: {  	_ =	shalt  }
0x5a: {  	_ =	shalt  }
0x5b: {  	_ =	shalt  }
0x5c: {  	_ =	shalt  }
0x5d: {  	_ =	shalt  }
0x5e: {  	_ =	shalt  }
0x5f: {  	_ =	shalt  }
0x60: {  	_ =	shalt  }
0x61: {  	_ =	shalt  }
0x62: {  	_ =	shalt  }
0x63: {  	_ =	shalt  }
0x64: {  	_ =	shalt  }
0x65: {  	_ =	shalt  }
0x66: {  	_ =	shalt  }
0x67: {  	_ =	shalt  }
0x68: {  	_ =	shalt  }
0x69: {  	_ =	shalt  }
0x6a: {  	_ =	shalt  }
0x6b: {  	_ =	shalt  }
0x6c: {  	_ =	shalt  }
0x6d: {  	_ =	shalt  }
0x6e: {  	_ =	shalt  }
0x6f: {  	_ =	shalt  }
0x70: {  	_ =	shalt  }
0x71: {  	_ =	shalt  }
0x72: {  	_ =	shalt  }
0x73: {  	_ =	shalt  }
0x74: {  	_ =	shalt  }
0x75: {  	_ =	shalt  }
0x76: {  	_ =	shalt  }
0x77: {  	_ =	shalt  }
0x78: {  	_ =	shalt  }
0x79: {  	_ =	shalt  }
0x7a: {  	_ =	shalt  }
0x7b: {  	_ =	shalt  }
0x7c: {  	_ =	shalt  }
0x7d: {  	_ =	shalt  }
0x7e: {  	_ =	shalt  }
0x7f: {  	_ =	shalt  }
0x80: {  	_ =	shalt  }
0x81: {  	_ =	shalt  }
0x82: {  	_ =	shalt  }
0x83: {  	_ =	shalt  }
0x84: {  	_ =	shalt  }
0x85: {  	_ =	shalt  }
0x86: {  	_ =	shalt  }
0x87: {  	_ =	shalt  }
.Lfunc_end0:
.L_simem_size_0:
called_computation_lowered:
.L_overlay_start_0:
0x88: {  	s2 =	sld [smem:$0x3FD9]  }
0x89: {  	s3 =	sld [smem:$0x3FFE];
	_ =	sdelay $0x1  }
0x8a: {  	s1 =	srdreg.scid  }
0x8b: {  	s0 =	sand.u32 $0x1, s1  }
0x8c: {  	s17 =	sshll.u32 s0, $0xA;
	s2 =	sadd.s32 s3, s2  }
0x8d: {  	s2 =	sadd.s32 s2, s17  }
0x8e: {  	[smem:$0x3FB8] =	sst s2  }
0x8f: {  	_ = 	snop  }
0x90: {  	s2 =	sld [smem:$0x3FD0];
	(tm) =	ssettm $0x1  }
0x91: {  	s18 =	sld [smem:$0x3FFB];
	_ =	sdelay $0x3  }
0x92: {  	_ =	strace s18  }
0x93: {  	s3 =	sld [smem:$0x3FFC];
	_ =	sdelay $0x3  }
0x94: {  	_ =	strace s3  }
0x95: {  	s3 =	sld [smem:$0x3FFD];
	_ =	sdelay $0x3  }
0x96: {  	_ =	strace s3  }
0x97: {  	_ =	strace $0x8FFFFFFF  }
0x98: {  	s19 =	sld [smem:$0x3FDB];
	_ =	sdelay $0x1  }
0x99: {  	s4 =	simm.s32 $_scs_section_size  }
0x9a: {  	s5 =	simm.s32 $_size__tile_overlayer_lowered;
	s6 =	simm.s32 $_tile_overlayer_lowered  }
0x9b: {  	s22 =	simm.s32 $0x1BFF;
	s21 =	sshll.u32 s6, $0x1;
	s3 =	sadd.s32 s4, s19  }
0x9c: {  	s7 =	simm.s32 $0x0;
	s20 =	sshll.u32 s5, $0x1;
	s5 =	sadd.s32 s21, s3  }
0x9d: {  	[timem:s7], [sflag:s22] =	dma.local [hbm:s5], s20  }
0x9e: {  	_ =	swait.ge [sflag:s22], s20  }
0x9f: {  	s4 =	ssub.s32 $0x0, s20;
	[sflag:s22] =	ssyncset.done $0x0  }
0xa0: {  	[sflag:s22] =	ssyncadd.s32 s4;
	_ =	sdelay $0x1  }
0xa1: {  	s23 =	simm.s32 $0x1B8B  }
0xa2: {  	_ =	swait.ge [sflag:s23], $0x1  }
0xa3: {  	[sflag:s23] =	ssyncset.done $0x0  }
0xa4: {  	s25 =	simm.s32 $0x1B8E;
	s24 =	sld [smem:$0x3FFE];
	[sflag:s23] =	ssyncadd.s32 $0xFFFFFFFF  }
0xa5: {  	s26 =	simm.s32 $execute0_lowered;
	[smem:$0x3FD2] =	sst s25  }
0xa6: {  	s5 =	sshll.u32 s26, $0x1;
	_ =	strace $0x80000046;
	[dreg:$0x1] =	wrdreg $0xFFFFFFFF  }
0xa7: {  	s28 =	simm.s32 $_size_execute0_lowered;
	s3 =	sadd.s32 s3, s5;
	[dreg:$0x0] =	wrdreg $0x0  }
0xa8: {  	s5 =	sshll.u32 s28, $0x1;
	[dreg:$0x2] =	wrdreg s3  }
0xa9: {  	[dreg:$0x3] =	wrdreg s5  }
0xaa: {  	[dreg:$0x4] =	wrdreg $0xC0  }
0xab: {  	_ =	task [dreg:s7], $0x5FFFF  }
0xac: {  	[dreg:$0x1] =	wrdreg $0xFFFFFFFF  }
0xad: {  	[dreg:$0x0] =	wrdreg $0x60  }
0xae: {  	[dreg:$0x2] =	wrdreg s24  }
0xaf: {  	[dreg:$0x3] =	wrdreg s2  }
0xb0: {  	[dreg:$0x4] =	wrdreg $0x50000  }
0xb1: {  	[dreg:$0x5] =	wrdreg $0x9  }
0xb2: {  	_ =	task.clear_ibuf [dreg:s7], $0x6FFFF;
	_ =	strace $0x90000046  }
0xb3: {  	s29 =	simm.s32 $0x9;
	_ =	strace $0x80000048  }
0xb4: {  	_ =	swait.ge [sflag:s29], $0x1  }
0xb5: {  	[sflag:s29] =	ssyncadd.s32 $0xFFFFFFFF  }
0xb6: {  	_ =	strace $0x90000048  }
0xb7: {  	_ =	sfence  }
0xb8: {  	s30 =	sld [smem:$0x0];
	_ =	sdelay $0x2  }
0xb9: {  	s31 =	sshll.u32 s1, $0xD;
	s1 =	sshrl.u32 s1, $0x2  }
0xba: {  	s3 =	sand.u32 $0x4000, s31;
	s1 =	sadd.s32 s1, s30  }
0xbb: {  	s0 =	sor.u32 s3, s0;
	s1 =	sshll.u32 s1, $0x11  }
0xbc: {  	s0 =	sor.u32 s1, s0  }
0xbd: {  	s0 =	sadd.s32 $0x8F2B, s0  }
0xbe: {  	[sflag:s0] =	ssyncadd.remote.s32 $0x1  }
0xbf: {  	_ =	sfence.sel $0xFFFF  }
0xc0: {  	[dreg:$0x0] =	wrdreg $0xFFFFFFFF;
	(pc) =	sbr.abs _section_cstart, $3  }
0xc1: {  	[dreg:$0x1] =	wrdreg $0xFFFFFFFF  }
0xc2: {  	_ =	task.clear_ibuf [dreg:s7], $0x2FFFF;
	_ =	strace $0x9FFFFFFF  }
0xc3: {  	(tm) =	ssettm $0x7FFFFFFF  }
tec
execute0_lowered:
.L_overlay_start_1:
0x0: {  	(tag) =	ssettag $0x1  }
0x1: {  	s3 =	rddreg [dreg:$0x0]  }
0x2: {  	s0 =	srdreg.scid;
	s4 =	rddreg [dreg:$0x1]  }
0x3: {  	s6 =	stileid.u32;
	s1 =	rddreg [dreg:$0x2]  }
0x4: {  	s2 =	simm.s32 $0x0;
	s5 =	sand.u32 $0x1, s0;
	s0 =	rddreg [dreg:$0x3]  }
0x5: {  	s9 =	simm.s32 $0x2800;
	s30 =	sshll.u32 s6, $0x1;
	[smem:$0x7FF] =	sst s2  }
0x6: {  	s7 =	sor.u32 s5, s30;
	s8 =	ssub.s32 $0x2, s5;
	s5 =	smul.u32 $0x4E2, s5  }
0x7: {  	p0 =	sne.s32 s6, $0x0;
	s6 =	simm.s32 $0x2880;
	s7 =	smul.u32 $0x500, s7  }
0x8: {  	_ =	strace $0x80000047;
	s31 =	sshrl.u32 s8, $0x1;
	s4 =	sadd.s32 s4, s5  }
0x9: {  	s3 =	sadd.s32 s7, s3;
	s7 =	ssub.s32 s8, s31;
	s8 =	simm.s32 $0x80  }
0xa: {  	v0 =	vimm.f32 $0.0e+00;
	v1 =	vimm.f32 $1.000000000e+00;
	s3 =	sadd.s32 $0x3800, s3;
	s5 =	smax.u32 s7, $0x1;
	s7 =	simm.s32 $0x1  }
.LBB2_1:
.Ltmp0:
0xb: {  	(pc) =	sbr.rel @p0 .LBB2_5-.Ltmp0, $1  }
0xc: {  	_ =	sdelay $0x3  }
0xd: {  	s10 =	simm.s32 $0x40;
	s11 =	simm.s32 $0x0  }
.LBB2_3:
0xe: {  	p1 =	sne.s32 s10, $0x9DC0;
	[tilespmem:s11+$0x2880] =	vst v0;
	s11 =	smov.u32 s10;
	s10 =	sadd.s32 $0x40, s10  }
.Ltmp1:
0xf: {  	(pc) =	sbr.rel @p1 .LBB2_3-.Ltmp1, $2  }
0x10: {  	_ =	sdelay $0x2  }
0x11: {  	s11 =	sshra.s32 s11, $0x2  }
0x12: {  	[tilespmem:s11+$0x2880] =	vst v0  }
0x13: {  	[spmem:s1] =	stream.linear.scatter [tilespmem:s6], [sflag:$0x1], $0x2780, $0x38;
	[tilespmem:$0x5278] =	vst v63  }
0x14: {  	_ =	swait.ge [sflag:s7], $0x2780  }
0x15: {  	[sflag:s7] =	ssyncset.done $0x0  }
0x16: {  	[sflag:s7] =	ssyncadd.s32 $0xFFFFD880  }
.LBB2_5:
0x17: {  	[bflag:$0x0] =	sbarrier.arrive $0xFFFF;
	s10 =	simm.s32 $0x0  }
0x18: {  	[tilespmem:s10], [sflag:$0x1] =	stream.linear.gather [hbm4b:s3+s10], $0x2780, $0x38;
	[tilespmem:$0x5278] =	vst v63  }
0x19: {  	_ =	swait.ge [sflag:s7], $0x2780  }
0x1a: {  	[sflag:s7] =	ssyncset.done $0x0  }
0x1b: {  	[sflag:s7] =	ssyncadd.s32 $0xFFFFD880  }
0x1c: {  	[tilespmem:$0x2800] =	vst v1  }
0x1d: {  	[tilespmem:$0x2810] =	vst v1  }
0x1e: {  	[tilespmem:$0x2820] =	vst v1  }
0x1f: {  	[tilespmem:$0x2830] =	vst v1  }
0x20: {  	[tilespmem:$0x2840] =	vst v1  }
0x21: {  	[tilespmem:$0x2850] =	vst v1  }
0x22: {  	[tilespmem:$0x2860] =	vst v1  }
0x23: {  	s31 =	simm.s32 $0x0;
	[tilespmem:$0x2870] =	vst v1  }
0x24: {  	[spmem:s1] =	stream.indirect.scatter.add.f32 [tilespmem:s9], [sflag:$0x1], $0x1, s31, s8, $0xb8;
	[tilespmem:$0x5278] =	vst v63  }
0x25: {  	_ =	swait.ge [sflag:s7], $0x80  }
0x26: {  	s10 =	simm.s32 $0x200;
	[sflag:s7] =	ssyncset.done $0x0  }
.LBB2_6:
0x27: {  	s11 =	sshra.s32 s10, $0x2;
	[sflag:s7] =	ssyncadd.s32 $0xFFFFFF80;
	p1 =	sne.s32 s10, $0x9C00  }
0x28: {  	[spmem:s1] =	stream.indirect.scatter.add.f32 [tilespmem:s9], [sflag:$0x1], $0x1, s11, s8, $0xb8;
	[tilespmem:$0x5278] =	vst v63  }
.Ltmp2:
0x29: {  	_ = 	snop;
	(pc) =	sbr.rel @p1 .LBB2_6-.Ltmp2, $4  }
0x2a: {  	_ = 	snop  }
0x2b: {  	s10 =	sadd.s32 $0x200, s10  }
0x2c: {  	_ =	swait.ge [sflag:s7], $0x80  }
0x2d: {  	[sflag:s7] =	ssyncset.done $0x0  }
0x2e: {  	[sflag:s7] =	ssyncadd.s32 $0xFFFFFF80  }
0x2f: {  	s10 =	simm.s32 @!p0 $0x2880;
	s11 =	simm.s32 @!p0 $0x1;
	[bflag:$0x0] =	sbarrier.arrive $0xFFFF  }
0x30: {  	[tilespmem:s10], [sflag:$0x1] =	stream.linear.gather @!p0 [spmem:s1], $0x2710, $0x38;
	[tilespmem:$0x5278] =	vst v63  }
0x31: {  	s2 =	sadd.s32 $0x1, s2;
	_ =	swait.ge @!p0 [sflag:s11], $0x2710  }
0x32: {  	p1 =	sne.s32 s2, s5;
	[sflag:s11] =	ssyncset.done @!p0 $0x0  }
.Ltmp3:
0x33: {  	s12 =	simm.s32 @!p0 $0x0;
	[sflag:s11] =	ssyncadd.s32 @!p0 $0xFFFFD8F0;
	(pc) =	sbr.rel @p1 .LBB2_1-.Ltmp3, $4  }
0x34: {  	[hbm4b:s4+s12] =	stream.linear.scatter @!p0 [tilespmem:s10], [sflag:$0x1], $0x2710, $0x38;
	[tilespmem:$0x5278] =	vst v63  }
0x35: {  	_ =	swait.ge @!p0 [sflag:s11], $0x2710  }
0x36: {  	[sflag:s11] =	ssyncset.done @!p0 $0x0  }
0x37: {  	[sflag:s11] =	ssyncadd.s32 @!p0 $0xFFFFD8F0  }
0x38: {  	_ =	sfence.sel $0x180000  }
0x39: {  	[bflag:$0x0] =	sbarrier.arrive $0xFFFF  }
0x3a: {  	_ =	strace $0x90000047  }
0x3b: {  	s0 =	sadd.s32 @!p0 $0x100000, s0;
	[bflag:$0x2] =	sbarrier.arrive $0xFFFF  }
0x3c: {  	[sflag:s0] =	ssyncadd.tile.s32 @!p0 $0x1;
	_ =	shalt  }
.Lfunc_end2:
_tile_overlayer_lowered:
.L_overlay_start_2:
0x3d: {  	(tag) =	ssettag $0x2  }
0x3e: {  	s0 =	rddreg [dreg:$0x0];
	s2 =	stileid.u32  }
0x3f: {  	s1 =	rddreg [dreg:$0x1];
	p0 =	sne.s32 s2, $0x0  }
0x40: {  	s3 =	rddreg [dreg:$0x2];
	[bflag:$0x3] =	sbarrier.arrive $0xFFFF;
	s2 =	simm.s32 @!p0 $0x1C01  }
0x41: {  	[timem:s3], [sflag:s2] =	dma.local @!p0 [hbm:s0], s1  }
0x42: {  	s0 =	simm.s32 @!p0 $0x1  }
0x43: {  	_ =	swait.ge @!p0 [sflag:s0], s1  }
0x44: {  	s1 =	ssub.s32 @!p0 $0x0, s1;
	[sflag:s0] =	ssyncset.done @!p0 $0x0  }
0x45: {  	[sflag:s0] =	ssyncadd.s32 @!p0 s1  }
0x46: {  	[bflag:$0x3] =	sbarrier.arrive $0xFFFF  }
0x47: {  	_ =	shalt  }

</sc_bundles>
